<compile_context>
chip_gen: v7x
topology: tpu7x:2x2x1
jax: 0.10.2.dev20260603
libtpu: 0.0.44.dev20260713+nightly
codegen_flags: <defaults>
</compile_context>

<pallas_src>
import jax
import jax.numpy as jnp
from jax import lax
from jax.experimental import pallas as pl
from jax.experimental.pallas import tpu as pltpu
from jax.experimental.pallas import tpu_sc as plsc

N = 10000
F = 128
NC, NS = 2, 16
NW = NC * NS
NPAD = 10240
RPW = NPAD // NS
CH = 80
E = 320000
EPW = E // NW
CPW = EPW // CH

_MESH = plsc.VectorSubcoreMesh(core_axis_name="c", subcore_axis_name="s")


DQ = 8


def _deg_body(dst_hbm, out_hbm, dst_v, ones_v, zvec_v, cnt_sh, ssem):
    c = lax.axis_index("c")
    s = lax.axis_index("s")
    w = s * NC + c
    one16 = jnp.full((16,), 1.0, jnp.float32)
    zero16 = jnp.zeros((16,), jnp.float32)
    for k in range(CH // 16):
        ones_v[pl.ds(k * 16, 16)] = one16

    def zb(i, carry):
        zvec_v[pl.ds(i * 16, 16)] = zero16
        return carry

    lax.fori_loop(0, RPW // 16, zb, 0)
    pltpu.sync_copy(zvec_v, cnt_sh.at[pl.ds(s * RPW, RPW)])
    pltpu.sync_copy(dst_hbm.at[w], dst_v)
    plsc.subcore_barrier()

    for k in range(DQ):
        pltpu.async_copy(ones_v, cnt_sh.at[dst_v.at[k]], ssem, add=True)

    def body(j, carry):
        pltpu.make_async_copy(ones_v, cnt_sh.at[dst_v.at[0]], ssem).wait()
        pltpu.async_copy(ones_v, cnt_sh.at[dst_v.at[j + DQ]], ssem, add=True)
        return carry

    lax.fori_loop(0, CPW - DQ, body, 0)
    for k in range(DQ):
        pltpu.make_async_copy(ones_v, cnt_sh.at[dst_v.at[0]], ssem).wait()
    plsc.subcore_barrier()
    pltpu.sync_copy(cnt_sh.at[pl.ds(s * RPW, RPW)],
                    out_hbm.at[c, pl.ds(s * RPW, RPW)])


_deg = pl.kernel(
    _deg_body,
    mesh=_MESH,
    out_type=jax.ShapeDtypeStruct((NC, NPAD), jnp.float32),
    scratch_types=[
        pltpu.VMEM((CPW, CH), jnp.int32),
        pltpu.VMEM((CH,), jnp.float32),
        pltpu.VMEM((RPW,), jnp.float32),
        pltpu.VMEM_SHARED((NPAD,), jnp.float32),
        pltpu.SemaphoreType.DMA,
    ],
)


NB = 4


def _agg_body(tab_hbm, src_hbm, dst_hbm, out_hbm, *rest):
    svs = rest[:NB]
    dvs = rest[NB:2 * NB]
    msgs = rest[2 * NB:3 * NB]
    agg_sh = rest[3 * NB]
    isems = rest[3 * NB + 1:3 * NB + 1 + NB]
    gsems = rest[3 * NB + 1 + NB:]
    c = lax.axis_index("c")
    s = lax.axis_index("s")
    w = s * NC + c
    base = w * EPW
    zero16 = jnp.zeros((16,), jnp.float32)

    def zrow(i, carry):
        for k in range(F // 16):
            msgs[0][i, pl.ds(k * 16, 16)] = zero16
        return carry

    lax.fori_loop(0, CH, zrow, 0)
    for t in range(RPW // CH):
        pltpu.sync_copy(msgs[0], agg_sh.at[pl.ds(s * RPW + t * CH, CH)])
    plsc.subcore_barrier()

    def load_idx(j, k, sem):
        pltpu.async_copy(src_hbm.at[pl.ds(base + j * CH, CH)], svs[k], sem)
        pltpu.async_copy(dst_hbm.at[pl.ds(base + j * CH, CH)], dvs[k], sem)

    def wait_idx(k, sem):
        pltpu.make_async_copy(src_hbm.at[pl.ds(0, CH)], svs[k], sem).wait()
        pltpu.make_async_copy(dst_hbm.at[pl.ds(0, CH)], dvs[k], sem).wait()

    for k in range(NB - 1):
        pltpu.sync_copy(src_hbm.at[pl.ds(base + k * CH, CH)], svs[k])
        pltpu.sync_copy(dst_hbm.at[pl.ds(base + k * CH, CH)], dvs[k])
    load_idx(NB - 1, NB - 1, isems[NB - 1])
    for k in range(NB - 1):
        pltpu.async_copy(tab_hbm.at[svs[k]], msgs[k], gsems[k])

    def chunk_step(j, u):
        p = (u + NB - 1) % NB
        pltpu.make_async_copy(tab_hbm.at[svs[u]], msgs[u], gsems[u]).wait()
        pltpu.sync_copy(msgs[u], agg_sh.at[dvs[u]], add=True)
        load_idx((j + NB) % CPW, u, isems[u])
        wait_idx(p, isems[p])
        pltpu.async_copy(tab_hbm.at[svs[p]], msgs[p], gsems[p])

    def body(t, carry):
        for u in range(NB):
            chunk_step(NB * t + u, u)
        return carry

    nfull = CPW // NB
    lax.fori_loop(0, nfull, body, 0)
    for u in range(CPW % NB):
        chunk_step(NB * nfull + u, u)
    for i in range(1, NB):
        k = (CPW - 1 + i) % NB
        pltpu.make_async_copy(tab_hbm.at[svs[k]], msgs[k], gsems[k]).wait()
    wait_idx((CPW - 1) % NB, isems[(CPW - 1) % NB])
    plsc.subcore_barrier()
    pltpu.sync_copy(agg_sh.at[pl.ds(s * RPW, RPW)],
                    out_hbm.at[c, pl.ds(s * RPW, RPW)])


_agg = pl.kernel(
    _agg_body,
    mesh=_MESH,
    out_type=jax.ShapeDtypeStruct((NC, NPAD, F), jnp.float32),
    scratch_types=(
        [pltpu.VMEM((CH,), jnp.int32) for _ in range(2 * NB)]
        + [pltpu.VMEM((CH, F), jnp.float32) for _ in range(NB)]
        + [pltpu.VMEM_SHARED((NPAD, F), jnp.float32)]
        + [pltpu.SemaphoreType.DMA for _ in range(2 * NB)]
    ),
)

_RB = 1000


def _tc1_body(cnt_ref, x_ref, dinv_ref, xs_ref):
    cnt = cnt_ref[...]
    d = lax.rsqrt(cnt[:, 0:1] + cnt[:, 1:2] + 1.0)
    dinv_ref[...] = d
    xs_ref[...] = x_ref[...] * d


def _tc1(cnt_col, x):
    return pl.pallas_call(
        _tc1_body,
        grid=(N // _RB,),
        in_specs=[
            pl.BlockSpec((_RB, 2), lambda i: (i, 0)),
            pl.BlockSpec((_RB, F), lambda i: (i, 0)),
        ],
        out_specs=[
            pl.BlockSpec((_RB, 1), lambda i: (i, 0)),
            pl.BlockSpec((_RB, F), lambda i: (i, 0)),
        ],
        out_shape=[
            jax.ShapeDtypeStruct((N, 1), jnp.float32),
            jax.ShapeDtypeStruct((NPAD, F), jnp.float32),
        ],
    )(cnt_col, x)


def _tc2_body(dinv_ref, xs_ref, agg_ref, W1_ref, b1_ref, W2_ref, h2s_ref):
    d = dinv_ref[...]
    s1 = d * (agg_ref[0] + agg_ref[1] + xs_ref[...])
    h1 = jnp.dot(s1, W1_ref[...], preferred_element_type=jnp.float32)
    h1 = jnp.maximum(h1 + b1_ref[...], 0.0)
    h2s_ref[...] = d * jnp.dot(h1, W2_ref[...],
                               preferred_element_type=jnp.float32)


def _tc2(dinv, xs, agg1, W1, b1r, W2):
    return pl.pallas_call(
        _tc2_body,
        grid=(N // _RB,),
        in_specs=[
            pl.BlockSpec((_RB, 1), lambda i: (i, 0)),
            pl.BlockSpec((_RB, F), lambda i: (i, 0)),
            pl.BlockSpec((NC, _RB, F), lambda i: (0, i, 0)),
            pl.BlockSpec((F, 256), lambda i: (0, 0)),
            pl.BlockSpec((1, 256), lambda i: (0, 0)),
            pl.BlockSpec((256, F), lambda i: (0, 0)),
        ],
        out_specs=pl.BlockSpec((_RB, F), lambda i: (i, 0)),
        out_shape=jax.ShapeDtypeStruct((NPAD, F), jnp.float32),
    )(dinv, xs, agg1, W1, b1r, W2)


def _tc3_body(dinv_ref, h2s_ref, agg_ref, b2_ref, W3_ref, b3_ref, out_ref):
    d = dinv_ref[...]
    s2 = d * (agg_ref[0] + agg_ref[1] + h2s_ref[...]) + b2_ref[...]
    h2 = jnp.where(s2 >= 0, s2, 0.01 * s2)
    out_ref[...] = jnp.dot(h2, W3_ref[...],
                           preferred_element_type=jnp.float32) + b3_ref[...]


def _tc3(dinv, h2s, agg2, b2r, W3p, b3p):
    return pl.pallas_call(
        _tc3_body,
        grid=(N // _RB,),
        in_specs=[
            pl.BlockSpec((_RB, 1), lambda i: (i, 0)),
            pl.BlockSpec((_RB, F), lambda i: (i, 0)),
            pl.BlockSpec((NC, _RB, F), lambda i: (0, i, 0)),
            pl.BlockSpec((1, F), lambda i: (0, 0)),
            pl.BlockSpec((F, 8), lambda i: (0, 0)),
            pl.BlockSpec((1, 8), lambda i: (0, 0)),
        ],
        out_specs=pl.BlockSpec((_RB, 8), lambda i: (i, 0)),
        out_shape=jax.ShapeDtypeStruct((N, 8), jnp.float32),
    )(dinv, h2s, agg2, b2r, W3p, b3p)


def kernel(x, edge_index, W1, b1, W2, b2, W3, b3):
    ei = edge_index.astype(jnp.int32)
    dst3 = ei[1].reshape(NW, CPW, CH)

    cnt2 = _deg(dst3)
    cnt_col = cnt2[:, :N].T
    dinv, xs = _tc1(cnt_col, x)

    agg1 = _agg(xs, ei[0], ei[1])
    h2s = _tc2(dinv, xs, agg1, W1, b1.reshape(1, -1), W2)

    agg2 = _agg(h2s, ei[0], ei[1])
    W3p = jnp.pad(W3, ((0, 0), (0, 1)))
    b3p = jnp.pad(b3, (0, 1)).reshape(1, -1)
    out8 = _tc3(dinv, h2s, agg2, b2.reshape(1, -1), W3p, b3p)
    return out8[:, :7]

# --- scband reference (transcript-rebuilt; emitter-appended) ---
"""Pipeline reference for scband-gcn-55207509623327 (READ-ONLY COPY).

The authoritative reference and input builder live on the scoring server;
editing this copy changes nothing except your own understanding.
"""

import jax, jax.numpy as jnp
import numpy as np

N_NODES = 10000


def gcn_conv(x, edge_index, W, b):
    n = x.shape[0]
    src = edge_index[0]
    dst = edge_index[1]
    # add self loops (fill value 1.0, improved=False)
    loop = jnp.arange(n, dtype=edge_index.dtype)
    src2 = jnp.concatenate([src, loop])
    dst2 = jnp.concatenate([dst, loop])
    ew = jnp.ones(src2.shape[0], dtype=x.dtype)
    # symmetric normalization: D^-1/2 A_hat D^-1/2
    deg = jnp.zeros(n, dtype=x.dtype).at[dst2].add(ew)
    deg_inv_sqrt = jnp.where(deg > 0, deg ** -0.5, 0.0)
    norm = deg_inv_sqrt[src2] * ew * deg_inv_sqrt[dst2]
    h = x @ W
    msg = h[src2] * norm[:, None]
    out = jnp.zeros((n, W.shape[1]), dtype=x.dtype).at[dst2].add(msg)
    return out + b


def setup_inputs(seed: int = 0) -> dict:
    key = jax.random.key(seed)
    ks = jax.random.split(key, 8)
    x = jax.random.normal(ks[0], (N_NODES, 128), dtype=jnp.float32)
    edge_index = jax.random.randint(ks[1], (2, 320000), 0, N_NODES, dtype=jnp.int64)
    W1 = jax.random.normal(ks[2], (128, 256), dtype=jnp.float32) * (1.0 / np.sqrt(128))
    b1 = jnp.zeros((256,), dtype=jnp.float32)
    W2 = jax.random.normal(ks[3], (256, 128), dtype=jnp.float32) * (1.0 / np.sqrt(256))
    b2 = jnp.zeros((128,), dtype=jnp.float32)
    W3 = jax.random.normal(ks[4], (128, 7), dtype=jnp.float32) * (1.0 / np.sqrt(128))
    b3 = jnp.zeros((7,), dtype=jnp.float32)
    return {"x": x, "edge_index": edge_index, "W1": W1, "b1": b1, "W2": W2, "b2": b2, "W3": W3, "b3": b3}


def reference(x, edge_index, W1, b1, W2, b2, W3, b3):
    # eval mode: all dropouts are identity
    h = gcn_conv(x, edge_index, W1, b1)
    h = jax.nn.relu(h)
    h = gcn_conv(h, edge_index, W2, b2)
    h = jax.nn.leaky_relu(h, negative_slope=0.01)
    out = h @ W3 + b3
    return out

if __name__ == "__main__":
    import jax
    _d = setup_inputs()
    print(jax.jit(kernel)(*tuple(_d.values())))

</pallas_src>

<mosaic_0001>
#map = affine_map<(d0, d1) -> (0, 0)>
#map1 = affine_map<(d0, d1) -> (0)>
#map2 = affine_map<(d0, d1) -> (0, 0, 0)>
module attributes {stable_mosaic.version = 14 : i64} {
  func.func @_agg_body(%arg0: i32, %arg1: i32, %arg2: memref<10240x128xf32, #tpu.memory_space<hbm>>, %arg3: memref<320000xi32, #tpu.memory_space<hbm>>, %arg4: memref<320000xi32, #tpu.memory_space<hbm>>, %arg5: memref<2x10240x128xf32, #tpu.memory_space<hbm>>, %arg6: memref<80xi32, #tpu.memory_space<vmem>>, %arg7: memref<80xi32, #tpu.memory_space<vmem>>, %arg8: memref<80xi32, #tpu.memory_space<vmem>>, %arg9: memref<80xi32, #tpu.memory_space<vmem>>, %arg10: memref<80xi32, #tpu.memory_space<vmem>>, %arg11: memref<80xi32, #tpu.memory_space<vmem>>, %arg12: memref<80xi32, #tpu.memory_space<vmem>>, %arg13: memref<80xi32, #tpu.memory_space<vmem>>, %arg14: memref<80x128xf32, #tpu.memory_space<vmem>>, %arg15: memref<80x128xf32, #tpu.memory_space<vmem>>, %arg16: memref<80x128xf32, #tpu.memory_space<vmem>>, %arg17: memref<80x128xf32, #tpu.memory_space<vmem>>, %arg18: memref<10240x128xf32, #tpu.memory_space<vmem_shared>>, %arg19: memref<!tpu.dma_semaphore, #tpu.memory_space<semaphore_mem>>, %arg20: memref<!tpu.dma_semaphore, #tpu.memory_space<semaphore_mem>>, %arg21: memref<!tpu.dma_semaphore, #tpu.memory_space<semaphore_mem>>, %arg22: memref<!tpu.dma_semaphore, #tpu.memory_space<semaphore_mem>>, %arg23: memref<!tpu.dma_semaphore, #tpu.memory_space<semaphore_mem>>, %arg24: memref<!tpu.dma_semaphore, #tpu.memory_space<semaphore_mem>>, %arg25: memref<!tpu.dma_semaphore, #tpu.memory_space<semaphore_mem>>, %arg26: memref<!tpu.dma_semaphore, #tpu.memory_space<semaphore_mem>>) attributes {dimension_semantics = [#tpu.dimension_semantics<core_parallel>, #tpu.dimension_semantics<subcore_parallel>], iteration_bounds = array<i64: 2, 16>, scalar_prefetch = 0 : i64, scratch_operands = 21 : i64, tpu.core_type = #tpu.core_type<sc_vector_subcore>, window_params = [{transform_indices = #map}, {transform_indices = #map1}, {transform_indices = #map1}, {transform_indices = #map2}]} {
    %mul3A = arith.constant 2 : i32
    %mul3A_0 = arith.muli %arg1, %mul3A : i32
    %add3A = arith.addi %mul3A_0, %arg0 : i32
    %mul3A_1 = arith.constant 10000 : i32
    %mul3A_2 = arith.muli %add3A, %mul3A_1 : i32
    %broadcast_in_dim3A = arith.constant 0.000000e+00 : f32
    %broadcast_in_dim3A_3 = vector.broadcast %broadcast_in_dim3A : f32 to vector<16xf32>
    %scan3A = arith.constant 0 : i32
    %scan3A_4 = arith.constant 0 : i32
    %scan3A_5 = arith.constant 80 : i32
    %scan3A_6 = arith.addi %scan3A_4, %scan3A_5 : i32
    %scan3A_7 = arith.constant 1 : i32
    scf.for %scan3A_118 = %scan3A_4 to %scan3A_6 step %scan3A_7  : i32 {
      %swap3A = arith.index_cast %scan3A_118 : i32 to index
      %swap3A_119 = arith.constant 0 : index
      %swap3A_120 = tpu.vector_load %arg14[%swap3A, %swap3A_119] {strides = array<i32>} : memref<80x128xf32, #tpu.memory_space<vmem>>, vector<1x16xf32>,
      %swap3A_121 = vector.shape_cast %swap3A_120 : vector<1x16xf32> to vector<16xf32>
      %swap3A_122 = vector.shape_cast %broadcast_in_dim3A_3 : vector<16xf32> to vector<1x16xf32>
      tpu.vector_store %arg14[%swap3A, %swap3A_119], %swap3A_122 {strides = array<i32>} : memref<80x128xf32, #tpu.memory_space<vmem>>, vector<1x16xf32>,
      %swap3A_123 = arith.index_cast %scan3A_118 : i32 to index
      %swap3A_124 = arith.constant 16 : index
      %swap3A_125 = tpu.vector_load %arg14[%swap3A_123, %swap3A_124] {strides = array<i32>} : memref<80x128xf32, #tpu.memory_space<vmem>>, vector<1x16xf32>,
      %swap3A_126 = vector.shape_cast %swap3A_125 : vector<1x16xf32> to vector<16xf32>
      %swap3A_127 = vector.shape_cast %broadcast_in_dim3A_3 : vector<16xf32> to vector<1x16xf32>
      tpu.vector_store %arg14[%swap3A_123, %swap3A_124], %swap3A_127 {strides = array<i32>} : memref<80x128xf32, #tpu.memory_space<vmem>>, vector<1x16xf32>,
      %swap3A_128 = arith.index_cast %scan3A_118 : i32 to index
      %swap3A_129 = arith.constant 32 : index
      %swap3A_130 = tpu.vector_load %arg14[%swap3A_128, %swap3A_129] {strides = array<i32>} : memref<80x128xf32, #tpu.memory_space<vmem>>, vector<1x16xf32>,
      %swap3A_131 = vector.shape_cast %swap3A_130 : vector<1x16xf32> to vector<16xf32>
      %swap3A_132 = vector.shape_cast %broadcast_in_dim3A_3 : vector<16xf32> to vector<1x16xf32>
      tpu.vector_store %arg14[%swap3A_128, %swap3A_129], %swap3A_132 {strides = array<i32>} : memref<80x128xf32, #tpu.memory_space<vmem>>, vector<1x16xf32>,
      %swap3A_133 = arith.index_cast %scan3A_118 : i32 to index
      %swap3A_134 = arith.constant 48 : index
      %swap3A_135 = tpu.vector_load %arg14[%swap3A_133, %swap3A_134] {strides = array<i32>} : memref<80x128xf32, #tpu.memory_space<vmem>>, vector<1x16xf32>,
      %swap3A_136 = vector.shape_cast %swap3A_135 : vector<1x16xf32> to vector<16xf32>
      %swap3A_137 = vector.shape_cast %broadcast_in_dim3A_3 : vector<16xf32> to vector<1x16xf32>
      tpu.vector_store %arg14[%swap3A_133, %swap3A_134], %swap3A_137 {strides = array<i32>} : memref<80x128xf32, #tpu.memory_space<vmem>>, vector<1x16xf32>,
      %swap3A_138 = arith.index_cast %scan3A_118 : i32 to index
      %swap3A_139 = arith.constant 64 : index
      %swap3A_140 = tpu.vector_load %arg14[%swap3A_138, %swap3A_139] {strides = array<i32>} : memref<80x128xf32, #tpu.memory_space<vmem>>, vector<1x16xf32>,
      %swap3A_141 = vector.shape_cast %swap3A_140 : vector<1x16xf32> to vector<16xf32>
      %swap3A_142 = vector.shape_cast %broadcast_in_dim3A_3 : vector<16xf32> to vector<1x16xf32>
      tpu.vector_store %arg14[%swap3A_138, %swap3A_139], %swap3A_142 {strides = array<i32>} : memref<80x128xf32, #tpu.memory_space<vmem>>, vector<1x16xf32>,
      %swap3A_143 = arith.index_cast %scan3A_118 : i32 to index
      %swap3A_144 = arith.constant 80 : index
      %swap3A_145 = tpu.vector_load %arg14[%swap3A_143, %swap3A_144] {strides = array<i32>} : memref<80x128xf32, #tpu.memory_space<vmem>>, vector<1x16xf32>,
      %swap3A_146 = vector.shape_cast %swap3A_145 : vector<1x16xf32> to vector<16xf32>
      %swap3A_147 = vector.shape_cast %broadcast_in_dim3A_3 : vector<16xf32> to vector<1x16xf32>
      tpu.vector_store %arg14[%swap3A_143, %swap3A_144], %swap3A_147 {strides = array<i32>} : memref<80x128xf32, #tpu.memory_space<vmem>>, vector<1x16xf32>,
      %swap3A_148 = arith.index_cast %scan3A_118 : i32 to index
      %swap3A_149 = arith.constant 96 : index
      %swap3A_150 = tpu.vector_load %arg14[%swap3A_148, %swap3A_149] {strides = array<i32>} : memref<80x128xf32, #tpu.memory_space<vmem>>, vector<1x16xf32>,
      %swap3A_151 = vector.shape_cast %swap3A_150 : vector<1x16xf32> to vector<16xf32>
      %swap3A_152 = vector.shape_cast %broadcast_in_dim3A_3 : vector<16xf32> to vector<1x16xf32>
      tpu.vector_store %arg14[%swap3A_148, %swap3A_149], %swap3A_152 {strides = array<i32>} : memref<80x128xf32, #tpu.memory_space<vmem>>, vector<1x16xf32>,
      %swap3A_153 = arith.index_cast %scan3A_118 : i32 to index
      %swap3A_154 = arith.constant 112 : index
      %swap3A_155 = tpu.vector_load %arg14[%swap3A_153, %swap3A_154] {strides = array<i32>} : memref<80x128xf32, #tpu.memory_space<vmem>>, vector<1x16xf32>,
      %swap3A_156 = vector.shape_cast %swap3A_155 : vector<1x16xf32> to vector<16xf32>
      %swap3A_157 = vector.shape_cast %broadcast_in_dim3A_3 : vector<16xf32> to vector<1x16xf32>
      tpu.vector_store %arg14[%swap3A_153, %swap3A_154], %swap3A_157 {strides = array<i32>} : memref<80x128xf32, #tpu.memory_space<vmem>>, vector<1x16xf32>,
    }
    %scan3A_8 = arith.constant 80 : i32
    %mul3A_9 = arith.constant 640 : i32
    %mul3A_10 = arith.muli %arg1, %mul3A_9 : i32
    %add3A_11 = arith.constant 0 : i32
    %add3A_12 = arith.addi %mul3A_10, %add3A_11 : i32
    "tpu.region"() ({
      %run_scoped3A = tpu.sem_alloc : memref<!tpu.dma_semaphore, #tpu.memory_space<semaphore_mem>>
      %dma_start3A_118 = arith.constant 0 : i32
      %dma_start3A_119 = tpu.memref_slice %arg18[%add3A_12, %dma_start3A_118] : memref<10240x128xf32, #tpu.memory_space<vmem_shared>> -> memref<80x128xf32, #tpu.memory_space<vmem_shared>>
      %dma_start3A_120 = arith.constant 0 : i32
      %dma_start3A_121 = tpu.memref_slice %arg18[%add3A_12, %dma_start3A_120] : memref<10240x128xf32, #tpu.memory_space<vmem_shared>> -> memref<80x128xf32, #tpu.memory_space<vmem_shared>>
      tpu.enqueue_dma source(%arg14 : memref<80x128xf32, #tpu.memory_space<vmem>>) target(%dma_start3A_121 : memref<80x128xf32, #tpu.memory_space<vmem_shared>>) target_semaphore(%run_scoped3A : memref<!tpu.dma_semaphore, #tpu.memory_space<semaphore_mem>>)
      %dma_wait3A_122 = arith.constant 0 : i32
      %dma_wait3A_123 = tpu.memref_slice %arg18[%add3A_12, %dma_wait3A_122] : memref<10240x128xf32, #tpu.memory_space<vmem_shared>> -> memref<80x128xf32, #tpu.memory_space<vmem_shared>>
      %dma_wait3A_124 = arith.constant 0 : i32
      %dma_wait3A_125 = tpu.memref_slice %arg18[%add3A_12, %dma_wait3A_124] : memref<10240x128xf32, #tpu.memory_space<vmem_shared>> -> memref<80x128xf32, #tpu.memory_space<vmem_shared>>
      tpu.wait_dma2 semaphore(%run_scoped3A : memref<!tpu.dma_semaphore, #tpu.memory_space<semaphore_mem>>) src(%arg14 : memref<80x128xf32, #tpu.memory_space<vmem>>) dst(%dma_wait3A_125 : memref<80x128xf32, #tpu.memory_space<vmem_shared>>)
      tpu.yield
    }) : () -> ()
    %mul3A_13 = arith.constant 640 : i32
    %mul3A_14 = arith.muli %arg1, %mul3A_13 : i32
    %add3A_15 = arith.constant 80 : i32
    %add3A_16 = arith.addi %mul3A_14, %add3A_15 : i32
    "tpu.region"() ({
      %run_scoped3A = tpu.sem_alloc : memref<!tpu.dma_semaphore, #tpu.memory_space<semaphore_mem>>
      %dma_start3A_118 = arith.constant 0 : i32
      %dma_start3A_119 = tpu.memref_slice %arg18[%add3A_16, %dma_start3A_118] : memref<10240x128xf32, #tpu.memory_space<vmem_shared>> -> memref<80x128xf32, #tpu.memory_space<vmem_shared>>
      %dma_start3A_120 = arith.constant 0 : i32
      %dma_start3A_121 = tpu.memref_slice %arg18[%add3A_16, %dma_start3A_120] : memref<10240x128xf32, #tpu.memory_space<vmem_shared>> -> memref<80x128xf32, #tpu.memory_space<vmem_shared>>
      tpu.enqueue_dma source(%arg14 : memref<80x128xf32, #tpu.memory_space<vmem>>) target(%dma_start3A_121 : memref<80x128xf32, #tpu.memory_space<vmem_shared>>) target_semaphore(%run_scoped3A : memref<!tpu.dma_semaphore, #tpu.memory_space<semaphore_mem>>)
      %dma_wait3A_122 = arith.constant 0 : i32
      %dma_wait3A_123 = tpu.memref_slice %arg18[%add3A_16, %dma_wait3A_122] : memref<10240x128xf32, #tpu.memory_space<vmem_shared>> -> memref<80x128xf32, #tpu.memory_space<vmem_shared>>
      %dma_wait3A_124 = arith.constant 0 : i32
      %dma_wait3A_125 = tpu.memref_slice %arg18[%add3A_16, %dma_wait3A_124] : memref<10240x128xf32, #tpu.memory_space<vmem_shared>> -> memref<80x128xf32, #tpu.memory_space<vmem_shared>>
      tpu.wait_dma2 semaphore(%run_scoped3A : memref<!tpu.dma_semaphore, #tpu.memory_space<semaphore_mem>>) src(%arg14 : memref<80x128xf32, #tpu.memory_space<vmem>>) dst(%dma_wait3A_125 : memref<80x128xf32, #tpu.memory_space<vmem_shared>>)
      tpu.yield
    }) : () -> ()
    %mul3A_17 = arith.constant 640 : i32
    %mul3A_18 = arith.muli %arg1, %mul3A_17 : i32
    %add3A_19 = arith.constant 160 : i32
    %add3A_20 = arith.addi %mul3A_18, %add3A_19 : i32
    "tpu.region"() ({
      %run_scoped3A = tpu.sem_alloc : memref<!tpu.dma_semaphore, #tpu.memory_space<semaphore_mem>>
      %dma_start3A_118 = arith.constant 0 : i32
      %dma_start3A_119 = tpu.memref_slice %arg18[%add3A_20, %dma_start3A_118] : memref<10240x128xf32, #tpu.memory_space<vmem_shared>> -> memref<80x128xf32, #tpu.memory_space<vmem_shared>>
      %dma_start3A_120 = arith.constant 0 : i32
      %dma_start3A_121 = tpu.memref_slice %arg18[%add3A_20, %dma_start3A_120] : memref<10240x128xf32, #tpu.memory_space<vmem_shared>> -> memref<80x128xf32, #tpu.memory_space<vmem_shared>>
      tpu.enqueue_dma source(%arg14 : memref<80x128xf32, #tpu.memory_space<vmem>>) target(%dma_start3A_121 : memref<80x128xf32, #tpu.memory_space<vmem_shared>>) target_semaphore(%run_scoped3A : memref<!tpu.dma_semaphore, #tpu.memory_space<semaphore_mem>>)
      %dma_wait3A_122 = arith.constant 0 : i32
      %dma_wait3A_123 = tpu.memref_slice %arg18[%add3A_20, %dma_wait3A_122] : memref<10240x128xf32, #tpu.memory_space<vmem_shared>> -> memref<80x128xf32, #tpu.memory_space<vmem_shared>>
      %dma_wait3A_124 = arith.constant 0 : i32
      %dma_wait3A_125 = tpu.memref_slice %arg18[%add3A_20, %dma_wait3A_124] : memref<10240x128xf32, #tpu.memory_space<vmem_shared>> -> memref<80x128xf32, #tpu.memory_space<vmem_shared>>
      tpu.wait_dma2 semaphore(%run_scoped3A : memref<!tpu.dma_semaphore, #tpu.memory_space<semaphore_mem>>) src(%arg14 : memref<80x128xf32, #tpu.memory_space<vmem>>) dst(%dma_wait3A_125 : memref<80x128xf32, #tpu.memory_space<vmem_shared>>)
      tpu.yield
    }) : () -> ()
    %mul3A_21 = arith.constant 640 : i32
    %mul3A_22 = arith.muli %arg1, %mul3A_21 : i32
    %add3A_23 = arith.constant 240 : i32
    %add3A_24 = arith.addi %mul3A_22, %add3A_23 : i32
    "tpu.region"() ({
      %run_scoped3A = tpu.sem_alloc : memref<!tpu.dma_semaphore, #tpu.memory_space<semaphore_mem>>
      %dma_start3A_118 = arith.constant 0 : i32
      %dma_start3A_119 = tpu.memref_slice %arg18[%add3A_24, %dma_start3A_118] : memref<10240x128xf32, #tpu.memory_space<vmem_shared>> -> memref<80x128xf32, #tpu.memory_space<vmem_shared>>
      %dma_start3A_120 = arith.constant 0 : i32
      %dma_start3A_121 = tpu.memref_slice %arg18[%add3A_24, %dma_start3A_120] : memref<10240x128xf32, #tpu.memory_space<vmem_shared>> -> memref<80x128xf32, #tpu.memory_space<vmem_shared>>
      tpu.enqueue_dma source(%arg14 : memref<80x128xf32, #tpu.memory_space<vmem>>) target(%dma_start3A_121 : memref<80x128xf32, #tpu.memory_space<vmem_shared>>) target_semaphore(%run_scoped3A : memref<!tpu.dma_semaphore, #tpu.memory_space<semaphore_mem>>)
      %dma_wait3A_122 = arith.constant 0 : i32
      %dma_wait3A_123 = tpu.memref_slice %arg18[%add3A_24, %dma_wait3A_122] : memref<10240x128xf32, #tpu.memory_space<vmem_shared>> -> memref<80x128xf32, #tpu.memory_space<vmem_shared>>
      %dma_wait3A_124 = arith.constant 0 : i32
      %dma_wait3A_125 = tpu.memref_slice %arg18[%add3A_24, %dma_wait3A_124] : memref<10240x128xf32, #tpu.memory_space<vmem_shared>> -> memref<80x128xf32, #tpu.memory_space<vmem_shared>>
      tpu.wait_dma2 semaphore(%run_scoped3A : memref<!tpu.dma_semaphore, #tpu.memory_space<semaphore_mem>>) src(%arg14 : memref<80x128xf32, #tpu.memory_space<vmem>>) dst(%dma_wait3A_125 : memref<80x128xf32, #tpu.memory_space<vmem_shared>>)
      tpu.yield
    }) : () -> ()
    %mul3A_25 = arith.constant 640 : i32
    %mul3A_26 = arith.muli %arg1, %mul3A_25 : i32
    %add3A_27 = arith.constant 320 : i32
    %add3A_28 = arith.addi %mul3A_26, %add3A_27 : i32
    "tpu.region"() ({
      %run_scoped3A = tpu.sem_alloc : memref<!tpu.dma_semaphore, #tpu.memory_space<semaphore_mem>>
      %dma_start3A_118 = arith.constant 0 : i32
      %dma_start3A_119 = tpu.memref_slice %arg18[%add3A_28, %dma_start3A_118] : memref<10240x128xf32, #tpu.memory_space<vmem_shared>> -> memref<80x128xf32, #tpu.memory_space<vmem_shared>>
      %dma_start3A_120 = arith.constant 0 : i32
      %dma_start3A_121 = tpu.memref_slice %arg18[%add3A_28, %dma_start3A_120] : memref<10240x128xf32, #tpu.memory_space<vmem_shared>> -> memref<80x128xf32, #tpu.memory_space<vmem_shared>>
      tpu.enqueue_dma source(%arg14 : memref<80x128xf32, #tpu.memory_space<vmem>>) target(%dma_start3A_121 : memref<80x128xf32, #tpu.memory_space<vmem_shared>>) target_semaphore(%run_scoped3A : memref<!tpu.dma_semaphore, #tpu.memory_space<semaphore_mem>>)
      %dma_wait3A_122 = arith.constant 0 : i32
      %dma_wait3A_123 = tpu.memref_slice %arg18[%add3A_28, %dma_wait3A_122] : memref<10240x128xf32, #tpu.memory_space<vmem_shared>> -> memref<80x128xf32, #tpu.memory_space<vmem_shared>>
      %dma_wait3A_124 = arith.constant 0 : i32
      %dma_wait3A_125 = tpu.memref_slice %arg18[%add3A_28, %dma_wait3A_124] : memref<10240x128xf32, #tpu.memory_space<vmem_shared>> -> memref<80x128xf32, #tpu.memory_space<vmem_shared>>
      tpu.wait_dma2 semaphore(%run_scoped3A : memref<!tpu.dma_semaphore, #tpu.memory_space<semaphore_mem>>) src(%arg14 : memref<80x128xf32, #tpu.memory_space<vmem>>) dst(%dma_wait3A_125 : memref<80x128xf32, #tpu.memory_space<vmem_shared>>)
      tpu.yield
    }) : () -> ()
    %mul3A_29 = arith.constant 640 : i32
    %mul3A_30 = arith.muli %arg1, %mul3A_29 : i32
    %add3A_31 = arith.constant 400 : i32
    %add3A_32 = arith.addi %mul3A_30, %add3A_31 : i32
    "tpu.region"() ({
      %run_scoped3A = tpu.sem_alloc : memref<!tpu.dma_semaphore, #tpu.memory_space<semaphore_mem>>
      %dma_start3A_118 = arith.constant 0 : i32
      %dma_start3A_119 = tpu.memref_slice %arg18[%add3A_32, %dma_start3A_118] : memref<10240x128xf32, #tpu.memory_space<vmem_shared>> -> memref<80x128xf32, #tpu.memory_space<vmem_shared>>
      %dma_start3A_120 = arith.constant 0 : i32
      %dma_start3A_121 = tpu.memref_slice %arg18[%add3A_32, %dma_start3A_120] : memref<10240x128xf32, #tpu.memory_space<vmem_shared>> -> memref<80x128xf32, #tpu.memory_space<vmem_shared>>
      tpu.enqueue_dma source(%arg14 : memref<80x128xf32, #tpu.memory_space<vmem>>) target(%dma_start3A_121 : memref<80x128xf32, #tpu.memory_space<vmem_shared>>) target_semaphore(%run_scoped3A : memref<!tpu.dma_semaphore, #tpu.memory_space<semaphore_mem>>)
      %dma_wait3A_122 = arith.constant 0 : i32
      %dma_wait3A_123 = tpu.memref_slice %arg18[%add3A_32, %dma_wait3A_122] : memref<10240x128xf32, #tpu.memory_space<vmem_shared>> -> memref<80x128xf32, #tpu.memory_space<vmem_shared>>
      %dma_wait3A_124 = arith.constant 0 : i32
      %dma_wait3A_125 = tpu.memref_slice %arg18[%add3A_32, %dma_wait3A_124] : memref<10240x128xf32, #tpu.memory_space<vmem_shared>> -> memref<80x128xf32, #tpu.memory_space<vmem_shared>>
      tpu.wait_dma2 semaphore(%run_scoped3A : memref<!tpu.dma_semaphore, #tpu.memory_space<semaphore_mem>>) src(%arg14 : memref<80x128xf32, #tpu.memory_space<vmem>>) dst(%dma_wait3A_125 : memref<80x128xf32, #tpu.memory_space<vmem_shared>>)
      tpu.yield
    }) : () -> ()
    %mul3A_33 = arith.constant 640 : i32
    %mul3A_34 = arith.muli %arg1, %mul3A_33 : i32
    %add3A_35 = arith.constant 480 : i32
    %add3A_36 = arith.addi %mul3A_34, %add3A_35 : i32
    "tpu.region"() ({
      %run_scoped3A = tpu.sem_alloc : memref<!tpu.dma_semaphore, #tpu.memory_space<semaphore_mem>>
      %dma_start3A_118 = arith.constant 0 : i32
      %dma_start3A_119 = tpu.memref_slice %arg18[%add3A_36, %dma_start3A_118] : memref<10240x128xf32, #tpu.memory_space<vmem_shared>> -> memref<80x128xf32, #tpu.memory_space<vmem_shared>>
      %dma_start3A_120 = arith.constant 0 : i32
      %dma_start3A_121 = tpu.memref_slice %arg18[%add3A_36, %dma_start3A_120] : memref<10240x128xf32, #tpu.memory_space<vmem_shared>> -> memref<80x128xf32, #tpu.memory_space<vmem_shared>>
      tpu.enqueue_dma source(%arg14 : memref<80x128xf32, #tpu.memory_space<vmem>>) target(%dma_start3A_121 : memref<80x128xf32, #tpu.memory_space<vmem_shared>>) target_semaphore(%run_scoped3A : memref<!tpu.dma_semaphore, #tpu.memory_space<semaphore_mem>>)
      %dma_wait3A_122 = arith.constant 0 : i32
      %dma_wait3A_123 = tpu.memref_slice %arg18[%add3A_36, %dma_wait3A_122] : memref<10240x128xf32, #tpu.memory_space<vmem_shared>> -> memref<80x128xf32, #tpu.memory_space<vmem_shared>>
      %dma_wait3A_124 = arith.constant 0 : i32
      %dma_wait3A_125 = tpu.memref_slice %arg18[%add3A_36, %dma_wait3A_124] : memref<10240x128xf32, #tpu.memory_space<vmem_shared>> -> memref<80x128xf32, #tpu.memory_space<vmem_shared>>
      tpu.wait_dma2 semaphore(%run_scoped3A : memref<!tpu.dma_semaphore, #tpu.memory_space<semaphore_mem>>) src(%arg14 : memref<80x128xf32, #tpu.memory_space<vmem>>) dst(%dma_wait3A_125 : memref<80x128xf32, #tpu.memory_space<vmem_shared>>)
      tpu.yield
    }) : () -> ()
    %mul3A_37 = arith.constant 640 : i32
    %mul3A_38 = arith.muli %arg1, %mul3A_37 : i32
    %add3A_39 = arith.constant 560 : i32
    %add3A_40 = arith.addi %mul3A_38, %add3A_39 : i32
    "tpu.region"() ({
      %run_scoped3A = tpu.sem_alloc : memref<!tpu.dma_semaphore, #tpu.memory_space<semaphore_mem>>
      %dma_start3A_118 = arith.constant 0 : i32
      %dma_start3A_119 = tpu.memref_slice %arg18[%add3A_40, %dma_start3A_118] : memref<10240x128xf32, #tpu.memory_space<vmem_shared>> -> memref<80x128xf32, #tpu.memory_space<vmem_shared>>
      %dma_start3A_120 = arith.constant 0 : i32
      %dma_start3A_121 = tpu.memref_slice %arg18[%add3A_40, %dma_start3A_120] : memref<10240x128xf32, #tpu.memory_space<vmem_shared>> -> memref<80x128xf32, #tpu.memory_space<vmem_shared>>
      tpu.enqueue_dma source(%arg14 : memref<80x128xf32, #tpu.memory_space<vmem>>) target(%dma_start3A_121 : memref<80x128xf32, #tpu.memory_space<vmem_shared>>) target_semaphore(%run_scoped3A : memref<!tpu.dma_semaphore, #tpu.memory_space<semaphore_mem>>)
      %dma_wait3A_122 = arith.constant 0 : i32
      %dma_wait3A_123 = tpu.memref_slice %arg18[%add3A_40, %dma_wait3A_122] : memref<10240x128xf32, #tpu.memory_space<vmem_shared>> -> memref<80x128xf32, #tpu.memory_space<vmem_shared>>
      %dma_wait3A_124 = arith.constant 0 : i32
      %dma_wait3A_125 = tpu.memref_slice %arg18[%add3A_40, %dma_wait3A_124] : memref<10240x128xf32, #tpu.memory_space<vmem_shared>> -> memref<80x128xf32, #tpu.memory_space<vmem_shared>>
      tpu.wait_dma2 semaphore(%run_scoped3A : memref<!tpu.dma_semaphore, #tpu.memory_space<semaphore_mem>>) src(%arg14 : memref<80x128xf32, #tpu.memory_space<vmem>>) dst(%dma_wait3A_125 : memref<80x128xf32, #tpu.memory_space<vmem_shared>>)
      tpu.yield
    }) : () -> ()
    %barrier3A = arith.constant 0 : index
    tpu.barrier barrier_id(%barrier3A)
    %add3A_41 = arith.constant 0 : i32
    %add3A_42 = arith.addi %mul3A_2, %add3A_41 : i32
    "tpu.region"() ({
      %run_scoped3A = tpu.sem_alloc : memref<!tpu.dma_semaphore, #tpu.memory_space<semaphore_mem>>
      %dma_start3A_118 = tpu.memref_slice %arg3[%add3A_42] : memref<320000xi32, #tpu.memory_space<hbm>> -> memref<80xi32, #tpu.memory_space<hbm>>
      %dma_start3A_119 = tpu.memref_slice %arg3[%add3A_42] : memref<320000xi32, #tpu.memory_space<hbm>> -> memref<80xi32, #tpu.memory_space<hbm>>
      tpu.enqueue_dma source(%dma_start3A_119 : memref<80xi32, #tpu.memory_space<hbm>>) target(%arg6 : memref<80xi32, #tpu.memory_space<vmem>>) target_semaphore(%run_scoped3A : memref<!tpu.dma_semaphore, #tpu.memory_space<semaphore_mem>>)
      %dma_wait3A_120 = tpu.memref_slice %arg3[%add3A_42] : memref<320000xi32, #tpu.memory_space<hbm>> -> memref<80xi32, #tpu.memory_space<hbm>>
      %dma_wait3A_121 = tpu.memref_slice %arg3[%add3A_42] : memref<320000xi32, #tpu.memory_space<hbm>> -> memref<80xi32, #tpu.memory_space<hbm>>
      tpu.wait_dma2 semaphore(%run_scoped3A : memref<!tpu.dma_semaphore, #tpu.memory_space<semaphore_mem>>) src(%dma_wait3A_121 : memref<80xi32, #tpu.memory_space<hbm>>) dst(%arg6 : memref<80xi32, #tpu.memory_space<vmem>>)
      tpu.yield
    }) : () -> ()
    %add3A_43 = arith.constant 0 : i32
    %add3A_44 = arith.addi %mul3A_2, %add3A_43 : i32
    "tpu.region"() ({
      %run_scoped3A = tpu.sem_alloc : memref<!tpu.dma_semaphore, #tpu.memory_space<semaphore_mem>>
      %dma_start3A_118 = tpu.memref_slice %arg4[%add3A_44] : memref<320000xi32, #tpu.memory_space<hbm>> -> memref<80xi32, #tpu.memory_space<hbm>>
      %dma_start3A_119 = tpu.memref_slice %arg4[%add3A_44] : memref<320000xi32, #tpu.memory_space<hbm>> -> memref<80xi32, #tpu.memory_space<hbm>>
      tpu.enqueue_dma source(%dma_start3A_119 : memref<80xi32, #tpu.memory_space<hbm>>) target(%arg10 : memref<80xi32, #tpu.memory_space<vmem>>) target_semaphore(%run_scoped3A : memref<!tpu.dma_semaphore, #tpu.memory_space<semaphore_mem>>)
      %dma_wait3A_120 = tpu.memref_slice %arg4[%add3A_44] : memref<320000xi32, #tpu.memory_space<hbm>> -> memref<80xi32, #tpu.memory_space<hbm>>
      %dma_wait3A_121 = tpu.memref_slice %arg4[%add3A_44] : memref<320000xi32, #tpu.memory_space<hbm>> -> memref<80xi32, #tpu.memory_space<hbm>>
      tpu.wait_dma2 semaphore(%run_scoped3A : memref<!tpu.dma_semaphore, #tpu.memory_space<semaphore_mem>>) src(%dma_wait3A_121 : memref<80xi32, #tpu.memory_space<hbm>>) dst(%arg10 : memref<80xi32, #tpu.memory_space<vmem>>)
      tpu.yield
    }) : () -> ()
    %add3A_45 = arith.constant 80 : i32
    %add3A_46 = arith.addi %mul3A_2, %add3A_45 : i32
    "tpu.region"() ({
      %run_scoped3A = tpu.sem_alloc : memref<!tpu.dma_semaphore, #tpu.memory_space<semaphore_mem>>
      %dma_start3A_118 = tpu.memref_slice %arg3[%add3A_46] : memref<320000xi32, #tpu.memory_space<hbm>> -> memref<80xi32, #tpu.memory_space<hbm>>
      %dma_start3A_119 = tpu.memref_slice %arg3[%add3A_46] : memref<320000xi32, #tpu.memory_space<hbm>> -> memref<80xi32, #tpu.memory_space<hbm>>
      tpu.enqueue_dma source(%dma_start3A_119 : memref<80xi32, #tpu.memory_space<hbm>>) target(%arg7 : memref<80xi32, #tpu.memory_space<vmem>>) target_semaphore(%run_scoped3A : memref<!tpu.dma_semaphore, #tpu.memory_space<semaphore_mem>>)
      %dma_wait3A_120 = tpu.memref_slice %arg3[%add3A_46] : memref<320000xi32, #tpu.memory_space<hbm>> -> memref<80xi32, #tpu.memory_space<hbm>>
      %dma_wait3A_121 = tpu.memref_slice %arg3[%add3A_46] : memref<320000xi32, #tpu.memory_space<hbm>> -> memref<80xi32, #tpu.memory_space<hbm>>
      tpu.wait_dma2 semaphore(%run_scoped3A : memref<!tpu.dma_semaphore, #tpu.memory_space<semaphore_mem>>) src(%dma_wait3A_121 : memref<80xi32, #tpu.memory_space<hbm>>) dst(%arg7 : memref<80xi32, #tpu.memory_space<vmem>>)
      tpu.yield
    }) : () -> ()
    %add3A_47 = arith.constant 80 : i32
    %add3A_48 = arith.addi %mul3A_2, %add3A_47 : i32
    "tpu.region"() ({
      %run_scoped3A = tpu.sem_alloc : memref<!tpu.dma_semaphore, #tpu.memory_space<semaphore_mem>>
      %dma_start3A_118 = tpu.memref_slice %arg4[%add3A_48] : memref<320000xi32, #tpu.memory_space<hbm>> -> memref<80xi32, #tpu.memory_space<hbm>>
      %dma_start3A_119 = tpu.memref_slice %arg4[%add3A_48] : memref<320000xi32, #tpu.memory_space<hbm>> -> memref<80xi32, #tpu.memory_space<hbm>>
      tpu.enqueue_dma source(%dma_start3A_119 : memref<80xi32, #tpu.memory_space<hbm>>) target(%arg11 : memref<80xi32, #tpu.memory_space<vmem>>) target_semaphore(%run_scoped3A : memref<!tpu.dma_semaphore, #tpu.memory_space<semaphore_mem>>)
      %dma_wait3A_120 = tpu.memref_slice %arg4[%add3A_48] : memref<320000xi32, #tpu.memory_space<hbm>> -> memref<80xi32, #tpu.memory_space<hbm>>
      %dma_wait3A_121 = tpu.memref_slice %arg4[%add3A_48] : memref<320000xi32, #tpu.memory_space<hbm>> -> memref<80xi32, #tpu.memory_space<hbm>>
      tpu.wait_dma2 semaphore(%run_scoped3A : memref<!tpu.dma_semaphore, #tpu.memory_space<semaphore_mem>>) src(%dma_wait3A_121 : memref<80xi32, #tpu.memory_space<hbm>>) dst(%arg11 : memref<80xi32, #tpu.memory_space<vmem>>)
      tpu.yield
    }) : () -> ()
    %add3A_49 = arith.constant 160 : i32
    %add3A_50 = arith.addi %mul3A_2, %add3A_49 : i32
    "tpu.region"() ({
      %run_scoped3A = tpu.sem_alloc : memref<!tpu.dma_semaphore, #tpu.memory_space<semaphore_mem>>
      %dma_start3A_118 = tpu.memref_slice %arg3[%add3A_50] : memref<320000xi32, #tpu.memory_space<hbm>> -> memref<80xi32, #tpu.memory_space<hbm>>
      %dma_start3A_119 = tpu.memref_slice %arg3[%add3A_50] : memref<320000xi32, #tpu.memory_space<hbm>> -> memref<80xi32, #tpu.memory_space<hbm>>
      tpu.enqueue_dma source(%dma_start3A_119 : memref<80xi32, #tpu.memory_space<hbm>>) target(%arg8 : memref<80xi32, #tpu.memory_space<vmem>>) target_semaphore(%run_scoped3A : memref<!tpu.dma_semaphore, #tpu.memory_space<semaphore_mem>>)
      %dma_wait3A_120 = tpu.memref_slice %arg3[%add3A_50] : memref<320000xi32, #tpu.memory_space<hbm>> -> memref<80xi32, #tpu.memory_space<hbm>>
      %dma_wait3A_121 = tpu.memref_slice %arg3[%add3A_50] : memref<320000xi32, #tpu.memory_space<hbm>> -> memref<80xi32, #tpu.memory_space<hbm>>
      tpu.wait_dma2 semaphore(%run_scoped3A : memref<!tpu.dma_semaphore, #tpu.memory_space<semaphore_mem>>) src(%dma_wait3A_121 : memref<80xi32, #tpu.memory_space<hbm>>) dst(%arg8 : memref<80xi32, #tpu.memory_space<vmem>>)
      tpu.yield
    }) : () -> ()
    %add3A_51 = arith.constant 160 : i32
    %add3A_52 = arith.addi %mul3A_2, %add3A_51 : i32
    "tpu.region"() ({
      %run_scoped3A = tpu.sem_alloc : memref<!tpu.dma_semaphore, #tpu.memory_space<semaphore_mem>>
      %dma_start3A_118 = tpu.memref_slice %arg4[%add3A_52] : memref<320000xi32, #tpu.memory_space<hbm>> -> memref<80xi32, #tpu.memory_space<hbm>>
      %dma_start3A_119 = tpu.memref_slice %arg4[%add3A_52] : memref<320000xi32, #tpu.memory_space<hbm>> -> memref<80xi32, #tpu.memory_space<hbm>>
      tpu.enqueue_dma source(%dma_start3A_119 : memref<80xi32, #tpu.memory_space<hbm>>) target(%arg12 : memref<80xi32, #tpu.memory_space<vmem>>) target_semaphore(%run_scoped3A : memref<!tpu.dma_semaphore, #tpu.memory_space<semaphore_mem>>)
      %dma_wait3A_120 = tpu.memref_slice %arg4[%add3A_52] : memref<320000xi32, #tpu.memory_space<hbm>> -> memref<80xi32, #tpu.memory_space<hbm>>
      %dma_wait3A_121 = tpu.memref_slice %arg4[%add3A_52] : memref<320000xi32, #tpu.memory_space<hbm>> -> memref<80xi32, #tpu.memory_space<hbm>>
      tpu.wait_dma2 semaphore(%run_scoped3A : memref<!tpu.dma_semaphore, #tpu.memory_space<semaphore_mem>>) src(%dma_wait3A_121 : memref<80xi32, #tpu.memory_space<hbm>>) dst(%arg12 : memref<80xi32, #tpu.memory_space<vmem>>)
      tpu.yield
    }) : () -> ()
    %add3A_53 = arith.constant 240 : i32
    %add3A_54 = arith.addi %mul3A_2, %add3A_53 : i32
    %dma_start3A = tpu.memref_slice %arg3[%add3A_54] : memref<320000xi32, #tpu.memory_space<hbm>> -> memref<80xi32, #tpu.memory_space<hbm>>
    %dma_start3A_55 = tpu.memref_slice %arg3[%add3A_54] : memref<320000xi32, #tpu.memory_space<hbm>> -> memref<80xi32, #tpu.memory_space<hbm>>
    tpu.enqueue_dma source(%dma_start3A_55 : memref<80xi32, #tpu.memory_space<hbm>>) target(%arg9 : memref<80xi32, #tpu.memory_space<vmem>>) target_semaphore(%arg22 : memref<!tpu.dma_semaphore, #tpu.memory_space<semaphore_mem>>)
    %add3A_56 = arith.constant 240 : i32
    %add3A_57 = arith.addi %mul3A_2, %add3A_56 : i32
    %dma_start3A_58 = tpu.memref_slice %arg4[%add3A_57] : memref<320000xi32, #tpu.memory_space<hbm>> -> memref<80xi32, #tpu.memory_space<hbm>>
    %dma_start3A_59 = tpu.memref_slice %arg4[%add3A_57] : memref<320000xi32, #tpu.memory_space<hbm>> -> memref<80xi32, #tpu.memory_space<hbm>>
    tpu.enqueue_dma source(%dma_start3A_59 : memref<80xi32, #tpu.memory_space<hbm>>) target(%arg13 : memref<80xi32, #tpu.memory_space<vmem>>) target_semaphore(%arg22 : memref<!tpu.dma_semaphore, #tpu.memory_space<semaphore_mem>>)
    %dma_start3A_60 = arith.constant 0 : i32
    %dma_start3A_61 = arith.constant 0 : i32
    %dma_start3A_62 = tpu.memref_slice %arg2[%dma_start3A_60, %dma_start3A_61] : memref<10240x128xf32, #tpu.memory_space<hbm>> -> memref<10240x128xf32, #tpu.memory_space<hbm>>
    tpu.enqueue_indirect_dma source(%dma_start3A_62 : memref<10240x128xf32, #tpu.memory_space<hbm>>) target(%arg14 : memref<80x128xf32, #tpu.memory_space<vmem>>) offsets(%arg6 : memref<80xi32, #tpu.memory_space<vmem>>) semaphore(%arg23 : memref<!tpu.dma_semaphore, #tpu.memory_space<semaphore_mem>>)
    %dma_start3A_63 = arith.constant 0 : i32
    %dma_start3A_64 = arith.constant 0 : i32
    %dma_start3A_65 = tpu.memref_slice %arg2[%dma_start3A_63, %dma_start3A_64] : memref<10240x128xf32, #tpu.memory_space<hbm>> -> memref<10240x128xf32, #tpu.memory_space<hbm>>
    tpu.enqueue_indirect_dma source(%dma_start3A_65 : memref<10240x128xf32, #tpu.memory_space<hbm>>) target(%arg15 : memref<80x128xf32, #tpu.memory_space<vmem>>) offsets(%arg7 : memref<80xi32, #tpu.memory_space<vmem>>) semaphore(%arg24 : memref<!tpu.dma_semaphore, #tpu.memory_space<semaphore_mem>>)
    %dma_start3A_66 = arith.constant 0 : i32
    %dma_start3A_67 = arith.constant 0 : i32
    %dma_start3A_68 = tpu.memref_slice %arg2[%dma_start3A_66, %dma_start3A_67] : memref<10240x128xf32, #tpu.memory_space<hbm>> -> memref<10240x128xf32, #tpu.memory_space<hbm>>
    tpu.enqueue_indirect_dma source(%dma_start3A_68 : memref<10240x128xf32, #tpu.memory_space<hbm>>) target(%arg16 : memref<80x128xf32, #tpu.memory_space<vmem>>) offsets(%arg8 : memref<80xi32, #tpu.memory_space<vmem>>) semaphore(%arg25 : memref<!tpu.dma_semaphore, #tpu.memory_space<semaphore_mem>>)
    %scan3A_69 = arith.constant 0 : i32
    %scan3A_70 = arith.constant 0 : i32
    %scan3A_71 = arith.constant 31 : i32
    %scan3A_72 = arith.addi %scan3A_70, %scan3A_71 : i32
    %scan3A_73 = arith.constant 1 : i32
    scf.for %scan3A_118 = %scan3A_70 to %scan3A_72 step %scan3A_73  : i32 {
      %mul3A_119 = arith.constant 4 : i32
      %mul3A_120 = arith.muli %mul3A_119, %scan3A_118 : i32
      %add3A_121 = arith.constant 0 : i32
      %add3A_122 = arith.addi %mul3A_120, %add3A_121 : i32
      %dma_wait3A_123 = arith.constant 0 : i32
      %dma_wait3A_124 = arith.constant 0 : i32
      %dma_wait3A_125 = tpu.memref_slice %arg2[%dma_wait3A_123, %dma_wait3A_124] : memref<10240x128xf32, #tpu.memory_space<hbm>> -> memref<10240x128xf32, #tpu.memory_space<hbm>>
      tpu.wait_indirect_dma semaphore(%arg23 : memref<!tpu.dma_semaphore, #tpu.memory_space<semaphore_mem>>) src(%dma_wait3A_125 : memref<10240x128xf32, #tpu.memory_space<hbm>>) dst(%arg14 : memref<80x128xf32, #tpu.memory_space<vmem>>)
      "tpu.region"() ({
        %run_scoped3A = tpu.sem_alloc : memref<!tpu.dma_semaphore, #tpu.memory_space<semaphore_mem>>
        %dma_start3A_296 = arith.constant 0 : i32
        %dma_start3A_297 = arith.constant 0 : i32
        %dma_start3A_298 = tpu.memref_slice %arg18[%dma_start3A_296, %dma_start3A_297] : memref<10240x128xf32, #tpu.memory_space<vmem_shared>> -> memref<10240x128xf32, #tpu.memory_space<vmem_shared>>
        tpu.enqueue_indirect_dma source(%arg14 : memref<80x128xf32, #tpu.memory_space<vmem>>) target(%dma_start3A_298 : memref<10240x128xf32, #tpu.memory_space<vmem_shared>>) offsets(%arg10 : memref<80xi32, #tpu.memory_space<vmem>>) semaphore(%run_scoped3A : memref<!tpu.dma_semaphore, #tpu.memory_space<semaphore_mem>>) {add = true}
        %dma_wait3A_299 = arith.constant 0 : i32
        %dma_wait3A_300 = arith.constant 0 : i32
        %dma_wait3A_301 = tpu.memref_slice %arg18[%dma_wait3A_299, %dma_wait3A_300] : memref<10240x128xf32, #tpu.memory_space<vmem_shared>> -> memref<10240x128xf32, #tpu.memory_space<vmem_shared>>
        tpu.wait_indirect_dma semaphore(%run_scoped3A : memref<!tpu.dma_semaphore, #tpu.memory_space<semaphore_mem>>) src(%arg14 : memref<80x128xf32, #tpu.memory_space<vmem>>) dst(%dma_wait3A_301 : memref<10240x128xf32, #tpu.memory_space<vmem_shared>>)
        tpu.yield
      }) : () -> ()
      %add3A_126 = arith.constant 4 : i32
      %add3A_127 = arith.addi %add3A_122, %add3A_126 : i32
      %jit3A = arith.constant 125 : i32
      %eq3A = arith.constant 0 : i32
      %eq3A_128 = arith.cmpi eq, %jit3A, %eq3A : i32
      %jit3A_129 = arith.constant 1 : i32
      %select_n3A = arith.select %eq3A_128, %jit3A_129, %jit3A : i32
      %rem3A = arith.remsi %add3A_127, %select_n3A : i32
      %ne3A = arith.constant 0 : i32
      %ne3A_130 = arith.cmpi ne, %rem3A, %ne3A : i32
      %lt3A = arith.constant 0 : i32
      %lt3A_131 = arith.cmpi slt, %rem3A, %lt3A : i32
      %lt3A_132 = arith.constant 0 : i32
      %lt3A_133 = arith.cmpi slt, %select_n3A, %lt3A_132 : i32
      %ne3A_134 = arith.xori %lt3A_131, %lt3A_133 : i1
      %and3A = arith.andi %ne3A_134, %ne3A_130 : i1
      %add3A_135 = arith.addi %rem3A, %select_n3A : i32
      %select_n3A_136 = arith.select %and3A, %add3A_135, %rem3A : i32
      %mul3A_137 = arith.constant 80 : i32
      %mul3A_138 = arith.muli %select_n3A_136, %mul3A_137 : i32
      %add3A_139 = arith.addi %mul3A_2, %mul3A_138 : i32
      %dma_start3A_140 = tpu.memref_slice %arg3[%add3A_139] : memref<320000xi32, #tpu.memory_space<hbm>> -> memref<80xi32, #tpu.memory_space<hbm>>
      %dma_start3A_141 = tpu.memref_slice %arg3[%add3A_139] : memref<320000xi32, #tpu.memory_space<hbm>> -> memref<80xi32, #tpu.memory_space<hbm>>
      tpu.enqueue_dma source(%dma_start3A_141 : memref<80xi32, #tpu.memory_space<hbm>>) target(%arg6 : memref<80xi32, #tpu.memory_space<vmem>>) target_semaphore(%arg19 : memref<!tpu.dma_semaphore, #tpu.memory_space<semaphore_mem>>)
      %mul3A_142 = arith.constant 80 : i32
      %mul3A_143 = arith.muli %select_n3A_136, %mul3A_142 : i32
      %add3A_144 = arith.addi %mul3A_2, %mul3A_143 : i32
      %dma_start3A_145 = tpu.memref_slice %arg4[%add3A_144] : memref<320000xi32, #tpu.memory_space<hbm>> -> memref<80xi32, #tpu.memory_space<hbm>>
      %dma_start3A_146 = tpu.memref_slice %arg4[%add3A_144] : memref<320000xi32, #tpu.memory_space<hbm>> -> memref<80xi32, #tpu.memory_space<hbm>>
      tpu.enqueue_dma source(%dma_start3A_146 : memref<80xi32, #tpu.memory_space<hbm>>) target(%arg10 : memref<80xi32, #tpu.memory_space<vmem>>) target_semaphore(%arg19 : memref<!tpu.dma_semaphore, #tpu.memory_space<semaphore_mem>>)
      %dma_wait3A_147 = arith.constant 0 : i32
      %dma_wait3A_148 = tpu.memref_slice %arg3[%dma_wait3A_147] : memref<320000xi32, #tpu.memory_space<hbm>> -> memref<80xi32, #tpu.memory_space<hbm>>
      %dma_wait3A_149 = arith.constant 0 : i32
      %dma_wait3A_150 = tpu.memref_slice %arg3[%dma_wait3A_149] : memref<320000xi32, #tpu.memory_space<hbm>> -> memref<80xi32, #tpu.memory_space<hbm>>
      tpu.wait_dma2 semaphore(%arg22 : memref<!tpu.dma_semaphore, #tpu.memory_space<semaphore_mem>>) src(%dma_wait3A_150 : memref<80xi32, #tpu.memory_space<hbm>>) dst(%arg9 : memref<80xi32, #tpu.memory_space<vmem>>)
      %dma_wait3A_151 = arith.constant 0 : i32
      %dma_wait3A_152 = tpu.memref_slice %arg4[%dma_wait3A_151] : memref<320000xi32, #tpu.memory_space<hbm>> -> memref<80xi32, #tpu.memory_space<hbm>>
      %dma_wait3A_153 = arith.constant 0 : i32
      %dma_wait3A_154 = tpu.memref_slice %arg4[%dma_wait3A_153] : memref<320000xi32, #tpu.memory_space<hbm>> -> memref<80xi32, #tpu.memory_space<hbm>>
      tpu.wait_dma2 semaphore(%arg22 : memref<!tpu.dma_semaphore, #tpu.memory_space<semaphore_mem>>) src(%dma_wait3A_154 : memref<80xi32, #tpu.memory_space<hbm>>) dst(%arg13 : memref<80xi32, #tpu.memory_space<vmem>>)
      %dma_start3A_155 = arith.constant 0 : i32
      %dma_start3A_156 = arith.constant 0 : i32
      %dma_start3A_157 = tpu.memref_slice %arg2[%dma_start3A_155, %dma_start3A_156] : memref<10240x128xf32, #tpu.memory_space<hbm>> -> memref<10240x128xf32, #tpu.memory_space<hbm>>
      tpu.enqueue_indirect_dma source(%dma_start3A_157 : memref<10240x128xf32, #tpu.memory_space<hbm>>) target(%arg17 : memref<80x128xf32, #tpu.memory_space<vmem>>) offsets(%arg9 : memref<80xi32, #tpu.memory_space<vmem>>) semaphore(%arg26 : memref<!tpu.dma_semaphore, #tpu.memory_space<semaphore_mem>>)
      %mul3A_158 = arith.constant 4 : i32
      %mul3A_159 = arith.muli %mul3A_158, %scan3A_118 : i32
      %add3A_160 = arith.constant 1 : i32
      %add3A_161 = arith.addi %mul3A_159, %add3A_160 : i32
      %dma_wait3A_162 = arith.constant 0 : i32
      %dma_wait3A_163 = arith.constant 0 : i32
      %dma_wait3A_164 = tpu.memref_slice %arg2[%dma_wait3A_162, %dma_wait3A_163] : memref<10240x128xf32, #tpu.memory_space<hbm>> -> memref<10240x128xf32, #tpu.memory_space<hbm>>
      tpu.wait_indirect_dma semaphore(%arg24 : memref<!tpu.dma_semaphore, #tpu.memory_space<semaphore_mem>>) src(%dma_wait3A_164 : memref<10240x128xf32, #tpu.memory_space<hbm>>) dst(%arg15 : memref<80x128xf32, #tpu.memory_space<vmem>>)
      "tpu.region"() ({
        %run_scoped3A = tpu.sem_alloc : memref<!tpu.dma_semaphore, #tpu.memory_space<semaphore_mem>>
        %dma_start3A_296 = arith.constant 0 : i32
        %dma_start3A_297 = arith.constant 0 : i32
        %dma_start3A_298 = tpu.memref_slice %arg18[%dma_start3A_296, %dma_start3A_297] : memref<10240x128xf32, #tpu.memory_space<vmem_shared>> -> memref<10240x128xf32, #tpu.memory_space<vmem_shared>>
        tpu.enqueue_indirect_dma source(%arg15 : memref<80x128xf32, #tpu.memory_space<vmem>>) target(%dma_start3A_298 : memref<10240x128xf32, #tpu.memory_space<vmem_shared>>) offsets(%arg11 : memref<80xi32, #tpu.memory_space<vmem>>) semaphore(%run_scoped3A : memref<!tpu.dma_semaphore, #tpu.memory_space<semaphore_mem>>) {add = true}
        %dma_wait3A_299 = arith.constant 0 : i32
        %dma_wait3A_300 = arith.constant 0 : i32
        %dma_wait3A_301 = tpu.memref_slice %arg18[%dma_wait3A_299, %dma_wait3A_300] : memref<10240x128xf32, #tpu.memory_space<vmem_shared>> -> memref<10240x128xf32, #tpu.memory_space<vmem_shared>>
        tpu.wait_indirect_dma semaphore(%run_scoped3A : memref<!tpu.dma_semaphore, #tpu.memory_space<semaphore_mem>>) src(%arg15 : memref<80x128xf32, #tpu.memory_space<vmem>>) dst(%dma_wait3A_301 : memref<10240x128xf32, #tpu.memory_space<vmem_shared>>)
        tpu.yield
      }) : () -> ()
      %add3A_165 = arith.constant 4 : i32
      %add3A_166 = arith.addi %add3A_161, %add3A_165 : i32
      %jit3A_167 = arith.constant 125 : i32
      %eq3A_168 = arith.constant 0 : i32
      %eq3A_169 = arith.cmpi eq, %jit3A_167, %eq3A_168 : i32
      %jit3A_170 = arith.constant 1 : i32
      %select_n3A_171 = arith.select %eq3A_169, %jit3A_170, %jit3A_167 : i32
      %rem3A_172 = arith.remsi %add3A_166, %select_n3A_171 : i32
      %ne3A_173 = arith.constant 0 : i32
      %ne3A_174 = arith.cmpi ne, %rem3A_172, %ne3A_173 : i32
      %lt3A_175 = arith.constant 0 : i32
      %lt3A_176 = arith.cmpi slt, %rem3A_172, %lt3A_175 : i32
      %lt3A_177 = arith.constant 0 : i32
      %lt3A_178 = arith.cmpi slt, %select_n3A_171, %lt3A_177 : i32
      %ne3A_179 = arith.xori %lt3A_176, %lt3A_178 : i1
      %and3A_180 = arith.andi %ne3A_179, %ne3A_174 : i1
      %add3A_181 = arith.addi %rem3A_172, %select_n3A_171 : i32
      %select_n3A_182 = arith.select %and3A_180, %add3A_181, %rem3A_172 : i32
      %mul3A_183 = arith.constant 80 : i32
      %mul3A_184 = arith.muli %select_n3A_182, %mul3A_183 : i32
      %add3A_185 = arith.addi %mul3A_2, %mul3A_184 : i32
      %dma_start3A_186 = tpu.memref_slice %arg3[%add3A_185] : memref<320000xi32, #tpu.memory_space<hbm>> -> memref<80xi32, #tpu.memory_space<hbm>>
      %dma_start3A_187 = tpu.memref_slice %arg3[%add3A_185] : memref<320000xi32, #tpu.memory_space<hbm>> -> memref<80xi32, #tpu.memory_space<hbm>>
      tpu.enqueue_dma source(%dma_start3A_187 : memref<80xi32, #tpu.memory_space<hbm>>) target(%arg7 : memref<80xi32, #tpu.memory_space<vmem>>) target_semaphore(%arg20 : memref<!tpu.dma_semaphore, #tpu.memory_space<semaphore_mem>>)
      %mul3A_188 = arith.constant 80 : i32
      %mul3A_189 = arith.muli %select_n3A_182, %mul3A_188 : i32
      %add3A_190 = arith.addi %mul3A_2, %mul3A_189 : i32
      %dma_start3A_191 = tpu.memref_slice %arg4[%add3A_190] : memref<320000xi32, #tpu.memory_space<hbm>> -> memref<80xi32, #tpu.memory_space<hbm>>
      %dma_start3A_192 = tpu.memref_slice %arg4[%add3A_190] : memref<320000xi32, #tpu.memory_space<hbm>> -> memref<80xi32, #tpu.memory_space<hbm>>
      tpu.enqueue_dma source(%dma_start3A_192 : memref<80xi32, #tpu.memory_space<hbm>>) target(%arg11 : memref<80xi32, #tpu.memory_space<vmem>>) target_semaphore(%arg20 : memref<!tpu.dma_semaphore, #tpu.memory_space<semaphore_mem>>)
      %dma_wait3A_193 = arith.constant 0 : i32
      %dma_wait3A_194 = tpu.memref_slice %arg3[%dma_wait3A_193] : memref<320000xi32, #tpu.memory_space<hbm>> -> memref<80xi32, #tpu.memory_space<hbm>>
      %dma_wait3A_195 = arith.constant 0 : i32
      %dma_wait3A_196 = tpu.memref_slice %arg3[%dma_wait3A_195] : memref<320000xi32, #tpu.memory_space<hbm>> -> memref<80xi32, #tpu.memory_space<hbm>>
      tpu.wait_dma2 semaphore(%arg19 : memref<!tpu.dma_semaphore, #tpu.memory_space<semaphore_mem>>) src(%dma_wait3A_196 : memref<80xi32, #tpu.memory_space<hbm>>) dst(%arg6 : memref<80xi32, #tpu.memory_space<vmem>>)
      %dma_wait3A_197 = arith.constant 0 : i32
      %dma_wait3A_198 = tpu.memref_slice %arg4[%dma_wait3A_197] : memref<320000xi32, #tpu.memory_space<hbm>> -> memref<80xi32, #tpu.memory_space<hbm>>
      %dma_wait3A_199 = arith.constant 0 : i32
      %dma_wait3A_200 = tpu.memref_slice %arg4[%dma_wait3A_199] : memref<320000xi32, #tpu.memory_space<hbm>> -> memref<80xi32, #tpu.memory_space<hbm>>
      tpu.wait_dma2 semaphore(%arg19 : memref<!tpu.dma_semaphore, #tpu.memory_space<semaphore_mem>>) src(%dma_wait3A_200 : memref<80xi32, #tpu.memory_space<hbm>>) dst(%arg10 : memref<80xi32, #tpu.memory_space<vmem>>)
      %dma_start3A_201 = arith.constant 0 : i32
      %dma_start3A_202 = arith.constant 0 : i32
      %dma_start3A_203 = tpu.memref_slice %arg2[%dma_start3A_201, %dma_start3A_202] : memref<10240x128xf32, #tpu.memory_space<hbm>> -> memref<10240x128xf32, #tpu.memory_space<hbm>>
      tpu.enqueue_indirect_dma source(%dma_start3A_203 : memref<10240x128xf32, #tpu.memory_space<hbm>>) target(%arg14 : memref<80x128xf32, #tpu.memory_space<vmem>>) offsets(%arg6 : memref<80xi32, #tpu.memory_space<vmem>>) semaphore(%arg23 : memref<!tpu.dma_semaphore, #tpu.memory_space<semaphore_mem>>)
      %mul3A_204 = arith.constant 4 : i32
      %mul3A_205 = arith.muli %mul3A_204, %scan3A_118 : i32
      %add3A_206 = arith.constant 2 : i32
      %add3A_207 = arith.addi %mul3A_205, %add3A_206 : i32
      %dma_wait3A_208 = arith.constant 0 : i32
      %dma_wait3A_209 = arith.constant 0 : i32
      %dma_wait3A_210 = tpu.memref_slice %arg2[%dma_wait3A_208, %dma_wait3A_209] : memref<10240x128xf32, #tpu.memory_space<hbm>> -> memref<10240x128xf32, #tpu.memory_space<hbm>>
      tpu.wait_indirect_dma semaphore(%arg25 : memref<!tpu.dma_semaphore, #tpu.memory_space<semaphore_mem>>) src(%dma_wait3A_210 : memref<10240x128xf32, #tpu.memory_space<hbm>>) dst(%arg16 : memref<80x128xf32, #tpu.memory_space<vmem>>)
      "tpu.region"() ({
        %run_scoped3A = tpu.sem_alloc : memref<!tpu.dma_semaphore, #tpu.memory_space<semaphore_mem>>
        %dma_start3A_296 = arith.constant 0 : i32
        %dma_start3A_297 = arith.constant 0 : i32
        %dma_start3A_298 = tpu.memref_slice %arg18[%dma_start3A_296, %dma_start3A_297] : memref<10240x128xf32, #tpu.memory_space<vmem_shared>> -> memref<10240x128xf32, #tpu.memory_space<vmem_shared>>
        tpu.enqueue_indirect_dma source(%arg16 : memref<80x128xf32, #tpu.memory_space<vmem>>) target(%dma_start3A_298 : memref<10240x128xf32, #tpu.memory_space<vmem_shared>>) offsets(%arg12 : memref<80xi32, #tpu.memory_space<vmem>>) semaphore(%run_scoped3A : memref<!tpu.dma_semaphore, #tpu.memory_space<semaphore_mem>>) {add = true}
        %dma_wait3A_299 = arith.constant 0 : i32
        %dma_wait3A_300 = arith.constant 0 : i32
        %dma_wait3A_301 = tpu.memref_slice %arg18[%dma_wait3A_299, %dma_wait3A_300] : memref<10240x128xf32, #tpu.memory_space<vmem_shared>> -> memref<10240x128xf32, #tpu.memory_space<vmem_shared>>
        tpu.wait_indirect_dma semaphore(%run_scoped3A : memref<!tpu.dma_semaphore, #tpu.memory_space<semaphore_mem>>) src(%arg16 : memref<80x128xf32, #tpu.memory_space<vmem>>) dst(%dma_wait3A_301 : memref<10240x128xf32, #tpu.memory_space<vmem_shared>>)
        tpu.yield
      }) : () -> ()
      %add3A_211 = arith.constant 4 : i32
      %add3A_212 = arith.addi %add3A_207, %add3A_211 : i32
      %jit3A_213 = arith.constant 125 : i32
      %eq3A_214 = arith.constant 0 : i32
      %eq3A_215 = arith.cmpi eq, %jit3A_213, %eq3A_214 : i32
      %jit3A_216 = arith.constant 1 : i32
      %select_n3A_217 = arith.select %eq3A_215, %jit3A_216, %jit3A_213 : i32
      %rem3A_218 = arith.remsi %add3A_212, %select_n3A_217 : i32
      %ne3A_219 = arith.constant 0 : i32
      %ne3A_220 = arith.cmpi ne, %rem3A_218, %ne3A_219 : i32
      %lt3A_221 = arith.constant 0 : i32
      %lt3A_222 = arith.cmpi slt, %rem3A_218, %lt3A_221 : i32
      %lt3A_223 = arith.constant 0 : i32
      %lt3A_224 = arith.cmpi slt, %select_n3A_217, %lt3A_223 : i32
      %ne3A_225 = arith.xori %lt3A_222, %lt3A_224 : i1
      %and3A_226 = arith.andi %ne3A_225, %ne3A_220 : i1
      %add3A_227 = arith.addi %rem3A_218, %select_n3A_217 : i32
      %select_n3A_228 = arith.select %and3A_226, %add3A_227, %rem3A_218 : i32
      %mul3A_229 = arith.constant 80 : i32
      %mul3A_230 = arith.muli %select_n3A_228, %mul3A_229 : i32
      %add3A_231 = arith.addi %mul3A_2, %mul3A_230 : i32
      %dma_start3A_232 = tpu.memref_slice %arg3[%add3A_231] : memref<320000xi32, #tpu.memory_space<hbm>> -> memref<80xi32, #tpu.memory_space<hbm>>
      %dma_start3A_233 = tpu.memref_slice %arg3[%add3A_231] : memref<320000xi32, #tpu.memory_space<hbm>> -> memref<80xi32, #tpu.memory_space<hbm>>
      tpu.enqueue_dma source(%dma_start3A_233 : memref<80xi32, #tpu.memory_space<hbm>>) target(%arg8 : memref<80xi32, #tpu.memory_space<vmem>>) target_semaphore(%arg21 : memref<!tpu.dma_semaphore, #tpu.memory_space<semaphore_mem>>)
      %mul3A_234 = arith.constant 80 : i32
      %mul3A_235 = arith.muli %select_n3A_228, %mul3A_234 : i32
      %add3A_236 = arith.addi %mul3A_2, %mul3A_235 : i32
      %dma_start3A_237 = tpu.memref_slice %arg4[%add3A_236] : memref<320000xi32, #tpu.memory_space<hbm>> -> memref<80xi32, #tpu.memory_space<hbm>>
      %dma_start3A_238 = tpu.memref_slice %arg4[%add3A_236] : memref<320000xi32, #tpu.memory_space<hbm>> -> memref<80xi32, #tpu.memory_space<hbm>>
      tpu.enqueue_dma source(%dma_start3A_238 : memref<80xi32, #tpu.memory_space<hbm>>) target(%arg12 : memref<80xi32, #tpu.memory_space<vmem>>) target_semaphore(%arg21 : memref<!tpu.dma_semaphore, #tpu.memory_space<semaphore_mem>>)
      %dma_wait3A_239 = arith.constant 0 : i32
      %dma_wait3A_240 = tpu.memref_slice %arg3[%dma_wait3A_239] : memref<320000xi32, #tpu.memory_space<hbm>> -> memref<80xi32, #tpu.memory_space<hbm>>
      %dma_wait3A_241 = arith.constant 0 : i32
      %dma_wait3A_242 = tpu.memref_slice %arg3[%dma_wait3A_241] : memref<320000xi32, #tpu.memory_space<hbm>> -> memref<80xi32, #tpu.memory_space<hbm>>
      tpu.wait_dma2 semaphore(%arg20 : memref<!tpu.dma_semaphore, #tpu.memory_space<semaphore_mem>>) src(%dma_wait3A_242 : memref<80xi32, #tpu.memory_space<hbm>>) dst(%arg7 : memref<80xi32, #tpu.memory_space<vmem>>)
      %dma_wait3A_243 = arith.constant 0 : i32
      %dma_wait3A_244 = tpu.memref_slice %arg4[%dma_wait3A_243] : memref<320000xi32, #tpu.memory_space<hbm>> -> memref<80xi32, #tpu.memory_space<hbm>>
      %dma_wait3A_245 = arith.constant 0 : i32
      %dma_wait3A_246 = tpu.memref_slice %arg4[%dma_wait3A_245] : memref<320000xi32, #tpu.memory_space<hbm>> -> memref<80xi32, #tpu.memory_space<hbm>>
      tpu.wait_dma2 semaphore(%arg20 : memref<!tpu.dma_semaphore, #tpu.memory_space<semaphore_mem>>) src(%dma_wait3A_246 : memref<80xi32, #tpu.memory_space<hbm>>) dst(%arg11 : memref<80xi32, #tpu.memory_space<vmem>>)
      %dma_start3A_247 = arith.constant 0 : i32
      %dma_start3A_248 = arith.constant 0 : i32
      %dma_start3A_249 = tpu.memref_slice %arg2[%dma_start3A_247, %dma_start3A_248] : memref<10240x128xf32, #tpu.memory_space<hbm>> -> memref<10240x128xf32, #tpu.memory_space<hbm>>
      tpu.enqueue_indirect_dma source(%dma_start3A_249 : memref<10240x128xf32, #tpu.memory_space<hbm>>) target(%arg15 : memref<80x128xf32, #tpu.memory_space<vmem>>) offsets(%arg7 : memref<80xi32, #tpu.memory_space<vmem>>) semaphore(%arg24 : memref<!tpu.dma_semaphore, #tpu.memory_space<semaphore_mem>>)
      %mul3A_250 = arith.constant 4 : i32
      %mul3A_251 = arith.muli %mul3A_250, %scan3A_118 : i32
      %add3A_252 = arith.constant 3 : i32
      %add3A_253 = arith.addi %mul3A_251, %add3A_252 : i32
      %dma_wait3A_254 = arith.constant 0 : i32
      %dma_wait3A_255 = arith.constant 0 : i32
      %dma_wait3A_256 = tpu.memref_slice %arg2[%dma_wait3A_254, %dma_wait3A_255] : memref<10240x128xf32, #tpu.memory_space<hbm>> -> memref<10240x128xf32, #tpu.memory_space<hbm>>
      tpu.wait_indirect_dma semaphore(%arg26 : memref<!tpu.dma_semaphore, #tpu.memory_space<semaphore_mem>>) src(%dma_wait3A_256 : memref<10240x128xf32, #tpu.memory_space<hbm>>) dst(%arg17 : memref<80x128xf32, #tpu.memory_space<vmem>>)
      "tpu.region"() ({
        %run_scoped3A = tpu.sem_alloc : memref<!tpu.dma_semaphore, #tpu.memory_space<semaphore_mem>>
        %dma_start3A_296 = arith.constant 0 : i32
        %dma_start3A_297 = arith.constant 0 : i32
        %dma_start3A_298 = tpu.memref_slice %arg18[%dma_start3A_296, %dma_start3A_297] : memref<10240x128xf32, #tpu.memory_space<vmem_shared>> -> memref<10240x128xf32, #tpu.memory_space<vmem_shared>>
        tpu.enqueue_indirect_dma source(%arg17 : memref<80x128xf32, #tpu.memory_space<vmem>>) target(%dma_start3A_298 : memref<10240x128xf32, #tpu.memory_space<vmem_shared>>) offsets(%arg13 : memref<80xi32, #tpu.memory_space<vmem>>) semaphore(%run_scoped3A : memref<!tpu.dma_semaphore, #tpu.memory_space<semaphore_mem>>) {add = true}
        %dma_wait3A_299 = arith.constant 0 : i32
        %dma_wait3A_300 = arith.constant 0 : i32
        %dma_wait3A_301 = tpu.memref_slice %arg18[%dma_wait3A_299, %dma_wait3A_300] : memref<10240x128xf32, #tpu.memory_space<vmem_shared>> -> memref<10240x128xf32, #tpu.memory_space<vmem_shared>>
        tpu.wait_indirect_dma semaphore(%run_scoped3A : memref<!tpu.dma_semaphore, #tpu.memory_space<semaphore_mem>>) src(%arg17 : memref<80x128xf32, #tpu.memory_space<vmem>>) dst(%dma_wait3A_301 : memref<10240x128xf32, #tpu.memory_space<vmem_shared>>)
        tpu.yield
      }) : () -> ()
      %add3A_257 = arith.constant 4 : i32
      %add3A_258 = arith.addi %add3A_253, %add3A_257 : i32
      %jit3A_259 = arith.constant 125 : i32
      %eq3A_260 = arith.constant 0 : i32
      %eq3A_261 = arith.cmpi eq, %jit3A_259, %eq3A_260 : i32
      %jit3A_262 = arith.constant 1 : i32
      %select_n3A_263 = arith.select %eq3A_261, %jit3A_262, %jit3A_259 : i32
      %rem3A_264 = arith.remsi %add3A_258, %select_n3A_263 : i32
      %ne3A_265 = arith.constant 0 : i32
      %ne3A_266 = arith.cmpi ne, %rem3A_264, %ne3A_265 : i32
      %lt3A_267 = arith.constant 0 : i32
      %lt3A_268 = arith.cmpi slt, %rem3A_264, %lt3A_267 : i32
      %lt3A_269 = arith.constant 0 : i32
      %lt3A_270 = arith.cmpi slt, %select_n3A_263, %lt3A_269 : i32
      %ne3A_271 = arith.xori %lt3A_268, %lt3A_270 : i1
      %and3A_272 = arith.andi %ne3A_271, %ne3A_266 : i1
      %add3A_273 = arith.addi %rem3A_264, %select_n3A_263 : i32
      %select_n3A_274 = arith.select %and3A_272, %add3A_273, %rem3A_264 : i32
      %mul3A_275 = arith.constant 80 : i32
      %mul3A_276 = arith.muli %select_n3A_274, %mul3A_275 : i32
      %add3A_277 = arith.addi %mul3A_2, %mul3A_276 : i32
      %dma_start3A_278 = tpu.memref_slice %arg3[%add3A_277] : memref<320000xi32, #tpu.memory_space<hbm>> -> memref<80xi32, #tpu.memory_space<hbm>>
      %dma_start3A_279 = tpu.memref_slice %arg3[%add3A_277] : memref<320000xi32, #tpu.memory_space<hbm>> -> memref<80xi32, #tpu.memory_space<hbm>>
      tpu.enqueue_dma source(%dma_start3A_279 : memref<80xi32, #tpu.memory_space<hbm>>) target(%arg9 : memref<80xi32, #tpu.memory_space<vmem>>) target_semaphore(%arg22 : memref<!tpu.dma_semaphore, #tpu.memory_space<semaphore_mem>>)
      %mul3A_280 = arith.constant 80 : i32
      %mul3A_281 = arith.muli %select_n3A_274, %mul3A_280 : i32
      %add3A_282 = arith.addi %mul3A_2, %mul3A_281 : i32
      %dma_start3A_283 = tpu.memref_slice %arg4[%add3A_282] : memref<320000xi32, #tpu.memory_space<hbm>> -> memref<80xi32, #tpu.memory_space<hbm>>
      %dma_start3A_284 = tpu.memref_slice %arg4[%add3A_282] : memref<320000xi32, #tpu.memory_space<hbm>> -> memref<80xi32, #tpu.memory_space<hbm>>
      tpu.enqueue_dma source(%dma_start3A_284 : memref<80xi32, #tpu.memory_space<hbm>>) target(%arg13 : memref<80xi32, #tpu.memory_space<vmem>>) target_semaphore(%arg22 : memref<!tpu.dma_semaphore, #tpu.memory_space<semaphore_mem>>)
      %dma_wait3A_285 = arith.constant 0 : i32
      %dma_wait3A_286 = tpu.memref_slice %arg3[%dma_wait3A_285] : memref<320000xi32, #tpu.memory_space<hbm>> -> memref<80xi32, #tpu.memory_space<hbm>>
      %dma_wait3A_287 = arith.constant 0 : i32
      %dma_wait3A_288 = tpu.memref_slice %arg3[%dma_wait3A_287] : memref<320000xi32, #tpu.memory_space<hbm>> -> memref<80xi32, #tpu.memory_space<hbm>>
      tpu.wait_dma2 semaphore(%arg21 : memref<!tpu.dma_semaphore, #tpu.memory_space<semaphore_mem>>) src(%dma_wait3A_288 : memref<80xi32, #tpu.memory_space<hbm>>) dst(%arg8 : memref<80xi32, #tpu.memory_space<vmem>>)
      %dma_wait3A_289 = arith.constant 0 : i32
      %dma_wait3A_290 = tpu.memref_slice %arg4[%dma_wait3A_289] : memref<320000xi32, #tpu.memory_space<hbm>> -> memref<80xi32, #tpu.memory_space<hbm>>
      %dma_wait3A_291 = arith.constant 0 : i32
      %dma_wait3A_292 = tpu.memref_slice %arg4[%dma_wait3A_291] : memref<320000xi32, #tpu.memory_space<hbm>> -> memref<80xi32, #tpu.memory_space<hbm>>
      tpu.wait_dma2 semaphore(%arg21 : memref<!tpu.dma_semaphore, #tpu.memory_space<semaphore_mem>>) src(%dma_wait3A_292 : memref<80xi32, #tpu.memory_space<hbm>>) dst(%arg12 : memref<80xi32, #tpu.memory_space<vmem>>)
      %dma_start3A_293 = arith.constant 0 : i32
      %dma_start3A_294 = arith.constant 0 : i32
      %dma_start3A_295 = tpu.memref_slice %arg2[%dma_start3A_293, %dma_start3A_294] : memref<10240x128xf32, #tpu.memory_space<hbm>> -> memref<10240x128xf32, #tpu.memory_space<hbm>>
      tpu.enqueue_indirect_dma source(%dma_start3A_295 : memref<10240x128xf32, #tpu.memory_space<hbm>>) target(%arg16 : memref<80x128xf32, #tpu.memory_space<vmem>>) offsets(%arg8 : memref<80xi32, #tpu.memory_space<vmem>>) semaphore(%arg25 : memref<!tpu.dma_semaphore, #tpu.memory_space<semaphore_mem>>)
    }
    %scan3A_74 = arith.constant 31 : i32
    %dma_wait3A = arith.constant 0 : i32
    %dma_wait3A_75 = arith.constant 0 : i32
    %dma_wait3A_76 = tpu.memref_slice %arg2[%dma_wait3A, %dma_wait3A_75] : memref<10240x128xf32, #tpu.memory_space<hbm>> -> memref<10240x128xf32, #tpu.memory_space<hbm>>
    tpu.wait_indirect_dma semaphore(%arg23 : memref<!tpu.dma_semaphore, #tpu.memory_space<semaphore_mem>>) src(%dma_wait3A_76 : memref<10240x128xf32, #tpu.memory_space<hbm>>) dst(%arg14 : memref<80x128xf32, #tpu.memory_space<vmem>>)
    "tpu.region"() ({
      %run_scoped3A = tpu.sem_alloc : memref<!tpu.dma_semaphore, #tpu.memory_space<semaphore_mem>>
      %dma_start3A_118 = arith.constant 0 : i32
      %dma_start3A_119 = arith.constant 0 : i32
      %dma_start3A_120 = tpu.memref_slice %arg18[%dma_start3A_118, %dma_start3A_119] : memref<10240x128xf32, #tpu.memory_space<vmem_shared>> -> memref<10240x128xf32, #tpu.memory_space<vmem_shared>>
      tpu.enqueue_indirect_dma source(%arg14 : memref<80x128xf32, #tpu.memory_space<vmem>>) target(%dma_start3A_120 : memref<10240x128xf32, #tpu.memory_space<vmem_shared>>) offsets(%arg10 : memref<80xi32, #tpu.memory_space<vmem>>) semaphore(%run_scoped3A : memref<!tpu.dma_semaphore, #tpu.memory_space<semaphore_mem>>) {add = true}
      %dma_wait3A_121 = arith.constant 0 : i32
      %dma_wait3A_122 = arith.constant 0 : i32
      %dma_wait3A_123 = tpu.memref_slice %arg18[%dma_wait3A_121, %dma_wait3A_122] : memref<10240x128xf32, #tpu.memory_space<vmem_shared>> -> memref<10240x128xf32, #tpu.memory_space<vmem_shared>>
      tpu.wait_indirect_dma semaphore(%run_scoped3A : memref<!tpu.dma_semaphore, #tpu.memory_space<semaphore_mem>>) src(%arg14 : memref<80x128xf32, #tpu.memory_space<vmem>>) dst(%dma_wait3A_123 : memref<10240x128xf32, #tpu.memory_space<vmem_shared>>)
      tpu.yield
    }) : () -> ()
    %add3A_77 = arith.constant 240 : i32
    %add3A_78 = arith.addi %mul3A_2, %add3A_77 : i32
    %dma_start3A_79 = tpu.memref_slice %arg3[%add3A_78] : memref<320000xi32, #tpu.memory_space<hbm>> -> memref<80xi32, #tpu.memory_space<hbm>>
    %dma_start3A_80 = tpu.memref_slice %arg3[%add3A_78] : memref<320000xi32, #tpu.memory_space<hbm>> -> memref<80xi32, #tpu.memory_space<hbm>>
    tpu.enqueue_dma source(%dma_start3A_80 : memref<80xi32, #tpu.memory_space<hbm>>) target(%arg6 : memref<80xi32, #tpu.memory_space<vmem>>) target_semaphore(%arg19 : memref<!tpu.dma_semaphore, #tpu.memory_space<semaphore_mem>>)
    %add3A_81 = arith.constant 240 : i32
    %add3A_82 = arith.addi %mul3A_2, %add3A_81 : i32
    %dma_start3A_83 = tpu.memref_slice %arg4[%add3A_82] : memref<320000xi32, #tpu.memory_space<hbm>> -> memref<80xi32, #tpu.memory_space<hbm>>
    %dma_start3A_84 = tpu.memref_slice %arg4[%add3A_82] : memref<320000xi32, #tpu.memory_space<hbm>> -> memref<80xi32, #tpu.memory_space<hbm>>
    tpu.enqueue_dma source(%dma_start3A_84 : memref<80xi32, #tpu.memory_space<hbm>>) target(%arg10 : memref<80xi32, #tpu.memory_space<vmem>>) target_semaphore(%arg19 : memref<!tpu.dma_semaphore, #tpu.memory_space<semaphore_mem>>)
    %dma_wait3A_85 = arith.constant 0 : i32
    %dma_wait3A_86 = tpu.memref_slice %arg3[%dma_wait3A_85] : memref<320000xi32, #tpu.memory_space<hbm>> -> memref<80xi32, #tpu.memory_space<hbm>>
    %dma_wait3A_87 = arith.constant 0 : i32
    %dma_wait3A_88 = tpu.memref_slice %arg3[%dma_wait3A_87] : memref<320000xi32, #tpu.memory_space<hbm>> -> memref<80xi32, #tpu.memory_space<hbm>>
    tpu.wait_dma2 semaphore(%arg22 : memref<!tpu.dma_semaphore, #tpu.memory_space<semaphore_mem>>) src(%dma_wait3A_88 : memref<80xi32, #tpu.memory_space<hbm>>) dst(%arg9 : memref<80xi32, #tpu.memory_space<vmem>>)
    %dma_wait3A_89 = arith.constant 0 : i32
    %dma_wait3A_90 = tpu.memref_slice %arg4[%dma_wait3A_89] : memref<320000xi32, #tpu.memory_space<hbm>> -> memref<80xi32, #tpu.memory_space<hbm>>
    %dma_wait3A_91 = arith.constant 0 : i32
    %dma_wait3A_92 = tpu.memref_slice %arg4[%dma_wait3A_91] : memref<320000xi32, #tpu.memory_space<hbm>> -> memref<80xi32, #tpu.memory_space<hbm>>
    tpu.wait_dma2 semaphore(%arg22 : memref<!tpu.dma_semaphore, #tpu.memory_space<semaphore_mem>>) src(%dma_wait3A_92 : memref<80xi32, #tpu.memory_space<hbm>>) dst(%arg13 : memref<80xi32, #tpu.memory_space<vmem>>)
    %dma_start3A_93 = arith.constant 0 : i32
    %dma_start3A_94 = arith.constant 0 : i32
    %dma_start3A_95 = tpu.memref_slice %arg2[%dma_start3A_93, %dma_start3A_94] : memref<10240x128xf32, #tpu.memory_space<hbm>> -> memref<10240x128xf32, #tpu.memory_space<hbm>>
    tpu.enqueue_indirect_dma source(%dma_start3A_95 : memref<10240x128xf32, #tpu.memory_space<hbm>>) target(%arg17 : memref<80x128xf32, #tpu.memory_space<vmem>>) offsets(%arg9 : memref<80xi32, #tpu.memory_space<vmem>>) semaphore(%arg26 : memref<!tpu.dma_semaphore, #tpu.memory_space<semaphore_mem>>)
    %dma_wait3A_96 = arith.constant 0 : i32
    %dma_wait3A_97 = arith.constant 0 : i32
    %dma_wait3A_98 = tpu.memref_slice %arg2[%dma_wait3A_96, %dma_wait3A_97] : memref<10240x128xf32, #tpu.memory_space<hbm>> -> memref<10240x128xf32, #tpu.memory_space<hbm>>
    tpu.wait_indirect_dma semaphore(%arg24 : memref<!tpu.dma_semaphore, #tpu.memory_space<semaphore_mem>>) src(%dma_wait3A_98 : memref<10240x128xf32, #tpu.memory_space<hbm>>) dst(%arg15 : memref<80x128xf32, #tpu.memory_space<vmem>>)
    %dma_wait3A_99 = arith.constant 0 : i32
    %dma_wait3A_100 = arith.constant 0 : i32
    %dma_wait3A_101 = tpu.memref_slice %arg2[%dma_wait3A_99, %dma_wait3A_100] : memref<10240x128xf32, #tpu.memory_space<hbm>> -> memref<10240x128xf32, #tpu.memory_space<hbm>>
    tpu.wait_indirect_dma semaphore(%arg25 : memref<!tpu.dma_semaphore, #tpu.memory_space<semaphore_mem>>) src(%dma_wait3A_101 : memref<10240x128xf32, #tpu.memory_space<hbm>>) dst(%arg16 : memref<80x128xf32, #tpu.memory_space<vmem>>)
    %dma_wait3A_102 = arith.constant 0 : i32
    %dma_wait3A_103 = arith.constant 0 : i32
    %dma_wait3A_104 = tpu.memref_slice %arg2[%dma_wait3A_102, %dma_wait3A_103] : memref<10240x128xf32, #tpu.memory_space<hbm>> -> memref<10240x128xf32, #tpu.memory_space<hbm>>
    tpu.wait_indirect_dma semaphore(%arg26 : memref<!tpu.dma_semaphore, #tpu.memory_space<semaphore_mem>>) src(%dma_wait3A_104 : memref<10240x128xf32, #tpu.memory_space<hbm>>) dst(%arg17 : memref<80x128xf32, #tpu.memory_space<vmem>>)
    %dma_wait3A_105 = arith.constant 0 : i32
    %dma_wait3A_106 = tpu.memref_slice %arg3[%dma_wait3A_105] : memref<320000xi32, #tpu.memory_space<hbm>> -> memref<80xi32, #tpu.memory_space<hbm>>
    %dma_wait3A_107 = arith.constant 0 : i32
    %dma_wait3A_108 = tpu.memref_slice %arg3[%dma_wait3A_107] : memref<320000xi32, #tpu.memory_space<hbm>> -> memref<80xi32, #tpu.memory_space<hbm>>
    tpu.wait_dma2 semaphore(%arg19 : memref<!tpu.dma_semaphore, #tpu.memory_space<semaphore_mem>>) src(%dma_wait3A_108 : memref<80xi32, #tpu.memory_space<hbm>>) dst(%arg6 : memref<80xi32, #tpu.memory_space<vmem>>)
    %dma_wait3A_109 = arith.constant 0 : i32
    %dma_wait3A_110 = tpu.memref_slice %arg4[%dma_wait3A_109] : memref<320000xi32, #tpu.memory_space<hbm>> -> memref<80xi32, #tpu.memory_space<hbm>>
    %dma_wait3A_111 = arith.constant 0 : i32
    %dma_wait3A_112 = tpu.memref_slice %arg4[%dma_wait3A_111] : memref<320000xi32, #tpu.memory_space<hbm>> -> memref<80xi32, #tpu.memory_space<hbm>>
    tpu.wait_dma2 semaphore(%arg19 : memref<!tpu.dma_semaphore, #tpu.memory_space<semaphore_mem>>) src(%dma_wait3A_112 : memref<80xi32, #tpu.memory_space<hbm>>) dst(%arg10 : memref<80xi32, #tpu.memory_space<vmem>>)
    %barrier3A_113 = arith.constant 0 : index
    tpu.barrier barrier_id(%barrier3A_113)
    %mul3A_114 = arith.constant 640 : i32
    %mul3A_115 = arith.muli %arg1, %mul3A_114 : i32
    %mul3A_116 = arith.constant 640 : i32
    %mul3A_117 = arith.muli %arg1, %mul3A_116 : i32
    "tpu.region"() ({
      %run_scoped3A = tpu.sem_alloc : memref<!tpu.dma_semaphore, #tpu.memory_space<semaphore_mem>>
      %dma_start3A_118 = arith.constant 0 : i32
      %dma_start3A_119 = tpu.memref_slice %arg5[%arg0, %mul3A_117, %dma_start3A_118] : memref<2x10240x128xf32, #tpu.memory_space<hbm>> -> memref<1x640x128xf32, #tpu.memory_space<hbm>>
      %dma_start3A_120 = tpu.memref_squeeze %dma_start3A_119 : memref<1x640x128xf32, #tpu.memory_space<hbm>> -> memref<640x128xf32, #tpu.memory_space<hbm>>
      %dma_start3A_121 = arith.constant 0 : i32
      %dma_start3A_122 = tpu.memref_slice %arg18[%mul3A_115, %dma_start3A_121] : memref<10240x128xf32, #tpu.memory_space<vmem_shared>> -> memref<640x128xf32, #tpu.memory_space<vmem_shared>>
      tpu.enqueue_dma source(%dma_start3A_122 : memref<640x128xf32, #tpu.memory_space<vmem_shared>>) target(%dma_start3A_120 : memref<640x128xf32, #tpu.memory_space<hbm>>) target_semaphore(%run_scoped3A : memref<!tpu.dma_semaphore, #tpu.memory_space<semaphore_mem>>)
      %dma_wait3A_123 = arith.constant 0 : i32
      %dma_wait3A_124 = tpu.memref_slice %arg5[%arg0, %mul3A_117, %dma_wait3A_123] : memref<2x10240x128xf32, #tpu.memory_space<hbm>> -> memref<1x640x128xf32, #tpu.memory_space<hbm>>
      %dma_wait3A_125 = tpu.memref_squeeze %dma_wait3A_124 : memref<1x640x128xf32, #tpu.memory_space<hbm>> -> memref<640x128xf32, #tpu.memory_space<hbm>>
      %dma_wait3A_126 = arith.constant 0 : i32
      %dma_wait3A_127 = tpu.memref_slice %arg18[%mul3A_115, %dma_wait3A_126] : memref<10240x128xf32, #tpu.memory_space<vmem_shared>> -> memref<640x128xf32, #tpu.memory_space<vmem_shared>>
      tpu.wait_dma2 semaphore(%run_scoped3A : memref<!tpu.dma_semaphore, #tpu.memory_space<semaphore_mem>>) src(%dma_wait3A_127 : memref<640x128xf32, #tpu.memory_space<vmem_shared>>) dst(%dma_wait3A_125 : memref<640x128xf32, #tpu.memory_space<hbm>>)
      tpu.yield
    }) : () -> ()
    return
  }
}

#map = affine_map<(d0, d1) -> (0, 0, 0)>
#map1 = affine_map<(d0, d1) -> (0, 0)>
module attributes {stable_mosaic.version = 14 : i64} {
  func.func @_deg_body(%arg0: i32, %arg1: i32, %arg2: memref<32x125x80xi32, #tpu.memory_space<hbm>>, %arg3: memref<2x10240xf32, #tpu.memory_space<hbm>>, %arg4: memref<125x80xi32, #tpu.memory_space<vmem>>, %arg5: memref<80xf32, #tpu.memory_space<vmem>>, %arg6: memref<640xf32, #tpu.memory_space<vmem>>, %arg7: memref<10240xf32, #tpu.memory_space<vmem_shared>>, %arg8: memref<!tpu.dma_semaphore, #tpu.memory_space<semaphore_mem>>) attributes {dimension_semantics = [#tpu.dimension_semantics<core_parallel>, #tpu.dimension_semantics<subcore_parallel>], iteration_bounds = array<i64: 2, 16>, scalar_prefetch = 0 : i64, scratch_operands = 5 : i64, tpu.core_type = #tpu.core_type<sc_vector_subcore>, window_params = [{transform_indices = #map}, {transform_indices = #map1}]} {
    %mul3A = arith.constant 2 : i32
    %mul3A_0 = arith.muli %arg1, %mul3A : i32
    %add3A = arith.addi %mul3A_0, %arg0 : i32
    %broadcast_in_dim3A = arith.constant 1.000000e+00 : f32
    %broadcast_in_dim3A_1 = vector.broadcast %broadcast_in_dim3A : f32 to vector<16xf32>
    %broadcast_in_dim3A_2 = arith.constant 0.000000e+00 : f32
    %broadcast_in_dim3A_3 = vector.broadcast %broadcast_in_dim3A_2 : f32 to vector<16xf32>
    %swap3A = arith.constant 0 : index
    %swap3A_4 = tpu.vector_load %arg5[%swap3A] {strides = array<i32>} : memref<80xf32, #tpu.memory_space<vmem>>, vector<16xf32>,
    %swap3A_5 = vector.shape_cast %swap3A_4 : vector<16xf32> to vector<16xf32>
    %swap3A_6 = vector.shape_cast %broadcast_in_dim3A_1 : vector<16xf32> to vector<16xf32>
    tpu.vector_store %arg5[%swap3A], %swap3A_6 {strides = array<i32>} : memref<80xf32, #tpu.memory_space<vmem>>, vector<16xf32>,
    %swap3A_7 = arith.constant 16 : index
    %swap3A_8 = tpu.vector_load %arg5[%swap3A_7] {strides = array<i32>} : memref<80xf32, #tpu.memory_space<vmem>>, vector<16xf32>,
    %swap3A_9 = vector.shape_cast %swap3A_8 : vector<16xf32> to vector<16xf32>
    %swap3A_10 = vector.shape_cast %broadcast_in_dim3A_1 : vector<16xf32> to vector<16xf32>
    tpu.vector_store %arg5[%swap3A_7], %swap3A_10 {strides = array<i32>} : memref<80xf32, #tpu.memory_space<vmem>>, vector<16xf32>,
    %swap3A_11 = arith.constant 32 : index
    %swap3A_12 = tpu.vector_load %arg5[%swap3A_11] {strides = array<i32>} : memref<80xf32, #tpu.memory_space<vmem>>, vector<16xf32>,
    %swap3A_13 = vector.shape_cast %swap3A_12 : vector<16xf32> to vector<16xf32>
    %swap3A_14 = vector.shape_cast %broadcast_in_dim3A_1 : vector<16xf32> to vector<16xf32>
    tpu.vector_store %arg5[%swap3A_11], %swap3A_14 {strides = array<i32>} : memref<80xf32, #tpu.memory_space<vmem>>, vector<16xf32>,
    %swap3A_15 = arith.constant 48 : index
    %swap3A_16 = tpu.vector_load %arg5[%swap3A_15] {strides = array<i32>} : memref<80xf32, #tpu.memory_space<vmem>>, vector<16xf32>,
    %swap3A_17 = vector.shape_cast %swap3A_16 : vector<16xf32> to vector<16xf32>
    %swap3A_18 = vector.shape_cast %broadcast_in_dim3A_1 : vector<16xf32> to vector<16xf32>
    tpu.vector_store %arg5[%swap3A_15], %swap3A_18 {strides = array<i32>} : memref<80xf32, #tpu.memory_space<vmem>>, vector<16xf32>,
    %swap3A_19 = arith.constant 64 : index
    %swap3A_20 = tpu.vector_load %arg5[%swap3A_19] {strides = array<i32>} : memref<80xf32, #tpu.memory_space<vmem>>, vector<16xf32>,
    %swap3A_21 = vector.shape_cast %swap3A_20 : vector<16xf32> to vector<16xf32>
    %swap3A_22 = vector.shape_cast %broadcast_in_dim3A_1 : vector<16xf32> to vector<16xf32>
    tpu.vector_store %arg5[%swap3A_19], %swap3A_22 {strides = array<i32>} : memref<80xf32, #tpu.memory_space<vmem>>, vector<16xf32>,
    %scan3A = arith.constant 0 : i32
    %scan3A_23 = arith.constant 0 : i32
    %scan3A_24 = arith.constant 40 : i32
    %scan3A_25 = arith.addi %scan3A_23, %scan3A_24 : i32
    %scan3A_26 = arith.constant 1 : i32
    scf.for %scan3A_135 = %scan3A_23 to %scan3A_25 step %scan3A_26  : i32 {
      %mul3A_136 = arith.constant 16 : i32
      %mul3A_137 = arith.muli %scan3A_135, %mul3A_136 : i32
      %swap3A_138 = arith.index_cast %mul3A_137 : i32 to index
      %swap3A_139 = tpu.vector_load %arg6[%swap3A_138] {strides = array<i32>} : memref<640xf32, #tpu.memory_space<vmem>>, vector<16xf32>,
      %swap3A_140 = vector.shape_cast %swap3A_139 : vector<16xf32> to vector<16xf32>
      %swap3A_141 = vector.shape_cast %broadcast_in_dim3A_3 : vector<16xf32> to vector<16xf32>
      tpu.vector_store %arg6[%swap3A_138], %swap3A_141 {strides = array<i32>} : memref<640xf32, #tpu.memory_space<vmem>>, vector<16xf32>,
    }
    %scan3A_27 = arith.constant 40 : i32
    %mul3A_28 = arith.constant 640 : i32
    %mul3A_29 = arith.muli %arg1, %mul3A_28 : i32
    "tpu.region"() ({
      %run_scoped3A = tpu.sem_alloc : memref<!tpu.dma_semaphore, #tpu.memory_space<semaphore_mem>>
      %dma_start3A_135 = tpu.memref_slice %arg7[%mul3A_29] : memref<10240xf32, #tpu.memory_space<vmem_shared>> -> memref<640xf32, #tpu.memory_space<vmem_shared>>
      %dma_start3A_136 = tpu.memref_slice %arg7[%mul3A_29] : memref<10240xf32, #tpu.memory_space<vmem_shared>> -> memref<640xf32, #tpu.memory_space<vmem_shared>>
      tpu.enqueue_dma source(%arg6 : memref<640xf32, #tpu.memory_space<vmem>>) target(%dma_start3A_136 : memref<640xf32, #tpu.memory_space<vmem_shared>>) target_semaphore(%run_scoped3A : memref<!tpu.dma_semaphore, #tpu.memory_space<semaphore_mem>>)
      %dma_wait3A_137 = tpu.memref_slice %arg7[%mul3A_29] : memref<10240xf32, #tpu.memory_space<vmem_shared>> -> memref<640xf32, #tpu.memory_space<vmem_shared>>
      %dma_wait3A_138 = tpu.memref_slice %arg7[%mul3A_29] : memref<10240xf32, #tpu.memory_space<vmem_shared>> -> memref<640xf32, #tpu.memory_space<vmem_shared>>
      tpu.wait_dma2 semaphore(%run_scoped3A : memref<!tpu.dma_semaphore, #tpu.memory_space<semaphore_mem>>) src(%arg6 : memref<640xf32, #tpu.memory_space<vmem>>) dst(%dma_wait3A_138 : memref<640xf32, #tpu.memory_space<vmem_shared>>)
      tpu.yield
    }) : () -> ()
    "tpu.region"() ({
      %run_scoped3A = tpu.sem_alloc : memref<!tpu.dma_semaphore, #tpu.memory_space<semaphore_mem>>
      %dma_start3A_135 = arith.constant 0 : i32
      %dma_start3A_136 = arith.constant 0 : i32
      %dma_start3A_137 = tpu.memref_slice %arg2[%add3A, %dma_start3A_135, %dma_start3A_136] : memref<32x125x80xi32, #tpu.memory_space<hbm>> -> memref<1x125x80xi32, #tpu.memory_space<hbm>>
      %dma_start3A_138 = tpu.memref_squeeze %dma_start3A_137 : memref<1x125x80xi32, #tpu.memory_space<hbm>> -> memref<125x80xi32, #tpu.memory_space<hbm>>
      %dma_start3A_139 = arith.constant 0 : i32
      %dma_start3A_140 = arith.constant 0 : i32
      %dma_start3A_141 = tpu.memref_slice %arg2[%add3A, %dma_start3A_139, %dma_start3A_140] : memref<32x125x80xi32, #tpu.memory_space<hbm>> -> memref<1x125x80xi32, #tpu.memory_space<hbm>>
      %dma_start3A_142 = tpu.memref_squeeze %dma_start3A_141 : memref<1x125x80xi32, #tpu.memory_space<hbm>> -> memref<125x80xi32, #tpu.memory_space<hbm>>
      tpu.enqueue_dma source(%dma_start3A_142 : memref<125x80xi32, #tpu.memory_space<hbm>>) target(%arg4 : memref<125x80xi32, #tpu.memory_space<vmem>>) target_semaphore(%run_scoped3A : memref<!tpu.dma_semaphore, #tpu.memory_space<semaphore_mem>>)
      %dma_wait3A_143 = arith.constant 0 : i32
      %dma_wait3A_144 = arith.constant 0 : i32
      %dma_wait3A_145 = tpu.memref_slice %arg2[%add3A, %dma_wait3A_143, %dma_wait3A_144] : memref<32x125x80xi32, #tpu.memory_space<hbm>> -> memref<1x125x80xi32, #tpu.memory_space<hbm>>
      %dma_wait3A_146 = tpu.memref_squeeze %dma_wait3A_145 : memref<1x125x80xi32, #tpu.memory_space<hbm>> -> memref<125x80xi32, #tpu.memory_space<hbm>>
      %dma_wait3A_147 = arith.constant 0 : i32
      %dma_wait3A_148 = arith.constant 0 : i32
      %dma_wait3A_149 = tpu.memref_slice %arg2[%add3A, %dma_wait3A_147, %dma_wait3A_148] : memref<32x125x80xi32, #tpu.memory_space<hbm>> -> memref<1x125x80xi32, #tpu.memory_space<hbm>>
      %dma_wait3A_150 = tpu.memref_squeeze %dma_wait3A_149 : memref<1x125x80xi32, #tpu.memory_space<hbm>> -> memref<125x80xi32, #tpu.memory_space<hbm>>
      tpu.wait_dma2 semaphore(%run_scoped3A : memref<!tpu.dma_semaphore, #tpu.memory_space<semaphore_mem>>) src(%dma_wait3A_150 : memref<125x80xi32, #tpu.memory_space<hbm>>) dst(%arg4 : memref<125x80xi32, #tpu.memory_space<vmem>>)
      tpu.yield
    }) : () -> ()
    %barrier3A = arith.constant 0 : index
    tpu.barrier barrier_id(%barrier3A)
    %dma_start3A = arith.constant 0 : i32
    %dma_start3A_30 = arith.constant 0 : i32
    %dma_start3A_31 = tpu.memref_slice %arg4[%dma_start3A, %dma_start3A_30] : memref<125x80xi32, #tpu.memory_space<vmem>> -> memref<1x80xi32, #tpu.memory_space<vmem>>
    %dma_start3A_32 = tpu.memref_squeeze %dma_start3A_31 : memref<1x80xi32, #tpu.memory_space<vmem>> -> memref<80xi32, #tpu.memory_space<vmem>>
    %dma_start3A_33 = arith.constant 0 : i32
    %dma_start3A_34 = tpu.memref_slice %arg7[%dma_start3A_33] : memref<10240xf32, #tpu.memory_space<vmem_shared>> -> memref<10240xf32, #tpu.memory_space<vmem_shared>>
    tpu.enqueue_indirect_dma source(%arg5 : memref<80xf32, #tpu.memory_space<vmem>>) target(%dma_start3A_34 : memref<10240xf32, #tpu.memory_space<vmem_shared>>) offsets(%dma_start3A_32 : memref<80xi32, #tpu.memory_space<vmem>>) semaphore(%arg8 : memref<!tpu.dma_semaphore, #tpu.memory_space<semaphore_mem>>) {add = true}
    %dma_start3A_35 = arith.constant 1 : i32
    %dma_start3A_36 = arith.constant 0 : i32
    %dma_start3A_37 = tpu.memref_slice %arg4[%dma_start3A_35, %dma_start3A_36] : memref<125x80xi32, #tpu.memory_space<vmem>> -> memref<1x80xi32, #tpu.memory_space<vmem>>
    %dma_start3A_38 = tpu.memref_squeeze %dma_start3A_37 : memref<1x80xi32, #tpu.memory_space<vmem>> -> memref<80xi32, #tpu.memory_space<vmem>>
    %dma_start3A_39 = arith.constant 0 : i32
    %dma_start3A_40 = tpu.memref_slice %arg7[%dma_start3A_39] : memref<10240xf32, #tpu.memory_space<vmem_shared>> -> memref<10240xf32, #tpu.memory_space<vmem_shared>>
    tpu.enqueue_indirect_dma source(%arg5 : memref<80xf32, #tpu.memory_space<vmem>>) target(%dma_start3A_40 : memref<10240xf32, #tpu.memory_space<vmem_shared>>) offsets(%dma_start3A_38 : memref<80xi32, #tpu.memory_space<vmem>>) semaphore(%arg8 : memref<!tpu.dma_semaphore, #tpu.memory_space<semaphore_mem>>) {add = true}
    %dma_start3A_41 = arith.constant 2 : i32
    %dma_start3A_42 = arith.constant 0 : i32
    %dma_start3A_43 = tpu.memref_slice %arg4[%dma_start3A_41, %dma_start3A_42] : memref<125x80xi32, #tpu.memory_space<vmem>> -> memref<1x80xi32, #tpu.memory_space<vmem>>
    %dma_start3A_44 = tpu.memref_squeeze %dma_start3A_43 : memref<1x80xi32, #tpu.memory_space<vmem>> -> memref<80xi32, #tpu.memory_space<vmem>>
    %dma_start3A_45 = arith.constant 0 : i32
    %dma_start3A_46 = tpu.memref_slice %arg7[%dma_start3A_45] : memref<10240xf32, #tpu.memory_space<vmem_shared>> -> memref<10240xf32, #tpu.memory_space<vmem_shared>>
    tpu.enqueue_indirect_dma source(%arg5 : memref<80xf32, #tpu.memory_space<vmem>>) target(%dma_start3A_46 : memref<10240xf32, #tpu.memory_space<vmem_shared>>) offsets(%dma_start3A_44 : memref<80xi32, #tpu.memory_space<vmem>>) semaphore(%arg8 : memref<!tpu.dma_semaphore, #tpu.memory_space<semaphore_mem>>) {add = true}
    %dma_start3A_47 = arith.constant 3 : i32
    %dma_start3A_48 = arith.constant 0 : i32
    %dma_start3A_49 = tpu.memref_slice %arg4[%dma_start3A_47, %dma_start3A_48] : memref<125x80xi32, #tpu.memory_space<vmem>> -> memref<1x80xi32, #tpu.memory_space<vmem>>
    %dma_start3A_50 = tpu.memref_squeeze %dma_start3A_49 : memref<1x80xi32, #tpu.memory_space<vmem>> -> memref<80xi32, #tpu.memory_space<vmem>>
    %dma_start3A_51 = arith.constant 0 : i32
    %dma_start3A_52 = tpu.memref_slice %arg7[%dma_start3A_51] : memref<10240xf32, #tpu.memory_space<vmem_shared>> -> memref<10240xf32, #tpu.memory_space<vmem_shared>>
    tpu.enqueue_indirect_dma source(%arg5 : memref<80xf32, #tpu.memory_space<vmem>>) target(%dma_start3A_52 : memref<10240xf32, #tpu.memory_space<vmem_shared>>) offsets(%dma_start3A_50 : memref<80xi32, #tpu.memory_space<vmem>>) semaphore(%arg8 : memref<!tpu.dma_semaphore, #tpu.memory_space<semaphore_mem>>) {add = true}
    %dma_start3A_53 = arith.constant 4 : i32
    %dma_start3A_54 = arith.constant 0 : i32
    %dma_start3A_55 = tpu.memref_slice %arg4[%dma_start3A_53, %dma_start3A_54] : memref<125x80xi32, #tpu.memory_space<vmem>> -> memref<1x80xi32, #tpu.memory_space<vmem>>
    %dma_start3A_56 = tpu.memref_squeeze %dma_start3A_55 : memref<1x80xi32, #tpu.memory_space<vmem>> -> memref<80xi32, #tpu.memory_space<vmem>>
    %dma_start3A_57 = arith.constant 0 : i32
    %dma_start3A_58 = tpu.memref_slice %arg7[%dma_start3A_57] : memref<10240xf32, #tpu.memory_space<vmem_shared>> -> memref<10240xf32, #tpu.memory_space<vmem_shared>>
    tpu.enqueue_indirect_dma source(%arg5 : memref<80xf32, #tpu.memory_space<vmem>>) target(%dma_start3A_58 : memref<10240xf32, #tpu.memory_space<vmem_shared>>) offsets(%dma_start3A_56 : memref<80xi32, #tpu.memory_space<vmem>>) semaphore(%arg8 : memref<!tpu.dma_semaphore, #tpu.memory_space<semaphore_mem>>) {add = true}
    %dma_start3A_59 = arith.constant 5 : i32
    %dma_start3A_60 = arith.constant 0 : i32
    %dma_start3A_61 = tpu.memref_slice %arg4[%dma_start3A_59, %dma_start3A_60] : memref<125x80xi32, #tpu.memory_space<vmem>> -> memref<1x80xi32, #tpu.memory_space<vmem>>
    %dma_start3A_62 = tpu.memref_squeeze %dma_start3A_61 : memref<1x80xi32, #tpu.memory_space<vmem>> -> memref<80xi32, #tpu.memory_space<vmem>>
    %dma_start3A_63 = arith.constant 0 : i32
    %dma_start3A_64 = tpu.memref_slice %arg7[%dma_start3A_63] : memref<10240xf32, #tpu.memory_space<vmem_shared>> -> memref<10240xf32, #tpu.memory_space<vmem_shared>>
    tpu.enqueue_indirect_dma source(%arg5 : memref<80xf32, #tpu.memory_space<vmem>>) target(%dma_start3A_64 : memref<10240xf32, #tpu.memory_space<vmem_shared>>) offsets(%dma_start3A_62 : memref<80xi32, #tpu.memory_space<vmem>>) semaphore(%arg8 : memref<!tpu.dma_semaphore, #tpu.memory_space<semaphore_mem>>) {add = true}
    %dma_start3A_65 = arith.constant 6 : i32
    %dma_start3A_66 = arith.constant 0 : i32
    %dma_start3A_67 = tpu.memref_slice %arg4[%dma_start3A_65, %dma_start3A_66] : memref<125x80xi32, #tpu.memory_space<vmem>> -> memref<1x80xi32, #tpu.memory_space<vmem>>
    %dma_start3A_68 = tpu.memref_squeeze %dma_start3A_67 : memref<1x80xi32, #tpu.memory_space<vmem>> -> memref<80xi32, #tpu.memory_space<vmem>>
    %dma_start3A_69 = arith.constant 0 : i32
    %dma_start3A_70 = tpu.memref_slice %arg7[%dma_start3A_69] : memref<10240xf32, #tpu.memory_space<vmem_shared>> -> memref<10240xf32, #tpu.memory_space<vmem_shared>>
    tpu.enqueue_indirect_dma source(%arg5 : memref<80xf32, #tpu.memory_space<vmem>>) target(%dma_start3A_70 : memref<10240xf32, #tpu.memory_space<vmem_shared>>) offsets(%dma_start3A_68 : memref<80xi32, #tpu.memory_space<vmem>>) semaphore(%arg8 : memref<!tpu.dma_semaphore, #tpu.memory_space<semaphore_mem>>) {add = true}
    %dma_start3A_71 = arith.constant 7 : i32
    %dma_start3A_72 = arith.constant 0 : i32
    %dma_start3A_73 = tpu.memref_slice %arg4[%dma_start3A_71, %dma_start3A_72] : memref<125x80xi32, #tpu.memory_space<vmem>> -> memref<1x80xi32, #tpu.memory_space<vmem>>
    %dma_start3A_74 = tpu.memref_squeeze %dma_start3A_73 : memref<1x80xi32, #tpu.memory_space<vmem>> -> memref<80xi32, #tpu.memory_space<vmem>>
    %dma_start3A_75 = arith.constant 0 : i32
    %dma_start3A_76 = tpu.memref_slice %arg7[%dma_start3A_75] : memref<10240xf32, #tpu.memory_space<vmem_shared>> -> memref<10240xf32, #tpu.memory_space<vmem_shared>>
    tpu.enqueue_indirect_dma source(%arg5 : memref<80xf32, #tpu.memory_space<vmem>>) target(%dma_start3A_76 : memref<10240xf32, #tpu.memory_space<vmem_shared>>) offsets(%dma_start3A_74 : memref<80xi32, #tpu.memory_space<vmem>>) semaphore(%arg8 : memref<!tpu.dma_semaphore, #tpu.memory_space<semaphore_mem>>) {add = true}
    %scan3A_77 = arith.constant 0 : i32
    %scan3A_78 = arith.constant 0 : i32
    %scan3A_79 = arith.constant 117 : i32
    %scan3A_80 = arith.addi %scan3A_78, %scan3A_79 : i32
    %scan3A_81 = arith.constant 1 : i32
    scf.for %scan3A_135 = %scan3A_78 to %scan3A_80 step %scan3A_81  : i32 {
      %dma_wait3A_136 = arith.constant 0 : i32
      %dma_wait3A_137 = arith.constant 0 : i32
      %dma_wait3A_138 = tpu.memref_slice %arg4[%dma_wait3A_136, %dma_wait3A_137] : memref<125x80xi32, #tpu.memory_space<vmem>> -> memref<1x80xi32, #tpu.memory_space<vmem>>
      %dma_wait3A_139 = tpu.memref_squeeze %dma_wait3A_138 : memref<1x80xi32, #tpu.memory_space<vmem>> -> memref<80xi32, #tpu.memory_space<vmem>>
      %dma_wait3A_140 = arith.constant 0 : i32
      %dma_wait3A_141 = tpu.memref_slice %arg7[%dma_wait3A_140] : memref<10240xf32, #tpu.memory_space<vmem_shared>> -> memref<10240xf32, #tpu.memory_space<vmem_shared>>
      tpu.wait_indirect_dma semaphore(%arg8 : memref<!tpu.dma_semaphore, #tpu.memory_space<semaphore_mem>>) src(%arg5 : memref<80xf32, #tpu.memory_space<vmem>>) dst(%dma_wait3A_141 : memref<10240xf32, #tpu.memory_space<vmem_shared>>)
      %add3A_142 = arith.constant 8 : i32
      %add3A_143 = arith.addi %scan3A_135, %add3A_142 : i32
      %dma_start3A_144 = arith.constant 0 : i32
      %dma_start3A_145 = tpu.memref_slice %arg4[%add3A_143, %dma_start3A_144] : memref<125x80xi32, #tpu.memory_space<vmem>> -> memref<1x80xi32, #tpu.memory_space<vmem>>
      %dma_start3A_146 = tpu.memref_squeeze %dma_start3A_145 : memref<1x80xi32, #tpu.memory_space<vmem>> -> memref<80xi32, #tpu.memory_space<vmem>>
      %dma_start3A_147 = arith.constant 0 : i32
      %dma_start3A_148 = tpu.memref_slice %arg7[%dma_start3A_147] : memref<10240xf32, #tpu.memory_space<vmem_shared>> -> memref<10240xf32, #tpu.memory_space<vmem_shared>>
      tpu.enqueue_indirect_dma source(%arg5 : memref<80xf32, #tpu.memory_space<vmem>>) target(%dma_start3A_148 : memref<10240xf32, #tpu.memory_space<vmem_shared>>) offsets(%dma_start3A_146 : memref<80xi32, #tpu.memory_space<vmem>>) semaphore(%arg8 : memref<!tpu.dma_semaphore, #tpu.memory_space<semaphore_mem>>) {add = true}
    }
    %scan3A_82 = arith.constant 117 : i32
    %dma_wait3A = arith.constant 0 : i32
    %dma_wait3A_83 = arith.constant 0 : i32
    %dma_wait3A_84 = tpu.memref_slice %arg4[%dma_wait3A, %dma_wait3A_83] : memref<125x80xi32, #tpu.memory_space<vmem>> -> memref<1x80xi32, #tpu.memory_space<vmem>>
    %dma_wait3A_85 = tpu.memref_squeeze %dma_wait3A_84 : memref<1x80xi32, #tpu.memory_space<vmem>> -> memref<80xi32, #tpu.memory_space<vmem>>
    %dma_wait3A_86 = arith.constant 0 : i32
    %dma_wait3A_87 = tpu.memref_slice %arg7[%dma_wait3A_86] : memref<10240xf32, #tpu.memory_space<vmem_shared>> -> memref<10240xf32, #tpu.memory_space<vmem_shared>>
    tpu.wait_indirect_dma semaphore(%arg8 : memref<!tpu.dma_semaphore, #tpu.memory_space<semaphore_mem>>) src(%arg5 : memref<80xf32, #tpu.memory_space<vmem>>) dst(%dma_wait3A_87 : memref<10240xf32, #tpu.memory_space<vmem_shared>>)
    %dma_wait3A_88 = arith.constant 0 : i32
    %dma_wait3A_89 = arith.constant 0 : i32
    %dma_wait3A_90 = tpu.memref_slice %arg4[%dma_wait3A_88, %dma_wait3A_89] : memref<125x80xi32, #tpu.memory_space<vmem>> -> memref<1x80xi32, #tpu.memory_space<vmem>>
    %dma_wait3A_91 = tpu.memref_squeeze %dma_wait3A_90 : memref<1x80xi32, #tpu.memory_space<vmem>> -> memref<80xi32, #tpu.memory_space<vmem>>
    %dma_wait3A_92 = arith.constant 0 : i32
    %dma_wait3A_93 = tpu.memref_slice %arg7[%dma_wait3A_92] : memref<10240xf32, #tpu.memory_space<vmem_shared>> -> memref<10240xf32, #tpu.memory_space<vmem_shared>>
    tpu.wait_indirect_dma semaphore(%arg8 : memref<!tpu.dma_semaphore, #tpu.memory_space<semaphore_mem>>) src(%arg5 : memref<80xf32, #tpu.memory_space<vmem>>) dst(%dma_wait3A_93 : memref<10240xf32, #tpu.memory_space<vmem_shared>>)
    %dma_wait3A_94 = arith.constant 0 : i32
    %dma_wait3A_95 = arith.constant 0 : i32
    %dma_wait3A_96 = tpu.memref_slice %arg4[%dma_wait3A_94, %dma_wait3A_95] : memref<125x80xi32, #tpu.memory_space<vmem>> -> memref<1x80xi32, #tpu.memory_space<vmem>>
    %dma_wait3A_97 = tpu.memref_squeeze %dma_wait3A_96 : memref<1x80xi32, #tpu.memory_space<vmem>> -> memref<80xi32, #tpu.memory_space<vmem>>
    %dma_wait3A_98 = arith.constant 0 : i32
    %dma_wait3A_99 = tpu.memref_slice %arg7[%dma_wait3A_98] : memref<10240xf32, #tpu.memory_space<vmem_shared>> -> memref<10240xf32, #tpu.memory_space<vmem_shared>>
    tpu.wait_indirect_dma semaphore(%arg8 : memref<!tpu.dma_semaphore, #tpu.memory_space<semaphore_mem>>) src(%arg5 : memref<80xf32, #tpu.memory_space<vmem>>) dst(%dma_wait3A_99 : memref<10240xf32, #tpu.memory_space<vmem_shared>>)
    %dma_wait3A_100 = arith.constant 0 : i32
    %dma_wait3A_101 = arith.constant 0 : i32
    %dma_wait3A_102 = tpu.memref_slice %arg4[%dma_wait3A_100, %dma_wait3A_101] : memref<125x80xi32, #tpu.memory_space<vmem>> -> memref<1x80xi32, #tpu.memory_space<vmem>>
    %dma_wait3A_103 = tpu.memref_squeeze %dma_wait3A_102 : memref<1x80xi32, #tpu.memory_space<vmem>> -> memref<80xi32, #tpu.memory_space<vmem>>
    %dma_wait3A_104 = arith.constant 0 : i32
    %dma_wait3A_105 = tpu.memref_slice %arg7[%dma_wait3A_104] : memref<10240xf32, #tpu.memory_space<vmem_shared>> -> memref<10240xf32, #tpu.memory_space<vmem_shared>>
    tpu.wait_indirect_dma semaphore(%arg8 : memref<!tpu.dma_semaphore, #tpu.memory_space<semaphore_mem>>) src(%arg5 : memref<80xf32, #tpu.memory_space<vmem>>) dst(%dma_wait3A_105 : memref<10240xf32, #tpu.memory_space<vmem_shared>>)
    %dma_wait3A_106 = arith.constant 0 : i32
    %dma_wait3A_107 = arith.constant 0 : i32
    %dma_wait3A_108 = tpu.memref_slice %arg4[%dma_wait3A_106, %dma_wait3A_107] : memref<125x80xi32, #tpu.memory_space<vmem>> -> memref<1x80xi32, #tpu.memory_space<vmem>>
    %dma_wait3A_109 = tpu.memref_squeeze %dma_wait3A_108 : memref<1x80xi32, #tpu.memory_space<vmem>> -> memref<80xi32, #tpu.memory_space<vmem>>
    %dma_wait3A_110 = arith.constant 0 : i32
    %dma_wait3A_111 = tpu.memref_slice %arg7[%dma_wait3A_110] : memref<10240xf32, #tpu.memory_space<vmem_shared>> -> memref<10240xf32, #tpu.memory_space<vmem_shared>>
    tpu.wait_indirect_dma semaphore(%arg8 : memref<!tpu.dma_semaphore, #tpu.memory_space<semaphore_mem>>) src(%arg5 : memref<80xf32, #tpu.memory_space<vmem>>) dst(%dma_wait3A_111 : memref<10240xf32, #tpu.memory_space<vmem_shared>>)
    %dma_wait3A_112 = arith.constant 0 : i32
    %dma_wait3A_113 = arith.constant 0 : i32
    %dma_wait3A_114 = tpu.memref_slice %arg4[%dma_wait3A_112, %dma_wait3A_113] : memref<125x80xi32, #tpu.memory_space<vmem>> -> memref<1x80xi32, #tpu.memory_space<vmem>>
    %dma_wait3A_115 = tpu.memref_squeeze %dma_wait3A_114 : memref<1x80xi32, #tpu.memory_space<vmem>> -> memref<80xi32, #tpu.memory_space<vmem>>
    %dma_wait3A_116 = arith.constant 0 : i32
    %dma_wait3A_117 = tpu.memref_slice %arg7[%dma_wait3A_116] : memref<10240xf32, #tpu.memory_space<vmem_shared>> -> memref<10240xf32, #tpu.memory_space<vmem_shared>>
    tpu.wait_indirect_dma semaphore(%arg8 : memref<!tpu.dma_semaphore, #tpu.memory_space<semaphore_mem>>) src(%arg5 : memref<80xf32, #tpu.memory_space<vmem>>) dst(%dma_wait3A_117 : memref<10240xf32, #tpu.memory_space<vmem_shared>>)
    %dma_wait3A_118 = arith.constant 0 : i32
    %dma_wait3A_119 = arith.constant 0 : i32
    %dma_wait3A_120 = tpu.memref_slice %arg4[%dma_wait3A_118, %dma_wait3A_119] : memref<125x80xi32, #tpu.memory_space<vmem>> -> memref<1x80xi32, #tpu.memory_space<vmem>>
    %dma_wait3A_121 = tpu.memref_squeeze %dma_wait3A_120 : memref<1x80xi32, #tpu.memory_space<vmem>> -> memref<80xi32, #tpu.memory_space<vmem>>
    %dma_wait3A_122 = arith.constant 0 : i32
    %dma_wait3A_123 = tpu.memref_slice %arg7[%dma_wait3A_122] : memref<10240xf32, #tpu.memory_space<vmem_shared>> -> memref<10240xf32, #tpu.memory_space<vmem_shared>>
    tpu.wait_indirect_dma semaphore(%arg8 : memref<!tpu.dma_semaphore, #tpu.memory_space<semaphore_mem>>) src(%arg5 : memref<80xf32, #tpu.memory_space<vmem>>) dst(%dma_wait3A_123 : memref<10240xf32, #tpu.memory_space<vmem_shared>>)
    %dma_wait3A_124 = arith.constant 0 : i32
    %dma_wait3A_125 = arith.constant 0 : i32
    %dma_wait3A_126 = tpu.memref_slice %arg4[%dma_wait3A_124, %dma_wait3A_125] : memref<125x80xi32, #tpu.memory_space<vmem>> -> memref<1x80xi32, #tpu.memory_space<vmem>>
    %dma_wait3A_127 = tpu.memref_squeeze %dma_wait3A_126 : memref<1x80xi32, #tpu.memory_space<vmem>> -> memref<80xi32, #tpu.memory_space<vmem>>
    %dma_wait3A_128 = arith.constant 0 : i32
    %dma_wait3A_129 = tpu.memref_slice %arg7[%dma_wait3A_128] : memref<10240xf32, #tpu.memory_space<vmem_shared>> -> memref<10240xf32, #tpu.memory_space<vmem_shared>>
    tpu.wait_indirect_dma semaphore(%arg8 : memref<!tpu.dma_semaphore, #tpu.memory_space<semaphore_mem>>) src(%arg5 : memref<80xf32, #tpu.memory_space<vmem>>) dst(%dma_wait3A_129 : memref<10240xf32, #tpu.memory_space<vmem_shared>>)
    %barrier3A_130 = arith.constant 0 : index
    tpu.barrier barrier_id(%barrier3A_130)
    %mul3A_131 = arith.constant 640 : i32
    %mul3A_132 = arith.muli %arg1, %mul3A_131 : i32
    %mul3A_133 = arith.constant 640 : i32
    %mul3A_134 = arith.muli %arg1, %mul3A_133 : i32
    "tpu.region"() ({
      %run_scoped3A = tpu.sem_alloc : memref<!tpu.dma_semaphore, #tpu.memory_space<semaphore_mem>>
      %dma_start3A_135 = tpu.memref_slice %arg3[%arg0, %mul3A_134] : memref<2x10240xf32, #tpu.memory_space<hbm>> -> memref<1x640xf32, #tpu.memory_space<hbm>>
      %dma_start3A_136 = tpu.memref_squeeze %dma_start3A_135 : memref<1x640xf32, #tpu.memory_space<hbm>> -> memref<640xf32, #tpu.memory_space<hbm>>
      %dma_start3A_137 = tpu.memref_slice %arg7[%mul3A_132] : memref<10240xf32, #tpu.memory_space<vmem_shared>> -> memref<640xf32, #tpu.memory_space<vmem_shared>>
      tpu.enqueue_dma source(%dma_start3A_137 : memref<640xf32, #tpu.memory_space<vmem_shared>>) target(%dma_start3A_136 : memref<640xf32, #tpu.memory_space<hbm>>) target_semaphore(%run_scoped3A : memref<!tpu.dma_semaphore, #tpu.memory_space<semaphore_mem>>)
      %dma_wait3A_138 = tpu.memref_slice %arg3[%arg0, %mul3A_134] : memref<2x10240xf32, #tpu.memory_space<hbm>> -> memref<1x640xf32, #tpu.memory_space<hbm>>
      %dma_wait3A_139 = tpu.memref_squeeze %dma_wait3A_138 : memref<1x640xf32, #tpu.memory_space<hbm>> -> memref<640xf32, #tpu.memory_space<hbm>>
      %dma_wait3A_140 = tpu.memref_slice %arg7[%mul3A_132] : memref<10240xf32, #tpu.memory_space<vmem_shared>> -> memref<640xf32, #tpu.memory_space<vmem_shared>>
      tpu.wait_dma2 semaphore(%run_scoped3A : memref<!tpu.dma_semaphore, #tpu.memory_space<semaphore_mem>>) src(%dma_wait3A_140 : memref<640xf32, #tpu.memory_space<vmem_shared>>) dst(%dma_wait3A_139 : memref<640xf32, #tpu.memory_space<hbm>>)
      tpu.yield
    }) : () -> ()
    return
  }
}

#map = affine_map<(d0, d1) -> (0, 0)>
#map1 = affine_map<(d0, d1) -> (0)>
#map2 = affine_map<(d0, d1) -> (0, 0, 0)>
module attributes {stable_mosaic.version = 14 : i64} {
  func.func @_agg_body(%arg0: i32, %arg1: i32, %arg2: memref<10240x128xf32, #tpu.memory_space<hbm>>, %arg3: memref<320000xi32, #tpu.memory_space<hbm>>, %arg4: memref<320000xi32, #tpu.memory_space<hbm>>, %arg5: memref<2x10240x128xf32, #tpu.memory_space<hbm>>, %arg6: memref<80xi32, #tpu.memory_space<vmem>>, %arg7: memref<80xi32, #tpu.memory_space<vmem>>, %arg8: memref<80xi32, #tpu.memory_space<vmem>>, %arg9: memref<80xi32, #tpu.memory_space<vmem>>, %arg10: memref<80xi32, #tpu.memory_space<vmem>>, %arg11: memref<80xi32, #tpu.memory_space<vmem>>, %arg12: memref<80xi32, #tpu.memory_space<vmem>>, %arg13: memref<80xi32, #tpu.memory_space<vmem>>, %arg14: memref<80x128xf32, #tpu.memory_space<vmem>>, %arg15: memref<80x128xf32, #tpu.memory_space<vmem>>, %arg16: memref<80x128xf32, #tpu.memory_space<vmem>>, %arg17: memref<80x128xf32, #tpu.memory_space<vmem>>, %arg18: memref<10240x128xf32, #tpu.memory_space<vmem_shared>>, %arg19: memref<!tpu.dma_semaphore, #tpu.memory_space<semaphore_mem>>, %arg20: memref<!tpu.dma_semaphore, #tpu.memory_space<semaphore_mem>>, %arg21: memref<!tpu.dma_semaphore, #tpu.memory_space<semaphore_mem>>, %arg22: memref<!tpu.dma_semaphore, #tpu.memory_space<semaphore_mem>>, %arg23: memref<!tpu.dma_semaphore, #tpu.memory_space<semaphore_mem>>, %arg24: memref<!tpu.dma_semaphore, #tpu.memory_space<semaphore_mem>>, %arg25: memref<!tpu.dma_semaphore, #tpu.memory_space<semaphore_mem>>, %arg26: memref<!tpu.dma_semaphore, #tpu.memory_space<semaphore_mem>>) attributes {dimension_semantics = [#tpu.dimension_semantics<core_parallel>, #tpu.dimension_semantics<subcore_parallel>], iteration_bounds = array<i64: 2, 16>, scalar_prefetch = 0 : i64, scratch_operands = 21 : i64, tpu.core_type = #tpu.core_type<sc_vector_subcore>, window_params = [{transform_indices = #map}, {transform_indices = #map1}, {transform_indices = #map1}, {transform_indices = #map2}]} {
    %mul3A = arith.constant 2 : i32
    %mul3A_0 = arith.muli %arg1, %mul3A : i32
    %add3A = arith.addi %mul3A_0, %arg0 : i32
    %mul3A_1 = arith.constant 10000 : i32
    %mul3A_2 = arith.muli %add3A, %mul3A_1 : i32
    %broadcast_in_dim3A = arith.constant 0.000000e+00 : f32
    %broadcast_in_dim3A_3 = vector.broadcast %broadcast_in_dim3A : f32 to vector<16xf32>
    %scan3A = arith.constant 0 : i32
    %scan3A_4 = arith.constant 0 : i32
    %scan3A_5 = arith.constant 80 : i32
    %scan3A_6 = arith.addi %scan3A_4, %scan3A_5 : i32
    %scan3A_7 = arith.constant 1 : i32
    scf.for %scan3A_118 = %scan3A_4 to %scan3A_6 step %scan3A_7  : i32 {
      %swap3A = arith.index_cast %scan3A_118 : i32 to index
      %swap3A_119 = arith.constant 0 : index
      %swap3A_120 = tpu.vector_load %arg14[%swap3A, %swap3A_119] {strides = array<i32>} : memref<80x128xf32, #tpu.memory_space<vmem>>, vector<1x16xf32>,
      %swap3A_121 = vector.shape_cast %swap3A_120 : vector<1x16xf32> to vector<16xf32>
      %swap3A_122 = vector.shape_cast %broadcast_in_dim3A_3 : vector<16xf32> to vector<1x16xf32>
      tpu.vector_store %arg14[%swap3A, %swap3A_119], %swap3A_122 {strides = array<i32>} : memref<80x128xf32, #tpu.memory_space<vmem>>, vector<1x16xf32>,
      %swap3A_123 = arith.index_cast %scan3A_118 : i32 to index
      %swap3A_124 = arith.constant 16 : index
      %swap3A_125 = tpu.vector_load %arg14[%swap3A_123, %swap3A_124] {strides = array<i32>} : memref<80x128xf32, #tpu.memory_space<vmem>>, vector<1x16xf32>,
      %swap3A_126 = vector.shape_cast %swap3A_125 : vector<1x16xf32> to vector<16xf32>
      %swap3A_127 = vector.shape_cast %broadcast_in_dim3A_3 : vector<16xf32> to vector<1x16xf32>
      tpu.vector_store %arg14[%swap3A_123, %swap3A_124], %swap3A_127 {strides = array<i32>} : memref<80x128xf32, #tpu.memory_space<vmem>>, vector<1x16xf32>,
      %swap3A_128 = arith.index_cast %scan3A_118 : i32 to index
      %swap3A_129 = arith.constant 32 : index
      %swap3A_130 = tpu.vector_load %arg14[%swap3A_128, %swap3A_129] {strides = array<i32>} : memref<80x128xf32, #tpu.memory_space<vmem>>, vector<1x16xf32>,
      %swap3A_131 = vector.shape_cast %swap3A_130 : vector<1x16xf32> to vector<16xf32>
      %swap3A_132 = vector.shape_cast %broadcast_in_dim3A_3 : vector<16xf32> to vector<1x16xf32>
      tpu.vector_store %arg14[%swap3A_128, %swap3A_129], %swap3A_132 {strides = array<i32>} : memref<80x128xf32, #tpu.memory_space<vmem>>, vector<1x16xf32>,
      %swap3A_133 = arith.index_cast %scan3A_118 : i32 to index
      %swap3A_134 = arith.constant 48 : index
      %swap3A_135 = tpu.vector_load %arg14[%swap3A_133, %swap3A_134] {strides = array<i32>} : memref<80x128xf32, #tpu.memory_space<vmem>>, vector<1x16xf32>,
      %swap3A_136 = vector.shape_cast %swap3A_135 : vector<1x16xf32> to vector<16xf32>
      %swap3A_137 = vector.shape_cast %broadcast_in_dim3A_3 : vector<16xf32> to vector<1x16xf32>
      tpu.vector_store %arg14[%swap3A_133, %swap3A_134], %swap3A_137 {strides = array<i32>} : memref<80x128xf32, #tpu.memory_space<vmem>>, vector<1x16xf32>,
      %swap3A_138 = arith.index_cast %scan3A_118 : i32 to index
      %swap3A_139 = arith.constant 64 : index
      %swap3A_140 = tpu.vector_load %arg14[%swap3A_138, %swap3A_139] {strides = array<i32>} : memref<80x128xf32, #tpu.memory_space<vmem>>, vector<1x16xf32>,
      %swap3A_141 = vector.shape_cast %swap3A_140 : vector<1x16xf32> to vector<16xf32>
      %swap3A_142 = vector.shape_cast %broadcast_in_dim3A_3 : vector<16xf32> to vector<1x16xf32>
      tpu.vector_store %arg14[%swap3A_138, %swap3A_139], %swap3A_142 {strides = array<i32>} : memref<80x128xf32, #tpu.memory_space<vmem>>, vector<1x16xf32>,
      %swap3A_143 = arith.index_cast %scan3A_118 : i32 to index
      %swap3A_144 = arith.constant 80 : index
      %swap3A_145 = tpu.vector_load %arg14[%swap3A_143, %swap3A_144] {strides = array<i32>} : memref<80x128xf32, #tpu.memory_space<vmem>>, vector<1x16xf32>,
      %swap3A_146 = vector.shape_cast %swap3A_145 : vector<1x16xf32> to vector<16xf32>
      %swap3A_147 = vector.shape_cast %broadcast_in_dim3A_3 : vector<16xf32> to vector<1x16xf32>
      tpu.vector_store %arg14[%swap3A_143, %swap3A_144], %swap3A_147 {strides = array<i32>} : memref<80x128xf32, #tpu.memory_space<vmem>>, vector<1x16xf32>,
      %swap3A_148 = arith.index_cast %scan3A_118 : i32 to index
      %swap3A_149 = arith.constant 96 : index
      %swap3A_150 = tpu.vector_load %arg14[%swap3A_148, %swap3A_149] {strides = array<i32>} : memref<80x128xf32, #tpu.memory_space<vmem>>, vector<1x16xf32>,
      %swap3A_151 = vector.shape_cast %swap3A_150 : vector<1x16xf32> to vector<16xf32>
      %swap3A_152 = vector.shape_cast %broadcast_in_dim3A_3 : vector<16xf32> to vector<1x16xf32>
      tpu.vector_store %arg14[%swap3A_148, %swap3A_149], %swap3A_152 {strides = array<i32>} : memref<80x128xf32, #tpu.memory_space<vmem>>, vector<1x16xf32>,
      %swap3A_153 = arith.index_cast %scan3A_118 : i32 to index
      %swap3A_154 = arith.constant 112 : index
      %swap3A_155 = tpu.vector_load %arg14[%swap3A_153, %swap3A_154] {strides = array<i32>} : memref<80x128xf32, #tpu.memory_space<vmem>>, vector<1x16xf32>,
      %swap3A_156 = vector.shape_cast %swap3A_155 : vector<1x16xf32> to vector<16xf32>
      %swap3A_157 = vector.shape_cast %broadcast_in_dim3A_3 : vector<16xf32> to vector<1x16xf32>
      tpu.vector_store %arg14[%swap3A_153, %swap3A_154], %swap3A_157 {strides = array<i32>} : memref<80x128xf32, #tpu.memory_space<vmem>>, vector<1x16xf32>,
    }
    %scan3A_8 = arith.constant 80 : i32
    %mul3A_9 = arith.constant 640 : i32
    %mul3A_10 = arith.muli %arg1, %mul3A_9 : i32
    %add3A_11 = arith.constant 0 : i32
    %add3A_12 = arith.addi %mul3A_10, %add3A_11 : i32
    "tpu.region"() ({
      %run_scoped3A = tpu.sem_alloc : memref<!tpu.dma_semaphore, #tpu.memory_space<semaphore_mem>>
      %dma_start3A_118 = arith.constant 0 : i32
      %dma_start3A_119 = tpu.memref_slice %arg18[%add3A_12, %dma_start3A_118] : memref<10240x128xf32, #tpu.memory_space<vmem_shared>> -> memref<80x128xf32, #tpu.memory_space<vmem_shared>>
      %dma_start3A_120 = arith.constant 0 : i32
      %dma_start3A_121 = tpu.memref_slice %arg18[%add3A_12, %dma_start3A_120] : memref<10240x128xf32, #tpu.memory_space<vmem_shared>> -> memref<80x128xf32, #tpu.memory_space<vmem_shared>>
      tpu.enqueue_dma source(%arg14 : memref<80x128xf32, #tpu.memory_space<vmem>>) target(%dma_start3A_121 : memref<80x128xf32, #tpu.memory_space<vmem_shared>>) target_semaphore(%run_scoped3A : memref<!tpu.dma_semaphore, #tpu.memory_space<semaphore_mem>>)
      %dma_wait3A_122 = arith.constant 0 : i32
      %dma_wait3A_123 = tpu.memref_slice %arg18[%add3A_12, %dma_wait3A_122] : memref<10240x128xf32, #tpu.memory_space<vmem_shared>> -> memref<80x128xf32, #tpu.memory_space<vmem_shared>>
      %dma_wait3A_124 = arith.constant 0 : i32
      %dma_wait3A_125 = tpu.memref_slice %arg18[%add3A_12, %dma_wait3A_124] : memref<10240x128xf32, #tpu.memory_space<vmem_shared>> -> memref<80x128xf32, #tpu.memory_space<vmem_shared>>
      tpu.wait_dma2 semaphore(%run_scoped3A : memref<!tpu.dma_semaphore, #tpu.memory_space<semaphore_mem>>) src(%arg14 : memref<80x128xf32, #tpu.memory_space<vmem>>) dst(%dma_wait3A_125 : memref<80x128xf32, #tpu.memory_space<vmem_shared>>)
      tpu.yield
    }) : () -> ()
    %mul3A_13 = arith.constant 640 : i32
    %mul3A_14 = arith.muli %arg1, %mul3A_13 : i32
    %add3A_15 = arith.constant 80 : i32
    %add3A_16 = arith.addi %mul3A_14, %add3A_15 : i32
    "tpu.region"() ({
      %run_scoped3A = tpu.sem_alloc : memref<!tpu.dma_semaphore, #tpu.memory_space<semaphore_mem>>
      %dma_start3A_118 = arith.constant 0 : i32
      %dma_start3A_119 = tpu.memref_slice %arg18[%add3A_16, %dma_start3A_118] : memref<10240x128xf32, #tpu.memory_space<vmem_shared>> -> memref<80x128xf32, #tpu.memory_space<vmem_shared>>
      %dma_start3A_120 = arith.constant 0 : i32
      %dma_start3A_121 = tpu.memref_slice %arg18[%add3A_16, %dma_start3A_120] : memref<10240x128xf32, #tpu.memory_space<vmem_shared>> -> memref<80x128xf32, #tpu.memory_space<vmem_shared>>
      tpu.enqueue_dma source(%arg14 : memref<80x128xf32, #tpu.memory_space<vmem>>) target(%dma_start3A_121 : memref<80x128xf32, #tpu.memory_space<vmem_shared>>) target_semaphore(%run_scoped3A : memref<!tpu.dma_semaphore, #tpu.memory_space<semaphore_mem>>)
      %dma_wait3A_122 = arith.constant 0 : i32
      %dma_wait3A_123 = tpu.memref_slice %arg18[%add3A_16, %dma_wait3A_122] : memref<10240x128xf32, #tpu.memory_space<vmem_shared>> -> memref<80x128xf32, #tpu.memory_space<vmem_shared>>
      %dma_wait3A_124 = arith.constant 0 : i32
      %dma_wait3A_125 = tpu.memref_slice %arg18[%add3A_16, %dma_wait3A_124] : memref<10240x128xf32, #tpu.memory_space<vmem_shared>> -> memref<80x128xf32, #tpu.memory_space<vmem_shared>>
      tpu.wait_dma2 semaphore(%run_scoped3A : memref<!tpu.dma_semaphore, #tpu.memory_space<semaphore_mem>>) src(%arg14 : memref<80x128xf32, #tpu.memory_space<vmem>>) dst(%dma_wait3A_125 : memref<80x128xf32, #tpu.memory_space<vmem_shared>>)
      tpu.yield
    }) : () -> ()
    %mul3A_17 = arith.constant 640 : i32
    %mul3A_18 = arith.muli %arg1, %mul3A_17 : i32
    %add3A_19 = arith.constant 160 : i32
    %add3A_20 = arith.addi %mul3A_18, %add3A_19 : i32
    "tpu.region"() ({
      %run_scoped3A = tpu.sem_alloc : memref<!tpu.dma_semaphore, #tpu.memory_space<semaphore_mem>>
      %dma_start3A_118 = arith.constant 0 : i32
      %dma_start3A_119 = tpu.memref_slice %arg18[%add3A_20, %dma_start3A_118] : memref<10240x128xf32, #tpu.memory_space<vmem_shared>> -> memref<80x128xf32, #tpu.memory_space<vmem_shared>>
      %dma_start3A_120 = arith.constant 0 : i32
      %dma_start3A_121 = tpu.memref_slice %arg18[%add3A_20, %dma_start3A_120] : memref<10240x128xf32, #tpu.memory_space<vmem_shared>> -> memref<80x128xf32, #tpu.memory_space<vmem_shared>>
      tpu.enqueue_dma source(%arg14 : memref<80x128xf32, #tpu.memory_space<vmem>>) target(%dma_start3A_121 : memref<80x128xf32, #tpu.memory_space<vmem_shared>>) target_semaphore(%run_scoped3A : memref<!tpu.dma_semaphore, #tpu.memory_space<semaphore_mem>>)
      %dma_wait3A_122 = arith.constant 0 : i32
      %dma_wait3A_123 = tpu.memref_slice %arg18[%add3A_20, %dma_wait3A_122] : memref<10240x128xf32, #tpu.memory_space<vmem_shared>> -> memref<80x128xf32, #tpu.memory_space<vmem_shared>>
      %dma_wait3A_124 = arith.constant 0 : i32
      %dma_wait3A_125 = tpu.memref_slice %arg18[%add3A_20, %dma_wait3A_124] : memref<10240x128xf32, #tpu.memory_space<vmem_shared>> -> memref<80x128xf32, #tpu.memory_space<vmem_shared>>
      tpu.wait_dma2 semaphore(%run_scoped3A : memref<!tpu.dma_semaphore, #tpu.memory_space<semaphore_mem>>) src(%arg14 : memref<80x128xf32, #tpu.memory_space<vmem>>) dst(%dma_wait3A_125 : memref<80x128xf32, #tpu.memory_space<vmem_shared>>)
      tpu.yield
    }) : () -> ()
    %mul3A_21 = arith.constant 640 : i32
    %mul3A_22 = arith.muli %arg1, %mul3A_21 : i32
    %add3A_23 = arith.constant 240 : i32
    %add3A_24 = arith.addi %mul3A_22, %add3A_23 : i32
    "tpu.region"() ({
      %run_scoped3A = tpu.sem_alloc : memref<!tpu.dma_semaphore, #tpu.memory_space<semaphore_mem>>
      %dma_start3A_118 = arith.constant 0 : i32
      %dma_start3A_119 = tpu.memref_slice %arg18[%add3A_24, %dma_start3A_118] : memref<10240x128xf32, #tpu.memory_space<vmem_shared>> -> memref<80x128xf32, #tpu.memory_space<vmem_shared>>
      %dma_start3A_120 = arith.constant 0 : i32
      %dma_start3A_121 = tpu.memref_slice %arg18[%add3A_24, %dma_start3A_120] : memref<10240x128xf32, #tpu.memory_space<vmem_shared>> -> memref<80x128xf32, #tpu.memory_space<vmem_shared>>
      tpu.enqueue_dma source(%arg14 : memref<80x128xf32, #tpu.memory_space<vmem>>) target(%dma_start3A_121 : memref<80x128xf32, #tpu.memory_space<vmem_shared>>) target_semaphore(%run_scoped3A : memref<!tpu.dma_semaphore, #tpu.memory_space<semaphore_mem>>)
      %dma_wait3A_122 = arith.constant 0 : i32
      %dma_wait3A_123 = tpu.memref_slice %arg18[%add3A_24, %dma_wait3A_122] : memref<10240x128xf32, #tpu.memory_space<vmem_shared>> -> memref<80x128xf32, #tpu.memory_space<vmem_shared>>
      %dma_wait3A_124 = arith.constant 0 : i32
      %dma_wait3A_125 = tpu.memref_slice %arg18[%add3A_24, %dma_wait3A_124] : memref<10240x128xf32, #tpu.memory_space<vmem_shared>> -> memref<80x128xf32, #tpu.memory_space<vmem_shared>>
      tpu.wait_dma2 semaphore(%run_scoped3A : memref<!tpu.dma_semaphore, #tpu.memory_space<semaphore_mem>>) src(%arg14 : memref<80x128xf32, #tpu.memory_space<vmem>>) dst(%dma_wait3A_125 : memref<80x128xf32, #tpu.memory_space<vmem_shared>>)
      tpu.yield
    }) : () -> ()
    %mul3A_25 = arith.constant 640 : i32
    %mul3A_26 = arith.muli %arg1, %mul3A_25 : i32
    %add3A_27 = arith.constant 320 : i32
    %add3A_28 = arith.addi %mul3A_26, %add3A_27 : i32
    "tpu.region"() ({
      %run_scoped3A = tpu.sem_alloc : memref<!tpu.dma_semaphore, #tpu.memory_space<semaphore_mem>>
      %dma_start3A_118 = arith.constant 0 : i32
      %dma_start3A_119 = tpu.memref_slice %arg18[%add3A_28, %dma_start3A_118] : memref<10240x128xf32, #tpu.memory_space<vmem_shared>> -> memref<80x128xf32, #tpu.memory_space<vmem_shared>>
      %dma_start3A_120 = arith.constant 0 : i32
      %dma_start3A_121 = tpu.memref_slice %arg18[%add3A_28, %dma_start3A_120] : memref<10240x128xf32, #tpu.memory_space<vmem_shared>> -> memref<80x128xf32, #tpu.memory_space<vmem_shared>>
      tpu.enqueue_dma source(%arg14 : memref<80x128xf32, #tpu.memory_space<vmem>>) target(%dma_start3A_121 : memref<80x128xf32, #tpu.memory_space<vmem_shared>>) target_semaphore(%run_scoped3A : memref<!tpu.dma_semaphore, #tpu.memory_space<semaphore_mem>>)
      %dma_wait3A_122 = arith.constant 0 : i32
      %dma_wait3A_123 = tpu.memref_slice %arg18[%add3A_28, %dma_wait3A_122] : memref<10240x128xf32, #tpu.memory_space<vmem_shared>> -> memref<80x128xf32, #tpu.memory_space<vmem_shared>>
      %dma_wait3A_124 = arith.constant 0 : i32
      %dma_wait3A_125 = tpu.memref_slice %arg18[%add3A_28, %dma_wait3A_124] : memref<10240x128xf32, #tpu.memory_space<vmem_shared>> -> memref<80x128xf32, #tpu.memory_space<vmem_shared>>
      tpu.wait_dma2 semaphore(%run_scoped3A : memref<!tpu.dma_semaphore, #tpu.memory_space<semaphore_mem>>) src(%arg14 : memref<80x128xf32, #tpu.memory_space<vmem>>) dst(%dma_wait3A_125 : memref<80x128xf32, #tpu.memory_space<vmem_shared>>)
      tpu.yield
    }) : () -> ()
    %mul3A_29 = arith.constant 640 : i32
    %mul3A_30 = arith.muli %arg1, %mul3A_29 : i32
    %add3A_31 = arith.constant 400 : i32
    %add3A_32 = arith.addi %mul3A_30, %add3A_31 : i32
    "tpu.region"() ({
      %run_scoped3A = tpu.sem_alloc : memref<!tpu.dma_semaphore, #tpu.memory_space<semaphore_mem>>
      %dma_start3A_118 = arith.constant 0 : i32
      %dma_start3A_119 = tpu.memref_slice %arg18[%add3A_32, %dma_start3A_118] : memref<10240x128xf32, #tpu.memory_space<vmem_shared>> -> memref<80x128xf32, #tpu.memory_space<vmem_shared>>
      %dma_start3A_120 = arith.constant 0 : i32
      %dma_start3A_121 = tpu.memref_slice %arg18[%add3A_32, %dma_start3A_120] : memref<10240x128xf32, #tpu.memory_space<vmem_shared>> -> memref<80x128xf32, #tpu.memory_space<vmem_shared>>
      tpu.enqueue_dma source(%arg14 : memref<80x128xf32, #tpu.memory_space<vmem>>) target(%dma_start3A_121 : memref<80x128xf32, #tpu.memory_space<vmem_shared>>) target_semaphore(%run_scoped3A : memref<!tpu.dma_semaphore, #tpu.memory_space<semaphore_mem>>)
      %dma_wait3A_122 = arith.constant 0 : i32
      %dma_wait3A_123 = tpu.memref_slice %arg18[%add3A_32, %dma_wait3A_122] : memref<10240x128xf32, #tpu.memory_space<vmem_shared>> -> memref<80x128xf32, #tpu.memory_space<vmem_shared>>
      %dma_wait3A_124 = arith.constant 0 : i32
      %dma_wait3A_125 = tpu.memref_slice %arg18[%add3A_32, %dma_wait3A_124] : memref<10240x128xf32, #tpu.memory_space<vmem_shared>> -> memref<80x128xf32, #tpu.memory_space<vmem_shared>>
      tpu.wait_dma2 semaphore(%run_scoped3A : memref<!tpu.dma_semaphore, #tpu.memory_space<semaphore_mem>>) src(%arg14 : memref<80x128xf32, #tpu.memory_space<vmem>>) dst(%dma_wait3A_125 : memref<80x128xf32, #tpu.memory_space<vmem_shared>>)
      tpu.yield
    }) : () -> ()
    %mul3A_33 = arith.constant 640 : i32
    %mul3A_34 = arith.muli %arg1, %mul3A_33 : i32
    %add3A_35 = arith.constant 480 : i32
    %add3A_36 = arith.addi %mul3A_34, %add3A_35 : i32
    "tpu.region"() ({
      %run_scoped3A = tpu.sem_alloc : memref<!tpu.dma_semaphore, #tpu.memory_space<semaphore_mem>>
      %dma_start3A_118 = arith.constant 0 : i32
      %dma_start3A_119 = tpu.memref_slice %arg18[%add3A_36, %dma_start3A_118] : memref<10240x128xf32, #tpu.memory_space<vmem_shared>> -> memref<80x128xf32, #tpu.memory_space<vmem_shared>>
      %dma_start3A_120 = arith.constant 0 : i32
      %dma_start3A_121 = tpu.memref_slice %arg18[%add3A_36, %dma_start3A_120] : memref<10240x128xf32, #tpu.memory_space<vmem_shared>> -> memref<80x128xf32, #tpu.memory_space<vmem_shared>>
      tpu.enqueue_dma source(%arg14 : memref<80x128xf32, #tpu.memory_space<vmem>>) target(%dma_start3A_121 : memref<80x128xf32, #tpu.memory_space<vmem_shared>>) target_semaphore(%run_scoped3A : memref<!tpu.dma_semaphore, #tpu.memory_space<semaphore_mem>>)
      %dma_wait3A_122 = arith.constant 0 : i32
      %dma_wait3A_123 = tpu.memref_slice %arg18[%add3A_36, %dma_wait3A_122] : memref<10240x128xf32, #tpu.memory_space<vmem_shared>> -> memref<80x128xf32, #tpu.memory_space<vmem_shared>>
      %dma_wait3A_124 = arith.constant 0 : i32
      %dma_wait3A_125 = tpu.memref_slice %arg18[%add3A_36, %dma_wait3A_124] : memref<10240x128xf32, #tpu.memory_space<vmem_shared>> -> memref<80x128xf32, #tpu.memory_space<vmem_shared>>
      tpu.wait_dma2 semaphore(%run_scoped3A : memref<!tpu.dma_semaphore, #tpu.memory_space<semaphore_mem>>) src(%arg14 : memref<80x128xf32, #tpu.memory_space<vmem>>) dst(%dma_wait3A_125 : memref<80x128xf32, #tpu.memory_space<vmem_shared>>)
      tpu.yield
    }) : () -> ()
    %mul3A_37 = arith.constant 640 : i32
    %mul3A_38 = arith.muli %arg1, %mul3A_37 : i32
    %add3A_39 = arith.constant 560 : i32
    %add3A_40 = arith.addi %mul3A_38, %add3A_39 : i32
    "tpu.region"() ({
      %run_scoped3A = tpu.sem_alloc : memref<!tpu.dma_semaphore, #tpu.memory_space<semaphore_mem>>
      %dma_start3A_118 = arith.constant 0 : i32
      %dma_start3A_119 = tpu.memref_slice %arg18[%add3A_40, %dma_start3A_118] : memref<10240x128xf32, #tpu.memory_space<vmem_shared>> -> memref<80x128xf32, #tpu.memory_space<vmem_shared>>
      %dma_start3A_120 = arith.constant 0 : i32
      %dma_start3A_121 = tpu.memref_slice %arg18[%add3A_40, %dma_start3A_120] : memref<10240x128xf32, #tpu.memory_space<vmem_shared>> -> memref<80x128xf32, #tpu.memory_space<vmem_shared>>
      tpu.enqueue_dma source(%arg14 : memref<80x128xf32, #tpu.memory_space<vmem>>) target(%dma_start3A_121 : memref<80x128xf32, #tpu.memory_space<vmem_shared>>) target_semaphore(%run_scoped3A : memref<!tpu.dma_semaphore, #tpu.memory_space<semaphore_mem>>)
      %dma_wait3A_122 = arith.constant 0 : i32
      %dma_wait3A_123 = tpu.memref_slice %arg18[%add3A_40, %dma_wait3A_122] : memref<10240x128xf32, #tpu.memory_space<vmem_shared>> -> memref<80x128xf32, #tpu.memory_space<vmem_shared>>
      %dma_wait3A_124 = arith.constant 0 : i32
      %dma_wait3A_125 = tpu.memref_slice %arg18[%add3A_40, %dma_wait3A_124] : memref<10240x128xf32, #tpu.memory_space<vmem_shared>> -> memref<80x128xf32, #tpu.memory_space<vmem_shared>>
      tpu.wait_dma2 semaphore(%run_scoped3A : memref<!tpu.dma_semaphore, #tpu.memory_space<semaphore_mem>>) src(%arg14 : memref<80x128xf32, #tpu.memory_space<vmem>>) dst(%dma_wait3A_125 : memref<80x128xf32, #tpu.memory_space<vmem_shared>>)
      tpu.yield
    }) : () -> ()
    %barrier3A = arith.constant 0 : index
    tpu.barrier barrier_id(%barrier3A)
    %add3A_41 = arith.constant 0 : i32
    %add3A_42 = arith.addi %mul3A_2, %add3A_41 : i32
    "tpu.region"() ({
      %run_scoped3A = tpu.sem_alloc : memref<!tpu.dma_semaphore, #tpu.memory_space<semaphore_mem>>
      %dma_start3A_118 = tpu.memref_slice %arg3[%add3A_42] : memref<320000xi32, #tpu.memory_space<hbm>> -> memref<80xi32, #tpu.memory_space<hbm>>
      %dma_start3A_119 = tpu.memref_slice %arg3[%add3A_42] : memref<320000xi32, #tpu.memory_space<hbm>> -> memref<80xi32, #tpu.memory_space<hbm>>
      tpu.enqueue_dma source(%dma_start3A_119 : memref<80xi32, #tpu.memory_space<hbm>>) target(%arg6 : memref<80xi32, #tpu.memory_space<vmem>>) target_semaphore(%run_scoped3A : memref<!tpu.dma_semaphore, #tpu.memory_space<semaphore_mem>>)
      %dma_wait3A_120 = tpu.memref_slice %arg3[%add3A_42] : memref<320000xi32, #tpu.memory_space<hbm>> -> memref<80xi32, #tpu.memory_space<hbm>>
      %dma_wait3A_121 = tpu.memref_slice %arg3[%add3A_42] : memref<320000xi32, #tpu.memory_space<hbm>> -> memref<80xi32, #tpu.memory_space<hbm>>
      tpu.wait_dma2 semaphore(%run_scoped3A : memref<!tpu.dma_semaphore, #tpu.memory_space<semaphore_mem>>) src(%dma_wait3A_121 : memref<80xi32, #tpu.memory_space<hbm>>) dst(%arg6 : memref<80xi32, #tpu.memory_space<vmem>>)
      tpu.yield
    }) : () -> ()
    %add3A_43 = arith.constant 0 : i32
    %add3A_44 = arith.addi %mul3A_2, %add3A_43 : i32
    "tpu.region"() ({
      %run_scoped3A = tpu.sem_alloc : memref<!tpu.dma_semaphore, #tpu.memory_space<semaphore_mem>>
      %dma_start3A_118 = tpu.memref_slice %arg4[%add3A_44] : memref<320000xi32, #tpu.memory_space<hbm>> -> memref<80xi32, #tpu.memory_space<hbm>>
      %dma_start3A_119 = tpu.memref_slice %arg4[%add3A_44] : memref<320000xi32, #tpu.memory_space<hbm>> -> memref<80xi32, #tpu.memory_space<hbm>>
      tpu.enqueue_dma source(%dma_start3A_119 : memref<80xi32, #tpu.memory_space<hbm>>) target(%arg10 : memref<80xi32, #tpu.memory_space<vmem>>) target_semaphore(%run_scoped3A : memref<!tpu.dma_semaphore, #tpu.memory_space<semaphore_mem>>)
      %dma_wait3A_120 = tpu.memref_slice %arg4[%add3A_44] : memref<320000xi32, #tpu.memory_space<hbm>> -> memref<80xi32, #tpu.memory_space<hbm>>
      %dma_wait3A_121 = tpu.memref_slice %arg4[%add3A_44] : memref<320000xi32, #tpu.memory_space<hbm>> -> memref<80xi32, #tpu.memory_space<hbm>>
      tpu.wait_dma2 semaphore(%run_scoped3A : memref<!tpu.dma_semaphore, #tpu.memory_space<semaphore_mem>>) src(%dma_wait3A_121 : memref<80xi32, #tpu.memory_space<hbm>>) dst(%arg10 : memref<80xi32, #tpu.memory_space<vmem>>)
      tpu.yield
    }) : () -> ()
    %add3A_45 = arith.constant 80 : i32
    %add3A_46 = arith.addi %mul3A_2, %add3A_45 : i32
    "tpu.region"() ({
      %run_scoped3A = tpu.sem_alloc : memref<!tpu.dma_semaphore, #tpu.memory_space<semaphore_mem>>
      %dma_start3A_118 = tpu.memref_slice %arg3[%add3A_46] : memref<320000xi32, #tpu.memory_space<hbm>> -> memref<80xi32, #tpu.memory_space<hbm>>
      %dma_start3A_119 = tpu.memref_slice %arg3[%add3A_46] : memref<320000xi32, #tpu.memory_space<hbm>> -> memref<80xi32, #tpu.memory_space<hbm>>
      tpu.enqueue_dma source(%dma_start3A_119 : memref<80xi32, #tpu.memory_space<hbm>>) target(%arg7 : memref<80xi32, #tpu.memory_space<vmem>>) target_semaphore(%run_scoped3A : memref<!tpu.dma_semaphore, #tpu.memory_space<semaphore_mem>>)
      %dma_wait3A_120 = tpu.memref_slice %arg3[%add3A_46] : memref<320000xi32, #tpu.memory_space<hbm>> -> memref<80xi32, #tpu.memory_space<hbm>>
      %dma_wait3A_121 = tpu.memref_slice %arg3[%add3A_46] : memref<320000xi32, #tpu.memory_space<hbm>> -> memref<80xi32, #tpu.memory_space<hbm>>
      tpu.wait_dma2 semaphore(%run_scoped3A : memref<!tpu.dma_semaphore, #tpu.memory_space<semaphore_mem>>) src(%dma_wait3A_121 : memref<80xi32, #tpu.memory_space<hbm>>) dst(%arg7 : memref<80xi32, #tpu.memory_space<vmem>>)
      tpu.yield
    }) : () -> ()
    %add3A_47 = arith.constant 80 : i32
    %add3A_48 = arith.addi %mul3A_2, %add3A_47 : i32
    "tpu.region"() ({
      %run_scoped3A = tpu.sem_alloc : memref<!tpu.dma_semaphore, #tpu.memory_space<semaphore_mem>>
      %dma_start3A_118 = tpu.memref_slice %arg4[%add3A_48] : memref<320000xi32, #tpu.memory_space<hbm>> -> memref<80xi32, #tpu.memory_space<hbm>>
      %dma_start3A_119 = tpu.memref_slice %arg4[%add3A_48] : memref<320000xi32, #tpu.memory_space<hbm>> -> memref<80xi32, #tpu.memory_space<hbm>>
      tpu.enqueue_dma source(%dma_start3A_119 : memref<80xi32, #tpu.memory_space<hbm>>) target(%arg11 : memref<80xi32, #tpu.memory_space<vmem>>) target_semaphore(%run_scoped3A : memref<!tpu.dma_semaphore, #tpu.memory_space<semaphore_mem>>)
      %dma_wait3A_120 = tpu.memref_slice %arg4[%add3A_48] : memref<320000xi32, #tpu.memory_space<hbm>> -> memref<80xi32, #tpu.memory_space<hbm>>
      %dma_wait3A_121 = tpu.memref_slice %arg4[%add3A_48] : memref<320000xi32, #tpu.memory_space<hbm>> -> memref<80xi32, #tpu.memory_space<hbm>>
      tpu.wait_dma2 semaphore(%run_scoped3A : memref<!tpu.dma_semaphore, #tpu.memory_space<semaphore_mem>>) src(%dma_wait3A_121 : memref<80xi32, #tpu.memory_space<hbm>>) dst(%arg11 : memref<80xi32, #tpu.memory_space<vmem>>)
      tpu.yield
    }) : () -> ()
    %add3A_49 = arith.constant 160 : i32
    %add3A_50 = arith.addi %mul3A_2, %add3A_49 : i32
    "tpu.region"() ({
      %run_scoped3A = tpu.sem_alloc : memref<!tpu.dma_semaphore, #tpu.memory_space<semaphore_mem>>
      %dma_start3A_118 = tpu.memref_slice %arg3[%add3A_50] : memref<320000xi32, #tpu.memory_space<hbm>> -> memref<80xi32, #tpu.memory_space<hbm>>
      %dma_start3A_119 = tpu.memref_slice %arg3[%add3A_50] : memref<320000xi32, #tpu.memory_space<hbm>> -> memref<80xi32, #tpu.memory_space<hbm>>
      tpu.enqueue_dma source(%dma_start3A_119 : memref<80xi32, #tpu.memory_space<hbm>>) target(%arg8 : memref<80xi32, #tpu.memory_space<vmem>>) target_semaphore(%run_scoped3A : memref<!tpu.dma_semaphore, #tpu.memory_space<semaphore_mem>>)
      %dma_wait3A_120 = tpu.memref_slice %arg3[%add3A_50] : memref<320000xi32, #tpu.memory_space<hbm>> -> memref<80xi32, #tpu.memory_space<hbm>>
      %dma_wait3A_121 = tpu.memref_slice %arg3[%add3A_50] : memref<320000xi32, #tpu.memory_space<hbm>> -> memref<80xi32, #tpu.memory_space<hbm>>
      tpu.wait_dma2 semaphore(%run_scoped3A : memref<!tpu.dma_semaphore, #tpu.memory_space<semaphore_mem>>) src(%dma_wait3A_121 : memref<80xi32, #tpu.memory_space<hbm>>) dst(%arg8 : memref<80xi32, #tpu.memory_space<vmem>>)
      tpu.yield
    }) : () -> ()
    %add3A_51 = arith.constant 160 : i32
    %add3A_52 = arith.addi %mul3A_2, %add3A_51 : i32
    "tpu.region"() ({
      %run_scoped3A = tpu.sem_alloc : memref<!tpu.dma_semaphore, #tpu.memory_space<semaphore_mem>>
      %dma_start3A_118 = tpu.memref_slice %arg4[%add3A_52] : memref<320000xi32, #tpu.memory_space<hbm>> -> memref<80xi32, #tpu.memory_space<hbm>>
      %dma_start3A_119 = tpu.memref_slice %arg4[%add3A_52] : memref<320000xi32, #tpu.memory_space<hbm>> -> memref<80xi32, #tpu.memory_space<hbm>>
      tpu.enqueue_dma source(%dma_start3A_119 : memref<80xi32, #tpu.memory_space<hbm>>) target(%arg12 : memref<80xi32, #tpu.memory_space<vmem>>) target_semaphore(%run_scoped3A : memref<!tpu.dma_semaphore, #tpu.memory_space<semaphore_mem>>)
      %dma_wait3A_120 = tpu.memref_slice %arg4[%add3A_52] : memref<320000xi32, #tpu.memory_space<hbm>> -> memref<80xi32, #tpu.memory_space<hbm>>
      %dma_wait3A_121 = tpu.memref_slice %arg4[%add3A_52] : memref<320000xi32, #tpu.memory_space<hbm>> -> memref<80xi32, #tpu.memory_space<hbm>>
      tpu.wait_dma2 semaphore(%run_scoped3A : memref<!tpu.dma_semaphore, #tpu.memory_space<semaphore_mem>>) src(%dma_wait3A_121 : memref<80xi32, #tpu.memory_space<hbm>>) dst(%arg12 : memref<80xi32, #tpu.memory_space<vmem>>)
      tpu.yield
    }) : () -> ()
    %add3A_53 = arith.constant 240 : i32
    %add3A_54 = arith.addi %mul3A_2, %add3A_53 : i32
    %dma_start3A = tpu.memref_slice %arg3[%add3A_54] : memref<320000xi32, #tpu.memory_space<hbm>> -> memref<80xi32, #tpu.memory_space<hbm>>
    %dma_start3A_55 = tpu.memref_slice %arg3[%add3A_54] : memref<320000xi32, #tpu.memory_space<hbm>> -> memref<80xi32, #tpu.memory_space<hbm>>
    tpu.enqueue_dma source(%dma_start3A_55 : memref<80xi32, #tpu.memory_space<hbm>>) target(%arg9 : memref<80xi32, #tpu.memory_space<vmem>>) target_semaphore(%arg22 : memref<!tpu.dma_semaphore, #tpu.memory_space<semaphore_mem>>)
    %add3A_56 = arith.constant 240 : i32
    %add3A_57 = arith.addi %mul3A_2, %add3A_56 : i32
    %dma_start3A_58 = tpu.memref_slice %arg4[%add3A_57] : memref<320000xi32, #tpu.memory_space<hbm>> -> memref<80xi32, #tpu.memory_space<hbm>>
    %dma_start3A_59 = tpu.memref_slice %arg4[%add3A_57] : memref<320000xi32, #tpu.memory_space<hbm>> -> memref<80xi32, #tpu.memory_space<hbm>>
    tpu.enqueue_dma source(%dma_start3A_59 : memref<80xi32, #tpu.memory_space<hbm>>) target(%arg13 : memref<80xi32, #tpu.memory_space<vmem>>) target_semaphore(%arg22 : memref<!tpu.dma_semaphore, #tpu.memory_space<semaphore_mem>>)
    %dma_start3A_60 = arith.constant 0 : i32
    %dma_start3A_61 = arith.constant 0 : i32
    %dma_start3A_62 = tpu.memref_slice %arg2[%dma_start3A_60, %dma_start3A_61] : memref<10240x128xf32, #tpu.memory_space<hbm>> -> memref<10240x128xf32, #tpu.memory_space<hbm>>
    tpu.enqueue_indirect_dma source(%dma_start3A_62 : memref<10240x128xf32, #tpu.memory_space<hbm>>) target(%arg14 : memref<80x128xf32, #tpu.memory_space<vmem>>) offsets(%arg6 : memref<80xi32, #tpu.memory_space<vmem>>) semaphore(%arg23 : memref<!tpu.dma_semaphore, #tpu.memory_space<semaphore_mem>>)
    %dma_start3A_63 = arith.constant 0 : i32
    %dma_start3A_64 = arith.constant 0 : i32
    %dma_start3A_65 = tpu.memref_slice %arg2[%dma_start3A_63, %dma_start3A_64] : memref<10240x128xf32, #tpu.memory_space<hbm>> -> memref<10240x128xf32, #tpu.memory_space<hbm>>
    tpu.enqueue_indirect_dma source(%dma_start3A_65 : memref<10240x128xf32, #tpu.memory_space<hbm>>) target(%arg15 : memref<80x128xf32, #tpu.memory_space<vmem>>) offsets(%arg7 : memref<80xi32, #tpu.memory_space<vmem>>) semaphore(%arg24 : memref<!tpu.dma_semaphore, #tpu.memory_space<semaphore_mem>>)
    %dma_start3A_66 = arith.constant 0 : i32
    %dma_start3A_67 = arith.constant 0 : i32
    %dma_start3A_68 = tpu.memref_slice %arg2[%dma_start3A_66, %dma_start3A_67] : memref<10240x128xf32, #tpu.memory_space<hbm>> -> memref<10240x128xf32, #tpu.memory_space<hbm>>
    tpu.enqueue_indirect_dma source(%dma_start3A_68 : memref<10240x128xf32, #tpu.memory_space<hbm>>) target(%arg16 : memref<80x128xf32, #tpu.memory_space<vmem>>) offsets(%arg8 : memref<80xi32, #tpu.memory_space<vmem>>) semaphore(%arg25 : memref<!tpu.dma_semaphore, #tpu.memory_space<semaphore_mem>>)
    %scan3A_69 = arith.constant 0 : i32
    %scan3A_70 = arith.constant 0 : i32
    %scan3A_71 = arith.constant 31 : i32
    %scan3A_72 = arith.addi %scan3A_70, %scan3A_71 : i32
    %scan3A_73 = arith.constant 1 : i32
    scf.for %scan3A_118 = %scan3A_70 to %scan3A_72 step %scan3A_73  : i32 {
      %mul3A_119 = arith.constant 4 : i32
      %mul3A_120 = arith.muli %mul3A_119, %scan3A_118 : i32
      %add3A_121 = arith.constant 0 : i32
      %add3A_122 = arith.addi %mul3A_120, %add3A_121 : i32
      %dma_wait3A_123 = arith.constant 0 : i32
      %dma_wait3A_124 = arith.constant 0 : i32
      %dma_wait3A_125 = tpu.memref_slice %arg2[%dma_wait3A_123, %dma_wait3A_124] : memref<10240x128xf32, #tpu.memory_space<hbm>> -> memref<10240x128xf32, #tpu.memory_space<hbm>>
      tpu.wait_indirect_dma semaphore(%arg23 : memref<!tpu.dma_semaphore, #tpu.memory_space<semaphore_mem>>) src(%dma_wait3A_125 : memref<10240x128xf32, #tpu.memory_space<hbm>>) dst(%arg14 : memref<80x128xf32, #tpu.memory_space<vmem>>)
      "tpu.region"() ({
        %run_scoped3A = tpu.sem_alloc : memref<!tpu.dma_semaphore, #tpu.memory_space<semaphore_mem>>
        %dma_start3A_296 = arith.constant 0 : i32
        %dma_start3A_297 = arith.constant 0 : i32
        %dma_start3A_298 = tpu.memref_slice %arg18[%dma_start3A_296, %dma_start3A_297] : memref<10240x128xf32, #tpu.memory_space<vmem_shared>> -> memref<10240x128xf32, #tpu.memory_space<vmem_shared>>
        tpu.enqueue_indirect_dma source(%arg14 : memref<80x128xf32, #tpu.memory_space<vmem>>) target(%dma_start3A_298 : memref<10240x128xf32, #tpu.memory_space<vmem_shared>>) offsets(%arg10 : memref<80xi32, #tpu.memory_space<vmem>>) semaphore(%run_scoped3A : memref<!tpu.dma_semaphore, #tpu.memory_space<semaphore_mem>>) {add = true}
        %dma_wait3A_299 = arith.constant 0 : i32
        %dma_wait3A_300 = arith.constant 0 : i32
        %dma_wait3A_301 = tpu.memref_slice %arg18[%dma_wait3A_299, %dma_wait3A_300] : memref<10240x128xf32, #tpu.memory_space<vmem_shared>> -> memref<10240x128xf32, #tpu.memory_space<vmem_shared>>
        tpu.wait_indirect_dma semaphore(%run_scoped3A : memref<!tpu.dma_semaphore, #tpu.memory_space<semaphore_mem>>) src(%arg14 : memref<80x128xf32, #tpu.memory_space<vmem>>) dst(%dma_wait3A_301 : memref<10240x128xf32, #tpu.memory_space<vmem_shared>>)
        tpu.yield
      }) : () -> ()
      %add3A_126 = arith.constant 4 : i32
      %add3A_127 = arith.addi %add3A_122, %add3A_126 : i32
      %jit3A = arith.constant 125 : i32
      %eq3A = arith.constant 0 : i32
      %eq3A_128 = arith.cmpi eq, %jit3A, %eq3A : i32
      %jit3A_129 = arith.constant 1 : i32
      %select_n3A = arith.select %eq3A_128, %jit3A_129, %jit3A : i32
      %rem3A = arith.remsi %add3A_127, %select_n3A : i32
      %ne3A = arith.constant 0 : i32
      %ne3A_130 = arith.cmpi ne, %rem3A, %ne3A : i32
      %lt3A = arith.constant 0 : i32
      %lt3A_131 = arith.cmpi slt, %rem3A, %lt3A : i32
      %lt3A_132 = arith.constant 0 : i32
      %lt3A_133 = arith.cmpi slt, %select_n3A, %lt3A_132 : i32
      %ne3A_134 = arith.xori %lt3A_131, %lt3A_133 : i1
      %and3A = arith.andi %ne3A_134, %ne3A_130 : i1
      %add3A_135 = arith.addi %rem3A, %select_n3A : i32
      %select_n3A_136 = arith.select %and3A, %add3A_135, %rem3A : i32
      %mul3A_137 = arith.constant 80 : i32
      %mul3A_138 = arith.muli %select_n3A_136, %mul3A_137 : i32
      %add3A_139 = arith.addi %mul3A_2, %mul3A_138 : i32
      %dma_start3A_140 = tpu.memref_slice %arg3[%add3A_139] : memref<320000xi32, #tpu.memory_space<hbm>> -> memref<80xi32, #tpu.memory_space<hbm>>
      %dma_start3A_141 = tpu.memref_slice %arg3[%add3A_139] : memref<320000xi32, #tpu.memory_space<hbm>> -> memref<80xi32, #tpu.memory_space<hbm>>
      tpu.enqueue_dma source(%dma_start3A_141 : memref<80xi32, #tpu.memory_space<hbm>>) target(%arg6 : memref<80xi32, #tpu.memory_space<vmem>>) target_semaphore(%arg19 : memref<!tpu.dma_semaphore, #tpu.memory_space<semaphore_mem>>)
      %mul3A_142 = arith.constant 80 : i32
      %mul3A_143 = arith.muli %select_n3A_136, %mul3A_142 : i32
      %add3A_144 = arith.addi %mul3A_2, %mul3A_143 : i32
      %dma_start3A_145 = tpu.memref_slice %arg4[%add3A_144] : memref<320000xi32, #tpu.memory_space<hbm>> -> memref<80xi32, #tpu.memory_space<hbm>>
      %dma_start3A_146 = tpu.memref_slice %arg4[%add3A_144] : memref<320000xi32, #tpu.memory_space<hbm>> -> memref<80xi32, #tpu.memory_space<hbm>>
      tpu.enqueue_dma source(%dma_start3A_146 : memref<80xi32, #tpu.memory_space<hbm>>) target(%arg10 : memref<80xi32, #tpu.memory_space<vmem>>) target_semaphore(%arg19 : memref<!tpu.dma_semaphore, #tpu.memory_space<semaphore_mem>>)
      %dma_wait3A_147 = arith.constant 0 : i32
      %dma_wait3A_148 = tpu.memref_slice %arg3[%dma_wait3A_147] : memref<320000xi32, #tpu.memory_space<hbm>> -> memref<80xi32, #tpu.memory_space<hbm>>
      %dma_wait3A_149 = arith.constant 0 : i32
      %dma_wait3A_150 = tpu.memref_slice %arg3[%dma_wait3A_149] : memref<320000xi32, #tpu.memory_space<hbm>> -> memref<80xi32, #tpu.memory_space<hbm>>
      tpu.wait_dma2 semaphore(%arg22 : memref<!tpu.dma_semaphore, #tpu.memory_space<semaphore_mem>>) src(%dma_wait3A_150 : memref<80xi32, #tpu.memory_space<hbm>>) dst(%arg9 : memref<80xi32, #tpu.memory_space<vmem>>)
      %dma_wait3A_151 = arith.constant 0 : i32
      %dma_wait3A_152 = tpu.memref_slice %arg4[%dma_wait3A_151] : memref<320000xi32, #tpu.memory_space<hbm>> -> memref<80xi32, #tpu.memory_space<hbm>>
      %dma_wait3A_153 = arith.constant 0 : i32
      %dma_wait3A_154 = tpu.memref_slice %arg4[%dma_wait3A_153] : memref<320000xi32, #tpu.memory_space<hbm>> -> memref<80xi32, #tpu.memory_space<hbm>>
      tpu.wait_dma2 semaphore(%arg22 : memref<!tpu.dma_semaphore, #tpu.memory_space<semaphore_mem>>) src(%dma_wait3A_154 : memref<80xi32, #tpu.memory_space<hbm>>) dst(%arg13 : memref<80xi32, #tpu.memory_space<vmem>>)
      %dma_start3A_155 = arith.constant 0 : i32
      %dma_start3A_156 = arith.constant 0 : i32
      %dma_start3A_157 = tpu.memref_slice %arg2[%dma_start3A_155, %dma_start3A_156] : memref<10240x128xf32, #tpu.memory_space<hbm>> -> memref<10240x128xf32, #tpu.memory_space<hbm>>
      tpu.enqueue_indirect_dma source(%dma_start3A_157 : memref<10240x128xf32, #tpu.memory_space<hbm>>) target(%arg17 : memref<80x128xf32, #tpu.memory_space<vmem>>) offsets(%arg9 : memref<80xi32, #tpu.memory_space<vmem>>) semaphore(%arg26 : memref<!tpu.dma_semaphore, #tpu.memory_space<semaphore_mem>>)
      %mul3A_158 = arith.constant 4 : i32
      %mul3A_159 = arith.muli %mul3A_158, %scan3A_118 : i32
      %add3A_160 = arith.constant 1 : i32
      %add3A_161 = arith.addi %mul3A_159, %add3A_160 : i32
      %dma_wait3A_162 = arith.constant 0 : i32
      %dma_wait3A_163 = arith.constant 0 : i32
      %dma_wait3A_164 = tpu.memref_slice %arg2[%dma_wait3A_162, %dma_wait3A_163] : memref<10240x128xf32, #tpu.memory_space<hbm>> -> memref<10240x128xf32, #tpu.memory_space<hbm>>
      tpu.wait_indirect_dma semaphore(%arg24 : memref<!tpu.dma_semaphore, #tpu.memory_space<semaphore_mem>>) src(%dma_wait3A_164 : memref<10240x128xf32, #tpu.memory_space<hbm>>) dst(%arg15 : memref<80x128xf32, #tpu.memory_space<vmem>>)
      "tpu.region"() ({
        %run_scoped3A = tpu.sem_alloc : memref<!tpu.dma_semaphore, #tpu.memory_space<semaphore_mem>>
        %dma_start3A_296 = arith.constant 0 : i32
        %dma_start3A_297 = arith.constant 0 : i32
        %dma_start3A_298 = tpu.memref_slice %arg18[%dma_start3A_296, %dma_start3A_297] : memref<10240x128xf32, #tpu.memory_space<vmem_shared>> -> memref<10240x128xf32, #tpu.memory_space<vmem_shared>>
        tpu.enqueue_indirect_dma source(%arg15 : memref<80x128xf32, #tpu.memory_space<vmem>>) target(%dma_start3A_298 : memref<10240x128xf32, #tpu.memory_space<vmem_shared>>) offsets(%arg11 : memref<80xi32, #tpu.memory_space<vmem>>) semaphore(%run_scoped3A : memref<!tpu.dma_semaphore, #tpu.memory_space<semaphore_mem>>) {add = true}
        %dma_wait3A_299 = arith.constant 0 : i32
        %dma_wait3A_300 = arith.constant 0 : i32
        %dma_wait3A_301 = tpu.memref_slice %arg18[%dma_wait3A_299, %dma_wait3A_300] : memref<10240x128xf32, #tpu.memory_space<vmem_shared>> -> memref<10240x128xf32, #tpu.memory_space<vmem_shared>>
        tpu.wait_indirect_dma semaphore(%run_scoped3A : memref<!tpu.dma_semaphore, #tpu.memory_space<semaphore_mem>>) src(%arg15 : memref<80x128xf32, #tpu.memory_space<vmem>>) dst(%dma_wait3A_301 : memref<10240x128xf32, #tpu.memory_space<vmem_shared>>)
        tpu.yield
      }) : () -> ()
      %add3A_165 = arith.constant 4 : i32
      %add3A_166 = arith.addi %add3A_161, %add3A_165 : i32
      %jit3A_167 = arith.constant 125 : i32
      %eq3A_168 = arith.constant 0 : i32
      %eq3A_169 = arith.cmpi eq, %jit3A_167, %eq3A_168 : i32
      %jit3A_170 = arith.constant 1 : i32
      %select_n3A_171 = arith.select %eq3A_169, %jit3A_170, %jit3A_167 : i32
      %rem3A_172 = arith.remsi %add3A_166, %select_n3A_171 : i32
      %ne3A_173 = arith.constant 0 : i32
      %ne3A_174 = arith.cmpi ne, %rem3A_172, %ne3A_173 : i32
      %lt3A_175 = arith.constant 0 : i32
      %lt3A_176 = arith.cmpi slt, %rem3A_172, %lt3A_175 : i32
      %lt3A_177 = arith.constant 0 : i32
      %lt3A_178 = arith.cmpi slt, %select_n3A_171, %lt3A_177 : i32
      %ne3A_179 = arith.xori %lt3A_176, %lt3A_178 : i1
      %and3A_180 = arith.andi %ne3A_179, %ne3A_174 : i1
      %add3A_181 = arith.addi %rem3A_172, %select_n3A_171 : i32
      %select_n3A_182 = arith.select %and3A_180, %add3A_181, %rem3A_172 : i32
      %mul3A_183 = arith.constant 80 : i32
      %mul3A_184 = arith.muli %select_n3A_182, %mul3A_183 : i32
      %add3A_185 = arith.addi %mul3A_2, %mul3A_184 : i32
      %dma_start3A_186 = tpu.memref_slice %arg3[%add3A_185] : memref<320000xi32, #tpu.memory_space<hbm>> -> memref<80xi32, #tpu.memory_space<hbm>>
      %dma_start3A_187 = tpu.memref_slice %arg3[%add3A_185] : memref<320000xi32, #tpu.memory_space<hbm>> -> memref<80xi32, #tpu.memory_space<hbm>>
      tpu.enqueue_dma source(%dma_start3A_187 : memref<80xi32, #tpu.memory_space<hbm>>) target(%arg7 : memref<80xi32, #tpu.memory_space<vmem>>) target_semaphore(%arg20 : memref<!tpu.dma_semaphore, #tpu.memory_space<semaphore_mem>>)
      %mul3A_188 = arith.constant 80 : i32
      %mul3A_189 = arith.muli %select_n3A_182, %mul3A_188 : i32
      %add3A_190 = arith.addi %mul3A_2, %mul3A_189 : i32
      %dma_start3A_191 = tpu.memref_slice %arg4[%add3A_190] : memref<320000xi32, #tpu.memory_space<hbm>> -> memref<80xi32, #tpu.memory_space<hbm>>
      %dma_start3A_192 = tpu.memref_slice %arg4[%add3A_190] : memref<320000xi32, #tpu.memory_space<hbm>> -> memref<80xi32, #tpu.memory_space<hbm>>
      tpu.enqueue_dma source(%dma_start3A_192 : memref<80xi32, #tpu.memory_space<hbm>>) target(%arg11 : memref<80xi32, #tpu.memory_space<vmem>>) target_semaphore(%arg20 : memref<!tpu.dma_semaphore, #tpu.memory_space<semaphore_mem>>)
      %dma_wait3A_193 = arith.constant 0 : i32
      %dma_wait3A_194 = tpu.memref_slice %arg3[%dma_wait3A_193] : memref<320000xi32, #tpu.memory_space<hbm>> -> memref<80xi32, #tpu.memory_space<hbm>>
      %dma_wait3A_195 = arith.constant 0 : i32
      %dma_wait3A_196 = tpu.memref_slice %arg3[%dma_wait3A_195] : memref<320000xi32, #tpu.memory_space<hbm>> -> memref<80xi32, #tpu.memory_space<hbm>>
      tpu.wait_dma2 semaphore(%arg19 : memref<!tpu.dma_semaphore, #tpu.memory_space<semaphore_mem>>) src(%dma_wait3A_196 : memref<80xi32, #tpu.memory_space<hbm>>) dst(%arg6 : memref<80xi32, #tpu.memory_space<vmem>>)
      %dma_wait3A_197 = arith.constant 0 : i32
      %dma_wait3A_198 = tpu.memref_slice %arg4[%dma_wait3A_197] : memref<320000xi32, #tpu.memory_space<hbm>> -> memref<80xi32, #tpu.memory_space<hbm>>
      %dma_wait3A_199 = arith.constant 0 : i32
      %dma_wait3A_200 = tpu.memref_slice %arg4[%dma_wait3A_199] : memref<320000xi32, #tpu.memory_space<hbm>> -> memref<80xi32, #tpu.memory_space<hbm>>
      tpu.wait_dma2 semaphore(%arg19 : memref<!tpu.dma_semaphore, #tpu.memory_space<semaphore_mem>>) src(%dma_wait3A_200 : memref<80xi32, #tpu.memory_space<hbm>>) dst(%arg10 : memref<80xi32, #tpu.memory_space<vmem>>)
      %dma_start3A_201 = arith.constant 0 : i32
      %dma_start3A_202 = arith.constant 0 : i32
      %dma_start3A_203 = tpu.memref_slice %arg2[%dma_start3A_201, %dma_start3A_202] : memref<10240x128xf32, #tpu.memory_space<hbm>> -> memref<10240x128xf32, #tpu.memory_space<hbm>>
      tpu.enqueue_indirect_dma source(%dma_start3A_203 : memref<10240x128xf32, #tpu.memory_space<hbm>>) target(%arg14 : memref<80x128xf32, #tpu.memory_space<vmem>>) offsets(%arg6 : memref<80xi32, #tpu.memory_space<vmem>>) semaphore(%arg23 : memref<!tpu.dma_semaphore, #tpu.memory_space<semaphore_mem>>)
      %mul3A_204 = arith.constant 4 : i32
      %mul3A_205 = arith.muli %mul3A_204, %scan3A_118 : i32
      %add3A_206 = arith.constant 2 : i32
      %add3A_207 = arith.addi %mul3A_205, %add3A_206 : i32
      %dma_wait3A_208 = arith.constant 0 : i32
      %dma_wait3A_209 = arith.constant 0 : i32
      %dma_wait3A_210 = tpu.memref_slice %arg2[%dma_wait3A_208, %dma_wait3A_209] : memref<10240x128xf32, #tpu.memory_space<hbm>> -> memref<10240x128xf32, #tpu.memory_space<hbm>>
      tpu.wait_indirect_dma semaphore(%arg25 : memref<!tpu.dma_semaphore, #tpu.memory_space<semaphore_mem>>) src(%dma_wait3A_210 : memref<10240x128xf32, #tpu.memory_space<hbm>>) dst(%arg16 : memref<80x128xf32, #tpu.memory_space<vmem>>)
      "tpu.region"() ({
        %run_scoped3A = tpu.sem_alloc : memref<!tpu.dma_semaphore, #tpu.memory_space<semaphore_mem>>
        %dma_start3A_296 = arith.constant 0 : i32
        %dma_start3A_297 = arith.constant 0 : i32
        %dma_start3A_298 = tpu.memref_slice %arg18[%dma_start3A_296, %dma_start3A_297] : memref<10240x128xf32, #tpu.memory_space<vmem_shared>> -> memref<10240x128xf32, #tpu.memory_space<vmem_shared>>
        tpu.enqueue_indirect_dma source(%arg16 : memref<80x128xf32, #tpu.memory_space<vmem>>) target(%dma_start3A_298 : memref<10240x128xf32, #tpu.memory_space<vmem_shared>>) offsets(%arg12 : memref<80xi32, #tpu.memory_space<vmem>>) semaphore(%run_scoped3A : memref<!tpu.dma_semaphore, #tpu.memory_space<semaphore_mem>>) {add = true}
        %dma_wait3A_299 = arith.constant 0 : i32
        %dma_wait3A_300 = arith.constant 0 : i32
        %dma_wait3A_301 = tpu.memref_slice %arg18[%dma_wait3A_299, %dma_wait3A_300] : memref<10240x128xf32, #tpu.memory_space<vmem_shared>> -> memref<10240x128xf32, #tpu.memory_space<vmem_shared>>
        tpu.wait_indirect_dma semaphore(%run_scoped3A : memref<!tpu.dma_semaphore, #tpu.memory_space<semaphore_mem>>) src(%arg16 : memref<80x128xf32, #tpu.memory_space<vmem>>) dst(%dma_wait3A_301 : memref<10240x128xf32, #tpu.memory_space<vmem_shared>>)
        tpu.yield
      }) : () -> ()
      %add3A_211 = arith.constant 4 : i32
      %add3A_212 = arith.addi %add3A_207, %add3A_211 : i32
      %jit3A_213 = arith.constant 125 : i32
      %eq3A_214 = arith.constant 0 : i32
      %eq3A_215 = arith.cmpi eq, %jit3A_213, %eq3A_214 : i32
      %jit3A_216 = arith.constant 1 : i32
      %select_n3A_217 = arith.select %eq3A_215, %jit3A_216, %jit3A_213 : i32
      %rem3A_218 = arith.remsi %add3A_212, %select_n3A_217 : i32
      %ne3A_219 = arith.constant 0 : i32
      %ne3A_220 = arith.cmpi ne, %rem3A_218, %ne3A_219 : i32
      %lt3A_221 = arith.constant 0 : i32
      %lt3A_222 = arith.cmpi slt, %rem3A_218, %lt3A_221 : i32
      %lt3A_223 = arith.constant 0 : i32
      %lt3A_224 = arith.cmpi slt, %select_n3A_217, %lt3A_223 : i32
      %ne3A_225 = arith.xori %lt3A_222, %lt3A_224 : i1
      %and3A_226 = arith.andi %ne3A_225, %ne3A_220 : i1
      %add3A_227 = arith.addi %rem3A_218, %select_n3A_217 : i32
      %select_n3A_228 = arith.select %and3A_226, %add3A_227, %rem3A_218 : i32
      %mul3A_229 = arith.constant 80 : i32
      %mul3A_230 = arith.muli %select_n3A_228, %mul3A_229 : i32
      %add3A_231 = arith.addi %mul3A_2, %mul3A_230 : i32
      %dma_start3A_232 = tpu.memref_slice %arg3[%add3A_231] : memref<320000xi32, #tpu.memory_space<hbm>> -> memref<80xi32, #tpu.memory_space<hbm>>
      %dma_start3A_233 = tpu.memref_slice %arg3[%add3A_231] : memref<320000xi32, #tpu.memory_space<hbm>> -> memref<80xi32, #tpu.memory_space<hbm>>
      tpu.enqueue_dma source(%dma_start3A_233 : memref<80xi32, #tpu.memory_space<hbm>>) target(%arg8 : memref<80xi32, #tpu.memory_space<vmem>>) target_semaphore(%arg21 : memref<!tpu.dma_semaphore, #tpu.memory_space<semaphore_mem>>)
      %mul3A_234 = arith.constant 80 : i32
      %mul3A_235 = arith.muli %select_n3A_228, %mul3A_234 : i32
      %add3A_236 = arith.addi %mul3A_2, %mul3A_235 : i32
      %dma_start3A_237 = tpu.memref_slice %arg4[%add3A_236] : memref<320000xi32, #tpu.memory_space<hbm>> -> memref<80xi32, #tpu.memory_space<hbm>>
      %dma_start3A_238 = tpu.memref_slice %arg4[%add3A_236] : memref<320000xi32, #tpu.memory_space<hbm>> -> memref<80xi32, #tpu.memory_space<hbm>>
      tpu.enqueue_dma source(%dma_start3A_238 : memref<80xi32, #tpu.memory_space<hbm>>) target(%arg12 : memref<80xi32, #tpu.memory_space<vmem>>) target_semaphore(%arg21 : memref<!tpu.dma_semaphore, #tpu.memory_space<semaphore_mem>>)
      %dma_wait3A_239 = arith.constant 0 : i32
      %dma_wait3A_240 = tpu.memref_slice %arg3[%dma_wait3A_239] : memref<320000xi32, #tpu.memory_space<hbm>> -> memref<80xi32, #tpu.memory_space<hbm>>
      %dma_wait3A_241 = arith.constant 0 : i32
      %dma_wait3A_242 = tpu.memref_slice %arg3[%dma_wait3A_241] : memref<320000xi32, #tpu.memory_space<hbm>> -> memref<80xi32, #tpu.memory_space<hbm>>
      tpu.wait_dma2 semaphore(%arg20 : memref<!tpu.dma_semaphore, #tpu.memory_space<semaphore_mem>>) src(%dma_wait3A_242 : memref<80xi32, #tpu.memory_space<hbm>>) dst(%arg7 : memref<80xi32, #tpu.memory_space<vmem>>)
      %dma_wait3A_243 = arith.constant 0 : i32
      %dma_wait3A_244 = tpu.memref_slice %arg4[%dma_wait3A_243] : memref<320000xi32, #tpu.memory_space<hbm>> -> memref<80xi32, #tpu.memory_space<hbm>>
      %dma_wait3A_245 = arith.constant 0 : i32
      %dma_wait3A_246 = tpu.memref_slice %arg4[%dma_wait3A_245] : memref<320000xi32, #tpu.memory_space<hbm>> -> memref<80xi32, #tpu.memory_space<hbm>>
      tpu.wait_dma2 semaphore(%arg20 : memref<!tpu.dma_semaphore, #tpu.memory_space<semaphore_mem>>) src(%dma_wait3A_246 : memref<80xi32, #tpu.memory_space<hbm>>) dst(%arg11 : memref<80xi32, #tpu.memory_space<vmem>>)
      %dma_start3A_247 = arith.constant 0 : i32
      %dma_start3A_248 = arith.constant 0 : i32
      %dma_start3A_249 = tpu.memref_slice %arg2[%dma_start3A_247, %dma_start3A_248] : memref<10240x128xf32, #tpu.memory_space<hbm>> -> memref<10240x128xf32, #tpu.memory_space<hbm>>
      tpu.enqueue_indirect_dma source(%dma_start3A_249 : memref<10240x128xf32, #tpu.memory_space<hbm>>) target(%arg15 : memref<80x128xf32, #tpu.memory_space<vmem>>) offsets(%arg7 : memref<80xi32, #tpu.memory_space<vmem>>) semaphore(%arg24 : memref<!tpu.dma_semaphore, #tpu.memory_space<semaphore_mem>>)
      %mul3A_250 = arith.constant 4 : i32
      %mul3A_251 = arith.muli %mul3A_250, %scan3A_118 : i32
      %add3A_252 = arith.constant 3 : i32
      %add3A_253 = arith.addi %mul3A_251, %add3A_252 : i32
      %dma_wait3A_254 = arith.constant 0 : i32
      %dma_wait3A_255 = arith.constant 0 : i32
      %dma_wait3A_256 = tpu.memref_slice %arg2[%dma_wait3A_254, %dma_wait3A_255] : memref<10240x128xf32, #tpu.memory_space<hbm>> -> memref<10240x128xf32, #tpu.memory_space<hbm>>
      tpu.wait_indirect_dma semaphore(%arg26 : memref<!tpu.dma_semaphore, #tpu.memory_space<semaphore_mem>>) src(%dma_wait3A_256 : memref<10240x128xf32, #tpu.memory_space<hbm>>) dst(%arg17 : memref<80x128xf32, #tpu.memory_space<vmem>>)
      "tpu.region"() ({
        %run_scoped3A = tpu.sem_alloc : memref<!tpu.dma_semaphore, #tpu.memory_space<semaphore_mem>>
        %dma_start3A_296 = arith.constant 0 : i32
        %dma_start3A_297 = arith.constant 0 : i32
        %dma_start3A_298 = tpu.memref_slice %arg18[%dma_start3A_296, %dma_start3A_297] : memref<10240x128xf32, #tpu.memory_space<vmem_shared>> -> memref<10240x128xf32, #tpu.memory_space<vmem_shared>>
        tpu.enqueue_indirect_dma source(%arg17 : memref<80x128xf32, #tpu.memory_space<vmem>>) target(%dma_start3A_298 : memref<10240x128xf32, #tpu.memory_space<vmem_shared>>) offsets(%arg13 : memref<80xi32, #tpu.memory_space<vmem>>) semaphore(%run_scoped3A : memref<!tpu.dma_semaphore, #tpu.memory_space<semaphore_mem>>) {add = true}
        %dma_wait3A_299 = arith.constant 0 : i32
        %dma_wait3A_300 = arith.constant 0 : i32
        %dma_wait3A_301 = tpu.memref_slice %arg18[%dma_wait3A_299, %dma_wait3A_300] : memref<10240x128xf32, #tpu.memory_space<vmem_shared>> -> memref<10240x128xf32, #tpu.memory_space<vmem_shared>>
        tpu.wait_indirect_dma semaphore(%run_scoped3A : memref<!tpu.dma_semaphore, #tpu.memory_space<semaphore_mem>>) src(%arg17 : memref<80x128xf32, #tpu.memory_space<vmem>>) dst(%dma_wait3A_301 : memref<10240x128xf32, #tpu.memory_space<vmem_shared>>)
        tpu.yield
      }) : () -> ()
      %add3A_257 = arith.constant 4 : i32
      %add3A_258 = arith.addi %add3A_253, %add3A_257 : i32
      %jit3A_259 = arith.constant 125 : i32
      %eq3A_260 = arith.constant 0 : i32
      %eq3A_261 = arith.cmpi eq, %jit3A_259, %eq3A_260 : i32
      %jit3A_262 = arith.constant 1 : i32
      %select_n3A_263 = arith.select %eq3A_261, %jit3A_262, %jit3A_259 : i32
      %rem3A_264 = arith.remsi %add3A_258, %select_n3A_263 : i32
      %ne3A_265 = arith.constant 0 : i32
      %ne3A_266 = arith.cmpi ne, %rem3A_264, %ne3A_265 : i32
      %lt3A_267 = arith.constant 0 : i32
      %lt3A_268 = arith.cmpi slt, %rem3A_264, %lt3A_267 : i32
      %lt3A_269 = arith.constant 0 : i32
      %lt3A_270 = arith.cmpi slt, %select_n3A_263, %lt3A_269 : i32
      %ne3A_271 = arith.xori %lt3A_268, %lt3A_270 : i1
      %and3A_272 = arith.andi %ne3A_271, %ne3A_266 : i1
      %add3A_273 = arith.addi %rem3A_264, %select_n3A_263 : i32
      %select_n3A_274 = arith.select %and3A_272, %add3A_273, %rem3A_264 : i32
      %mul3A_275 = arith.constant 80 : i32
      %mul3A_276 = arith.muli %select_n3A_274, %mul3A_275 : i32
      %add3A_277 = arith.addi %mul3A_2, %mul3A_276 : i32
      %dma_start3A_278 = tpu.memref_slice %arg3[%add3A_277] : memref<320000xi32, #tpu.memory_space<hbm>> -> memref<80xi32, #tpu.memory_space<hbm>>
      %dma_start3A_279 = tpu.memref_slice %arg3[%add3A_277] : memref<320000xi32, #tpu.memory_space<hbm>> -> memref<80xi32, #tpu.memory_space<hbm>>
      tpu.enqueue_dma source(%dma_start3A_279 : memref<80xi32, #tpu.memory_space<hbm>>) target(%arg9 : memref<80xi32, #tpu.memory_space<vmem>>) target_semaphore(%arg22 : memref<!tpu.dma_semaphore, #tpu.memory_space<semaphore_mem>>)
      %mul3A_280 = arith.constant 80 : i32
      %mul3A_281 = arith.muli %select_n3A_274, %mul3A_280 : i32
      %add3A_282 = arith.addi %mul3A_2, %mul3A_281 : i32
      %dma_start3A_283 = tpu.memref_slice %arg4[%add3A_282] : memref<320000xi32, #tpu.memory_space<hbm>> -> memref<80xi32, #tpu.memory_space<hbm>>
      %dma_start3A_284 = tpu.memref_slice %arg4[%add3A_282] : memref<320000xi32, #tpu.memory_space<hbm>> -> memref<80xi32, #tpu.memory_space<hbm>>
      tpu.enqueue_dma source(%dma_start3A_284 : memref<80xi32, #tpu.memory_space<hbm>>) target(%arg13 : memref<80xi32, #tpu.memory_space<vmem>>) target_semaphore(%arg22 : memref<!tpu.dma_semaphore, #tpu.memory_space<semaphore_mem>>)
      %dma_wait3A_285 = arith.constant 0 : i32
      %dma_wait3A_286 = tpu.memref_slice %arg3[%dma_wait3A_285] : memref<320000xi32, #tpu.memory_space<hbm>> -> memref<80xi32, #tpu.memory_space<hbm>>
      %dma_wait3A_287 = arith.constant 0 : i32
      %dma_wait3A_288 = tpu.memref_slice %arg3[%dma_wait3A_287] : memref<320000xi32, #tpu.memory_space<hbm>> -> memref<80xi32, #tpu.memory_space<hbm>>
      tpu.wait_dma2 semaphore(%arg21 : memref<!tpu.dma_semaphore, #tpu.memory_space<semaphore_mem>>) src(%dma_wait3A_288 : memref<80xi32, #tpu.memory_space<hbm>>) dst(%arg8 : memref<80xi32, #tpu.memory_space<vmem>>)
      %dma_wait3A_289 = arith.constant 0 : i32
      %dma_wait3A_290 = tpu.memref_slice %arg4[%dma_wait3A_289] : memref<320000xi32, #tpu.memory_space<hbm>> -> memref<80xi32, #tpu.memory_space<hbm>>
      %dma_wait3A_291 = arith.constant 0 : i32
      %dma_wait3A_292 = tpu.memref_slice %arg4[%dma_wait3A_291] : memref<320000xi32, #tpu.memory_space<hbm>> -> memref<80xi32, #tpu.memory_space<hbm>>
      tpu.wait_dma2 semaphore(%arg21 : memref<!tpu.dma_semaphore, #tpu.memory_space<semaphore_mem>>) src(%dma_wait3A_292 : memref<80xi32, #tpu.memory_space<hbm>>) dst(%arg12 : memref<80xi32, #tpu.memory_space<vmem>>)
      %dma_start3A_293 = arith.constant 0 : i32
      %dma_start3A_294 = arith.constant 0 : i32
      %dma_start3A_295 = tpu.memref_slice %arg2[%dma_start3A_293, %dma_start3A_294] : memref<10240x128xf32, #tpu.memory_space<hbm>> -> memref<10240x128xf32, #tpu.memory_space<hbm>>
      tpu.enqueue_indirect_dma source(%dma_start3A_295 : memref<10240x128xf32, #tpu.memory_space<hbm>>) target(%arg16 : memref<80x128xf32, #tpu.memory_space<vmem>>) offsets(%arg8 : memref<80xi32, #tpu.memory_space<vmem>>) semaphore(%arg25 : memref<!tpu.dma_semaphore, #tpu.memory_space<semaphore_mem>>)
    }
    %scan3A_74 = arith.constant 31 : i32
    %dma_wait3A = arith.constant 0 : i32
    %dma_wait3A_75 = arith.constant 0 : i32
    %dma_wait3A_76 = tpu.memref_slice %arg2[%dma_wait3A, %dma_wait3A_75] : memref<10240x128xf32, #tpu.memory_space<hbm>> -> memref<10240x128xf32, #tpu.memory_space<hbm>>
    tpu.wait_indirect_dma semaphore(%arg23 : memref<!tpu.dma_semaphore, #tpu.memory_space<semaphore_mem>>) src(%dma_wait3A_76 : memref<10240x128xf32, #tpu.memory_space<hbm>>) dst(%arg14 : memref<80x128xf32, #tpu.memory_space<vmem>>)
    "tpu.region"() ({
      %run_scoped3A = tpu.sem_alloc : memref<!tpu.dma_semaphore, #tpu.memory_space<semaphore_mem>>
      %dma_start3A_118 = arith.constant 0 : i32
      %dma_start3A_119 = arith.constant 0 : i32
      %dma_start3A_120 = tpu.memref_slice %arg18[%dma_start3A_118, %dma_start3A_119] : memref<10240x128xf32, #tpu.memory_space<vmem_shared>> -> memref<10240x128xf32, #tpu.memory_space<vmem_shared>>
      tpu.enqueue_indirect_dma source(%arg14 : memref<80x128xf32, #tpu.memory_space<vmem>>) target(%dma_start3A_120 : memref<10240x128xf32, #tpu.memory_space<vmem_shared>>) offsets(%arg10 : memref<80xi32, #tpu.memory_space<vmem>>) semaphore(%run_scoped3A : memref<!tpu.dma_semaphore, #tpu.memory_space<semaphore_mem>>) {add = true}
      %dma_wait3A_121 = arith.constant 0 : i32
      %dma_wait3A_122 = arith.constant 0 : i32
      %dma_wait3A_123 = tpu.memref_slice %arg18[%dma_wait3A_121, %dma_wait3A_122] : memref<10240x128xf32, #tpu.memory_space<vmem_shared>> -> memref<10240x128xf32, #tpu.memory_space<vmem_shared>>
      tpu.wait_indirect_dma semaphore(%run_scoped3A : memref<!tpu.dma_semaphore, #tpu.memory_space<semaphore_mem>>) src(%arg14 : memref<80x128xf32, #tpu.memory_space<vmem>>) dst(%dma_wait3A_123 : memref<10240x128xf32, #tpu.memory_space<vmem_shared>>)
      tpu.yield
    }) : () -> ()
    %add3A_77 = arith.constant 240 : i32
    %add3A_78 = arith.addi %mul3A_2, %add3A_77 : i32
    %dma_start3A_79 = tpu.memref_slice %arg3[%add3A_78] : memref<320000xi32, #tpu.memory_space<hbm>> -> memref<80xi32, #tpu.memory_space<hbm>>
    %dma_start3A_80 = tpu.memref_slice %arg3[%add3A_78] : memref<320000xi32, #tpu.memory_space<hbm>> -> memref<80xi32, #tpu.memory_space<hbm>>
    tpu.enqueue_dma source(%dma_start3A_80 : memref<80xi32, #tpu.memory_space<hbm>>) target(%arg6 : memref<80xi32, #tpu.memory_space<vmem>>) target_semaphore(%arg19 : memref<!tpu.dma_semaphore, #tpu.memory_space<semaphore_mem>>)
    %add3A_81 = arith.constant 240 : i32
    %add3A_82 = arith.addi %mul3A_2, %add3A_81 : i32
    %dma_start3A_83 = tpu.memref_slice %arg4[%add3A_82] : memref<320000xi32, #tpu.memory_space<hbm>> -> memref<80xi32, #tpu.memory_space<hbm>>
    %dma_start3A_84 = tpu.memref_slice %arg4[%add3A_82] : memref<320000xi32, #tpu.memory_space<hbm>> -> memref<80xi32, #tpu.memory_space<hbm>>
    tpu.enqueue_dma source(%dma_start3A_84 : memref<80xi32, #tpu.memory_space<hbm>>) target(%arg10 : memref<80xi32, #tpu.memory_space<vmem>>) target_semaphore(%arg19 : memref<!tpu.dma_semaphore, #tpu.memory_space<semaphore_mem>>)
    %dma_wait3A_85 = arith.constant 0 : i32
    %dma_wait3A_86 = tpu.memref_slice %arg3[%dma_wait3A_85] : memref<320000xi32, #tpu.memory_space<hbm>> -> memref<80xi32, #tpu.memory_space<hbm>>
    %dma_wait3A_87 = arith.constant 0 : i32
    %dma_wait3A_88 = tpu.memref_slice %arg3[%dma_wait3A_87] : memref<320000xi32, #tpu.memory_space<hbm>> -> memref<80xi32, #tpu.memory_space<hbm>>
    tpu.wait_dma2 semaphore(%arg22 : memref<!tpu.dma_semaphore, #tpu.memory_space<semaphore_mem>>) src(%dma_wait3A_88 : memref<80xi32, #tpu.memory_space<hbm>>) dst(%arg9 : memref<80xi32, #tpu.memory_space<vmem>>)
    %dma_wait3A_89 = arith.constant 0 : i32
    %dma_wait3A_90 = tpu.memref_slice %arg4[%dma_wait3A_89] : memref<320000xi32, #tpu.memory_space<hbm>> -> memref<80xi32, #tpu.memory_space<hbm>>
    %dma_wait3A_91 = arith.constant 0 : i32
    %dma_wait3A_92 = tpu.memref_slice %arg4[%dma_wait3A_91] : memref<320000xi32, #tpu.memory_space<hbm>> -> memref<80xi32, #tpu.memory_space<hbm>>
    tpu.wait_dma2 semaphore(%arg22 : memref<!tpu.dma_semaphore, #tpu.memory_space<semaphore_mem>>) src(%dma_wait3A_92 : memref<80xi32, #tpu.memory_space<hbm>>) dst(%arg13 : memref<80xi32, #tpu.memory_space<vmem>>)
    %dma_start3A_93 = arith.constant 0 : i32
    %dma_start3A_94 = arith.constant 0 : i32
    %dma_start3A_95 = tpu.memref_slice %arg2[%dma_start3A_93, %dma_start3A_94] : memref<10240x128xf32, #tpu.memory_space<hbm>> -> memref<10240x128xf32, #tpu.memory_space<hbm>>
    tpu.enqueue_indirect_dma source(%dma_start3A_95 : memref<10240x128xf32, #tpu.memory_space<hbm>>) target(%arg17 : memref<80x128xf32, #tpu.memory_space<vmem>>) offsets(%arg9 : memref<80xi32, #tpu.memory_space<vmem>>) semaphore(%arg26 : memref<!tpu.dma_semaphore, #tpu.memory_space<semaphore_mem>>)
    %dma_wait3A_96 = arith.constant 0 : i32
    %dma_wait3A_97 = arith.constant 0 : i32
    %dma_wait3A_98 = tpu.memref_slice %arg2[%dma_wait3A_96, %dma_wait3A_97] : memref<10240x128xf32, #tpu.memory_space<hbm>> -> memref<10240x128xf32, #tpu.memory_space<hbm>>
    tpu.wait_indirect_dma semaphore(%arg24 : memref<!tpu.dma_semaphore, #tpu.memory_space<semaphore_mem>>) src(%dma_wait3A_98 : memref<10240x128xf32, #tpu.memory_space<hbm>>) dst(%arg15 : memref<80x128xf32, #tpu.memory_space<vmem>>)
    %dma_wait3A_99 = arith.constant 0 : i32
    %dma_wait3A_100 = arith.constant 0 : i32
    %dma_wait3A_101 = tpu.memref_slice %arg2[%dma_wait3A_99, %dma_wait3A_100] : memref<10240x128xf32, #tpu.memory_space<hbm>> -> memref<10240x128xf32, #tpu.memory_space<hbm>>
    tpu.wait_indirect_dma semaphore(%arg25 : memref<!tpu.dma_semaphore, #tpu.memory_space<semaphore_mem>>) src(%dma_wait3A_101 : memref<10240x128xf32, #tpu.memory_space<hbm>>) dst(%arg16 : memref<80x128xf32, #tpu.memory_space<vmem>>)
    %dma_wait3A_102 = arith.constant 0 : i32
    %dma_wait3A_103 = arith.constant 0 : i32
    %dma_wait3A_104 = tpu.memref_slice %arg2[%dma_wait3A_102, %dma_wait3A_103] : memref<10240x128xf32, #tpu.memory_space<hbm>> -> memref<10240x128xf32, #tpu.memory_space<hbm>>
    tpu.wait_indirect_dma semaphore(%arg26 : memref<!tpu.dma_semaphore, #tpu.memory_space<semaphore_mem>>) src(%dma_wait3A_104 : memref<10240x128xf32, #tpu.memory_space<hbm>>) dst(%arg17 : memref<80x128xf32, #tpu.memory_space<vmem>>)
    %dma_wait3A_105 = arith.constant 0 : i32
    %dma_wait3A_106 = tpu.memref_slice %arg3[%dma_wait3A_105] : memref<320000xi32, #tpu.memory_space<hbm>> -> memref<80xi32, #tpu.memory_space<hbm>>
    %dma_wait3A_107 = arith.constant 0 : i32
    %dma_wait3A_108 = tpu.memref_slice %arg3[%dma_wait3A_107] : memref<320000xi32, #tpu.memory_space<hbm>> -> memref<80xi32, #tpu.memory_space<hbm>>
    tpu.wait_dma2 semaphore(%arg19 : memref<!tpu.dma_semaphore, #tpu.memory_space<semaphore_mem>>) src(%dma_wait3A_108 : memref<80xi32, #tpu.memory_space<hbm>>) dst(%arg6 : memref<80xi32, #tpu.memory_space<vmem>>)
    %dma_wait3A_109 = arith.constant 0 : i32
    %dma_wait3A_110 = tpu.memref_slice %arg4[%dma_wait3A_109] : memref<320000xi32, #tpu.memory_space<hbm>> -> memref<80xi32, #tpu.memory_space<hbm>>
    %dma_wait3A_111 = arith.constant 0 : i32
    %dma_wait3A_112 = tpu.memref_slice %arg4[%dma_wait3A_111] : memref<320000xi32, #tpu.memory_space<hbm>> -> memref<80xi32, #tpu.memory_space<hbm>>
    tpu.wait_dma2 semaphore(%arg19 : memref<!tpu.dma_semaphore, #tpu.memory_space<semaphore_mem>>) src(%dma_wait3A_112 : memref<80xi32, #tpu.memory_space<hbm>>) dst(%arg10 : memref<80xi32, #tpu.memory_space<vmem>>)
    %barrier3A_113 = arith.constant 0 : index
    tpu.barrier barrier_id(%barrier3A_113)
    %mul3A_114 = arith.constant 640 : i32
    %mul3A_115 = arith.muli %arg1, %mul3A_114 : i32
    %mul3A_116 = arith.constant 640 : i32
    %mul3A_117 = arith.muli %arg1, %mul3A_116 : i32
    "tpu.region"() ({
      %run_scoped3A = tpu.sem_alloc : memref<!tpu.dma_semaphore, #tpu.memory_space<semaphore_mem>>
      %dma_start3A_118 = arith.constant 0 : i32
      %dma_start3A_119 = tpu.memref_slice %arg5[%arg0, %mul3A_117, %dma_start3A_118] : memref<2x10240x128xf32, #tpu.memory_space<hbm>> -> memref<1x640x128xf32, #tpu.memory_space<hbm>>
      %dma_start3A_120 = tpu.memref_squeeze %dma_start3A_119 : memref<1x640x128xf32, #tpu.memory_space<hbm>> -> memref<640x128xf32, #tpu.memory_space<hbm>>
      %dma_start3A_121 = arith.constant 0 : i32
      %dma_start3A_122 = tpu.memref_slice %arg18[%mul3A_115, %dma_start3A_121] : memref<10240x128xf32, #tpu.memory_space<vmem_shared>> -> memref<640x128xf32, #tpu.memory_space<vmem_shared>>
      tpu.enqueue_dma source(%dma_start3A_122 : memref<640x128xf32, #tpu.memory_space<vmem_shared>>) target(%dma_start3A_120 : memref<640x128xf32, #tpu.memory_space<hbm>>) target_semaphore(%run_scoped3A : memref<!tpu.dma_semaphore, #tpu.memory_space<semaphore_mem>>)
      %dma_wait3A_123 = arith.constant 0 : i32
      %dma_wait3A_124 = tpu.memref_slice %arg5[%arg0, %mul3A_117, %dma_wait3A_123] : memref<2x10240x128xf32, #tpu.memory_space<hbm>> -> memref<1x640x128xf32, #tpu.memory_space<hbm>>
      %dma_wait3A_125 = tpu.memref_squeeze %dma_wait3A_124 : memref<1x640x128xf32, #tpu.memory_space<hbm>> -> memref<640x128xf32, #tpu.memory_space<hbm>>
      %dma_wait3A_126 = arith.constant 0 : i32
      %dma_wait3A_127 = tpu.memref_slice %arg18[%mul3A_115, %dma_wait3A_126] : memref<10240x128xf32, #tpu.memory_space<vmem_shared>> -> memref<640x128xf32, #tpu.memory_space<vmem_shared>>
      tpu.wait_dma2 semaphore(%run_scoped3A : memref<!tpu.dma_semaphore, #tpu.memory_space<semaphore_mem>>) src(%dma_wait3A_127 : memref<640x128xf32, #tpu.memory_space<vmem_shared>>) dst(%dma_wait3A_125 : memref<640x128xf32, #tpu.memory_space<hbm>>)
      tpu.yield
    }) : () -> ()
    return
  }
}

module attributes {stable_mosaic.version = 14 : i64} {
  func.func @_tc1_body(%arg0: i32, %arg1: memref<1000x2xf32, #tpu.memory_space<vmem>>, %arg2: memref<1000x128xf32, #tpu.memory_space<vmem>>, %arg3: memref<1000x1xf32, #tpu.memory_space<vmem>>, %arg4: memref<1000x128xf32, #tpu.memory_space<vmem>>) attributes {dimension_semantics = [#tpu.dimension_semantics<arbitrary>], iteration_bounds = array<i64: 10>, scalar_prefetch = 0 : i64, scratch_operands = 0 : i64, tpu.core_type = #tpu.core_type<tc>, window_params = [{transform_indices = @transform_0, window_bounds = array<i64: 1000, 2>}, {transform_indices = @transform_1, window_bounds = array<i64: 1000, 128>}, {transform_indices = @transform_2, window_bounds = array<i64: 1000, 1>}, {transform_indices = @transform_3, window_bounds = array<i64: 1000, 128>}]} {
    %get3A = arith.constant 0 : index
    %get3A_0 = arith.constant 0 : index
    %get3A_1 = vector.load %arg1[%get3A, %get3A_0] : memref<1000x2xf32, #tpu.memory_space<vmem>>, vector<1000x2xf32>
    %slice3A = vector.extract_strided_slice %get3A_1 {offsets = [0, 0], sizes = [1000, 1], strides = [1, 1]} : vector<1000x2xf32> to vector<1000x1xf32>
    %slice3A_2 = vector.extract_strided_slice %get3A_1 {offsets = [0, 1], sizes = [1000, 1], strides = [1, 1]} : vector<1000x2xf32> to vector<1000x1xf32>
    %add3A = arith.addf %slice3A, %slice3A_2 : vector<1000x1xf32>
    %add3A_3 = arith.constant 1.000000e+00 : f32
    %add3A_4 = vector.broadcast %add3A_3 : f32 to vector<1000x1xf32>
    %add3A_5 = arith.addf %add3A, %add3A_4 : vector<1000x1xf32>
    %rsqrt3A = math.rsqrt %add3A_5 : vector<1000x1xf32>
    %swap3A = arith.constant 0 : index
    %swap3A_6 = arith.constant 0 : index
    %swap3A_7 = vector.load %arg3[%swap3A, %swap3A_6] : memref<1000x1xf32, #tpu.memory_space<vmem>>, vector<1000x1xf32>
    tpu.vector_store %arg3[%swap3A, %swap3A_6], %rsqrt3A {strides = array<i32>} : memref<1000x1xf32, #tpu.memory_space<vmem>>, vector<1000x1xf32>,
    %get3A_8 = arith.constant 0 : index
    %get3A_9 = arith.constant 0 : index
    %get3A_10 = vector.load %arg2[%get3A_8, %get3A_9] : memref<1000x128xf32, #tpu.memory_space<vmem>>, vector<1000x128xf32>
    %mul3A = vector.broadcast %rsqrt3A : vector<1000x1xf32> to vector<1000x128xf32>
    %mul3A_11 = arith.mulf %get3A_10, %mul3A : vector<1000x128xf32>
    %swap3A_12 = arith.constant 0 : index
    %swap3A_13 = arith.constant 0 : index
    %swap3A_14 = vector.load %arg4[%swap3A_12, %swap3A_13] : memref<1000x128xf32, #tpu.memory_space<vmem>>, vector<1000x128xf32>
    tpu.vector_store %arg4[%swap3A_12, %swap3A_13], %mul3A_11 {strides = array<i32>} : memref<1000x128xf32, #tpu.memory_space<vmem>>, vector<1000x128xf32>,
    return
  }
  func.func @transform_0(%arg0: i32) -> (i32, i32) {
    %c0_i32 = arith.constant 0 : i32
    %c0_i32_0 = arith.constant 0 : i32
    return %arg0, %c0_i32 : i32, i32
  }
  func.func @transform_1(%arg0: i32) -> (i32, i32) {
    %c0_i32 = arith.constant 0 : i32
    %c0_i32_0 = arith.constant 0 : i32
    return %arg0, %c0_i32 : i32, i32
  }
  func.func @transform_2(%arg0: i32) -> (i32, i32) {
    %c0_i32 = arith.constant 0 : i32
    %c0_i32_0 = arith.constant 0 : i32
    return %arg0, %c0_i32 : i32, i32
  }
  func.func @transform_3(%arg0: i32) -> (i32, i32) {
    %c0_i32 = arith.constant 0 : i32
    %c0_i32_0 = arith.constant 0 : i32
    return %arg0, %c0_i32 : i32, i32
  }
}

module attributes {stable_mosaic.version = 14 : i64} {
  func.func @_tc2_body(%arg0: i32, %arg1: memref<1000x1xf32, #tpu.memory_space<vmem>>, %arg2: memref<1000x128xf32, #tpu.memory_space<vmem>>, %arg3: memref<2x1000x128xf32, #tpu.memory_space<vmem>>, %arg4: memref<128x256xf32, #tpu.memory_space<vmem>>, %arg5: memref<1x256xf32, #tpu.memory_space<vmem>>, %arg6: memref<256x128xf32, #tpu.memory_space<vmem>>, %arg7: memref<1000x128xf32, #tpu.memory_space<vmem>>) attributes {dimension_semantics = [#tpu.dimension_semantics<arbitrary>], iteration_bounds = array<i64: 10>, scalar_prefetch = 0 : i64, scratch_operands = 0 : i64, tpu.core_type = #tpu.core_type<tc>, window_params = [{transform_indices = @transform_0, window_bounds = array<i64: 1000, 1>}, {transform_indices = @transform_1, window_bounds = array<i64: 1000, 128>}, {transform_indices = @transform_2, window_bounds = array<i64: 2, 1000, 128>}, {pipeline_mode = #tpu.pipeline_mode<synchronous>, transform_indices = @transform_3, window_bounds = array<i64: 128, 256>}, {pipeline_mode = #tpu.pipeline_mode<synchronous>, transform_indices = @transform_4, window_bounds = array<i64: 1, 256>}, {pipeline_mode = #tpu.pipeline_mode<synchronous>, transform_indices = @transform_5, window_bounds = array<i64: 256, 128>}, {transform_indices = @transform_6, window_bounds = array<i64: 1000, 128>}]} {
    %get3A = arith.constant 0 : index
    %get3A_0 = arith.constant 0 : index
    %get3A_1 = vector.load %arg1[%get3A, %get3A_0] : memref<1000x1xf32, #tpu.memory_space<vmem>>, vector<1000x1xf32>
    %get3A_2 = arith.constant 0 : index
    %get3A_3 = arith.constant 0 : index
    %get3A_4 = arith.constant 0 : index
    %get3A_5 = vector.load %arg3[%get3A_2, %get3A_3, %get3A_4] : memref<2x1000x128xf32, #tpu.memory_space<vmem>>, vector<1x1000x128xf32>
    %get3A_6 = vector.shape_cast %get3A_5 : vector<1x1000x128xf32> to vector<1000x128xf32>
    %get3A_7 = arith.constant 1 : index
    %get3A_8 = arith.constant 0 : index
    %get3A_9 = arith.constant 0 : index
    %get3A_10 = vector.load %arg3[%get3A_7, %get3A_8, %get3A_9] : memref<2x1000x128xf32, #tpu.memory_space<vmem>>, vector<1x1000x128xf32>
    %get3A_11 = vector.shape_cast %get3A_10 : vector<1x1000x128xf32> to vector<1000x128xf32>
    %add3A = arith.addf %get3A_6, %get3A_11 : vector<1000x128xf32>
    %get3A_12 = arith.constant 0 : index
    %get3A_13 = arith.constant 0 : index
    %get3A_14 = vector.load %arg2[%get3A_12, %get3A_13] : memref<1000x128xf32, #tpu.memory_space<vmem>>, vector<1000x128xf32>
    %add3A_15 = arith.addf %add3A, %get3A_14 : vector<1000x128xf32>
    %mul3A = vector.broadcast %get3A_1 : vector<1000x1xf32> to vector<1000x128xf32>
    %mul3A_16 = arith.mulf %mul3A, %add3A_15 : vector<1000x128xf32>
    %get3A_17 = arith.constant 0 : index
    %get3A_18 = arith.constant 0 : index
    %get3A_19 = vector.load %arg4[%get3A_17, %get3A_18] : memref<128x256xf32, #tpu.memory_space<vmem>>, vector<128x256xf32>
    %dot_general3A = arith.constant dense<0.000000e+00> : vector<1000x256xf32>
    %dot_general3A_20 = tpu.matmul %mul3A_16, %get3A_19, %dot_general3A {dimension_numbers = #tpu.dot_dimension_numbers<[1], [0], [0], [1], [0, 0, 1, 1], [], []>, transpose_lhs_hint = false} : vector<1000x128xf32>, vector<128x256xf32>, vector<1000x256xf32> -> vector<1000x256xf32>
    %get3A_21 = arith.constant 0 : index
    %get3A_22 = arith.constant 0 : index
    %get3A_23 = vector.load %arg5[%get3A_21, %get3A_22] : memref<1x256xf32, #tpu.memory_space<vmem>>, vector<1x256xf32>
    %add3A_24 = vector.broadcast %get3A_23 : vector<1x256xf32> to vector<1000x256xf32>
    %add3A_25 = arith.addf %dot_general3A_20, %add3A_24 : vector<1000x256xf32>
    %max3A = arith.constant 0.000000e+00 : f32
    %max3A_26 = vector.broadcast %max3A : f32 to vector<1000x256xf32>
    %max3A_27 = arith.maximumf %add3A_25, %max3A_26 : vector<1000x256xf32>
    %get3A_28 = arith.constant 0 : index
    %get3A_29 = arith.constant 0 : index
    %get3A_30 = vector.load %arg6[%get3A_28, %get3A_29] : memref<256x128xf32, #tpu.memory_space<vmem>>, vector<256x128xf32>
    %dot_general3A_31 = arith.constant dense<0.000000e+00> : vector<1000x128xf32>
    %dot_general3A_32 = tpu.matmul %max3A_27, %get3A_30, %dot_general3A_31 {dimension_numbers = #tpu.dot_dimension_numbers<[1], [0], [0], [1], [0, 0, 1, 1], [], []>, transpose_lhs_hint = false} : vector<1000x256xf32>, vector<256x128xf32>, vector<1000x128xf32> -> vector<1000x128xf32>
    %mul3A_33 = vector.broadcast %get3A_1 : vector<1000x1xf32> to vector<1000x128xf32>
    %mul3A_34 = arith.mulf %mul3A_33, %dot_general3A_32 : vector<1000x128xf32>
    %swap3A = arith.constant 0 : index
    %swap3A_35 = arith.constant 0 : index
    %swap3A_36 = vector.load %arg7[%swap3A, %swap3A_35] : memref<1000x128xf32, #tpu.memory_space<vmem>>, vector<1000x128xf32>
    tpu.vector_store %arg7[%swap3A, %swap3A_35], %mul3A_34 {strides = array<i32>} : memref<1000x128xf32, #tpu.memory_space<vmem>>, vector<1000x128xf32>,
    return
  }
  func.func @transform_0(%arg0: i32) -> (i32, i32) {
    %c0_i32 = arith.constant 0 : i32
    %c0_i32_0 = arith.constant 0 : i32
    return %arg0, %c0_i32 : i32, i32
  }
  func.func @transform_1(%arg0: i32) -> (i32, i32) {
    %c0_i32 = arith.constant 0 : i32
    %c0_i32_0 = arith.constant 0 : i32
    return %arg0, %c0_i32 : i32, i32
  }
  func.func @transform_2(%arg0: i32) -> (i32, i32, i32) {
    %c0_i32 = arith.constant 0 : i32
    %c0_i32_0 = arith.constant 0 : i32
    %c0_i32_1 = arith.constant 0 : i32
    return %c0_i32, %arg0, %c0_i32_0 : i32, i32, i32
  }
  func.func @transform_3(%arg0: i32) -> (i32, i32) {
    %c0_i32 = arith.constant 0 : i32
    %c0_i32_0 = arith.constant 0 : i32
    %c0_i32_1 = arith.constant 0 : i32
    return %c0_i32, %c0_i32_0 : i32, i32
  }
  func.func @transform_4(%arg0: i32) -> (i32, i32) {
    %c0_i32 = arith.constant 0 : i32
    %c0_i32_0 = arith.constant 0 : i32
    %c0_i32_1 = arith.constant 0 : i32
    return %c0_i32, %c0_i32_0 : i32, i32
  }
  func.func @transform_5(%arg0: i32) -> (i32, i32) {
    %c0_i32 = arith.constant 0 : i32
    %c0_i32_0 = arith.constant 0 : i32
    %c0_i32_1 = arith.constant 0 : i32
    return %c0_i32, %c0_i32_0 : i32, i32
  }
  func.func @transform_6(%arg0: i32) -> (i32, i32) {
    %c0_i32 = arith.constant 0 : i32
    %c0_i32_0 = arith.constant 0 : i32
    return %arg0, %c0_i32 : i32, i32
  }
}

module attributes {stable_mosaic.version = 14 : i64} {
  func.func @_tc3_body(%arg0: i32, %arg1: memref<1000x1xf32, #tpu.memory_space<vmem>>, %arg2: memref<1000x128xf32, #tpu.memory_space<vmem>>, %arg3: memref<2x1000x128xf32, #tpu.memory_space<vmem>>, %arg4: memref<1x128xf32, #tpu.memory_space<vmem>>, %arg5: memref<128x8xf32, #tpu.memory_space<vmem>>, %arg6: memref<1x8xf32, #tpu.memory_space<vmem>>, %arg7: memref<1000x8xf32, #tpu.memory_space<vmem>>) attributes {dimension_semantics = [#tpu.dimension_semantics<arbitrary>], iteration_bounds = array<i64: 10>, scalar_prefetch = 0 : i64, scratch_operands = 0 : i64, tpu.core_type = #tpu.core_type<tc>, window_params = [{transform_indices = @transform_0, window_bounds = array<i64: 1000, 1>}, {transform_indices = @transform_1, window_bounds = array<i64: 1000, 128>}, {transform_indices = @transform_2, window_bounds = array<i64: 2, 1000, 128>}, {pipeline_mode = #tpu.pipeline_mode<synchronous>, transform_indices = @transform_3, window_bounds = array<i64: 1, 128>}, {pipeline_mode = #tpu.pipeline_mode<synchronous>, transform_indices = @transform_4, window_bounds = array<i64: 128, 8>}, {pipeline_mode = #tpu.pipeline_mode<synchronous>, transform_indices = @transform_5, window_bounds = array<i64: 1, 8>}, {transform_indices = @transform_6, window_bounds = array<i64: 1000, 8>}]} {
    %get3A = arith.constant 0 : index
    %get3A_0 = arith.constant 0 : index
    %get3A_1 = vector.load %arg1[%get3A, %get3A_0] : memref<1000x1xf32, #tpu.memory_space<vmem>>, vector<1000x1xf32>
    %get3A_2 = arith.constant 0 : index
    %get3A_3 = arith.constant 0 : index
    %get3A_4 = arith.constant 0 : index
    %get3A_5 = vector.load %arg3[%get3A_2, %get3A_3, %get3A_4] : memref<2x1000x128xf32, #tpu.memory_space<vmem>>, vector<1x1000x128xf32>
    %get3A_6 = vector.shape_cast %get3A_5 : vector<1x1000x128xf32> to vector<1000x128xf32>
    %get3A_7 = arith.constant 1 : index
    %get3A_8 = arith.constant 0 : index
    %get3A_9 = arith.constant 0 : index
    %get3A_10 = vector.load %arg3[%get3A_7, %get3A_8, %get3A_9] : memref<2x1000x128xf32, #tpu.memory_space<vmem>>, vector<1x1000x128xf32>
    %get3A_11 = vector.shape_cast %get3A_10 : vector<1x1000x128xf32> to vector<1000x128xf32>
    %add3A = arith.addf %get3A_6, %get3A_11 : vector<1000x128xf32>
    %get3A_12 = arith.constant 0 : index
    %get3A_13 = arith.constant 0 : index
    %get3A_14 = vector.load %arg2[%get3A_12, %get3A_13] : memref<1000x128xf32, #tpu.memory_space<vmem>>, vector<1000x128xf32>
    %add3A_15 = arith.addf %add3A, %get3A_14 : vector<1000x128xf32>
    %mul3A = vector.broadcast %get3A_1 : vector<1000x1xf32> to vector<1000x128xf32>
    %mul3A_16 = arith.mulf %mul3A, %add3A_15 : vector<1000x128xf32>
    %get3A_17 = arith.constant 0 : index
    %get3A_18 = arith.constant 0 : index
    %get3A_19 = vector.load %arg4[%get3A_17, %get3A_18] : memref<1x128xf32, #tpu.memory_space<vmem>>, vector<1x128xf32>
    %add3A_20 = vector.broadcast %get3A_19 : vector<1x128xf32> to vector<1000x128xf32>
    %add3A_21 = arith.addf %mul3A_16, %add3A_20 : vector<1000x128xf32>
    %ge3A = arith.constant 0.000000e+00 : f32
    %ge3A_22 = vector.broadcast %ge3A : f32 to vector<1000x128xf32>
    %ge3A_23 = arith.cmpf oge, %add3A_21, %ge3A_22 : vector<1000x128xf32>
    %mul3A_24 = arith.constant 0.00999999977 : f32
    %mul3A_25 = vector.broadcast %mul3A_24 : f32 to vector<1000x128xf32>
    %mul3A_26 = arith.mulf %mul3A_25, %add3A_21 : vector<1000x128xf32>
    %select_n3A = arith.select %ge3A_23, %add3A_21, %mul3A_26 : vector<1000x128xi1>, vector<1000x128xf32>
    %get3A_27 = arith.constant 0 : index
    %get3A_28 = arith.constant 0 : index
    %get3A_29 = vector.load %arg5[%get3A_27, %get3A_28] : memref<128x8xf32, #tpu.memory_space<vmem>>, vector<128x8xf32>
    %dot_general3A = arith.constant dense<0.000000e+00> : vector<1000x8xf32>
    %dot_general3A_30 = tpu.matmul %select_n3A, %get3A_29, %dot_general3A {dimension_numbers = #tpu.dot_dimension_numbers<[1], [0], [0], [1], [0, 0, 1, 1], [], []>, transpose_lhs_hint = false} : vector<1000x128xf32>, vector<128x8xf32>, vector<1000x8xf32> -> vector<1000x8xf32>
    %get3A_31 = arith.constant 0 : index
    %get3A_32 = arith.constant 0 : index
    %get3A_33 = vector.load %arg6[%get3A_31, %get3A_32] : memref<1x8xf32, #tpu.memory_space<vmem>>, vector<1x8xf32>
    %add3A_34 = vector.broadcast %get3A_33 : vector<1x8xf32> to vector<1000x8xf32>
    %add3A_35 = arith.addf %dot_general3A_30, %add3A_34 : vector<1000x8xf32>
    %swap3A = arith.constant 0 : index
    %swap3A_36 = arith.constant 0 : index
    %swap3A_37 = vector.load %arg7[%swap3A, %swap3A_36] : memref<1000x8xf32, #tpu.memory_space<vmem>>, vector<1000x8xf32>
    tpu.vector_store %arg7[%swap3A, %swap3A_36], %add3A_35 {strides = array<i32>} : memref<1000x8xf32, #tpu.memory_space<vmem>>, vector<1000x8xf32>,
    return
  }
  func.func @transform_0(%arg0: i32) -> (i32, i32) {
    %c0_i32 = arith.constant 0 : i32
    %c0_i32_0 = arith.constant 0 : i32
    return %arg0, %c0_i32 : i32, i32
  }
  func.func @transform_1(%arg0: i32) -> (i32, i32) {
    %c0_i32 = arith.constant 0 : i32
    %c0_i32_0 = arith.constant 0 : i32
    return %arg0, %c0_i32 : i32, i32
  }
  func.func @transform_2(%arg0: i32) -> (i32, i32, i32) {
    %c0_i32 = arith.constant 0 : i32
    %c0_i32_0 = arith.constant 0 : i32
    %c0_i32_1 = arith.constant 0 : i32
    return %c0_i32, %arg0, %c0_i32_0 : i32, i32, i32
  }
  func.func @transform_3(%arg0: i32) -> (i32, i32) {
    %c0_i32 = arith.constant 0 : i32
    %c0_i32_0 = arith.constant 0 : i32
    %c0_i32_1 = arith.constant 0 : i32
    return %c0_i32, %c0_i32_0 : i32, i32
  }
  func.func @transform_4(%arg0: i32) -> (i32, i32) {
    %c0_i32 = arith.constant 0 : i32
    %c0_i32_0 = arith.constant 0 : i32
    %c0_i32_1 = arith.constant 0 : i32
    return %c0_i32, %c0_i32_0 : i32, i32
  }
  func.func @transform_5(%arg0: i32) -> (i32, i32) {
    %c0_i32 = arith.constant 0 : i32
    %c0_i32_0 = arith.constant 0 : i32
    %c0_i32_1 = arith.constant 0 : i32
    return %c0_i32, %c0_i32_0 : i32, i32
  }
  func.func @transform_6(%arg0: i32) -> (i32, i32) {
    %c0_i32 = arith.constant 0 : i32
    %c0_i32_0 = arith.constant 0 : i32
    return %arg0, %c0_i32 : i32, i32
  }
}

</mosaic_0001>

<sc_bundles>
// kernel: kernel.11.cloned.1.call-start
scs
__scs_entry_jumppad:
0x0: {  	(pc) =	sbr.rel $0x88, $3  }
0x1: {  	(tag) =	ssettag $0x0;
	lr =	simm.s32 $0x1  }
0x2: {  	[smem:$0x3F99] =	sst lr;
	_ =	strace $0xD0000000  }
0x3: {  	_ = 	snop  }
0x4: {  	_ = 	snop  }
0x5: {  	_ = 	snop  }
0x6: {  	_ = 	snop  }
0x7: {  	_ = 	snop  }
__scs_overlays_trampoline_lowered:
0x8: {  	[smem:$0x3FA8] =	sst s0  }
0x9: {  	[smem:$0x3FA9] =	sst s1  }
0xa: {  	[smem:$0x3FAA] =	sst s2  }
0xb: {  	[smem:$0x3FAB] =	sst s3  }
0xc: {  	[smem:$0x3FAC] =	sst s4  }
0xd: {  	[smem:$0x3FAD] =	sst s5  }
0xe: {  	[smem:$0x3FAE] =	sst s6  }
0xf: {  	[smem:$0x3FAF] =	sst s7  }
0x10: {  	[smem:$0x3FB0] =	sst s8  }
0x11: {  	[smem:$0x3FB1] =	sst s9;
	s0 =	simm.s32 @!p0 $0x0  }
0x12: {  	s1 =	sld [smem:$0x3F97];
	s0 =	simm.s32 @p0 $0x1  }
0x13: {  	[smem:$0x3FB2] =	sst s0;
	s0 =	simm.s32 @!p1 $0x0  }
0x14: {  	s2 =	sld [smem:$0x3F96];
	s0 =	simm.s32 @p1 $0x1  }
0x15: {  	[smem:$0x3FB3] =	sst s0;
	s0 =	simm.s32 @!p2 $0x0  }
0x16: {  	s3 =	sld [smem:$0x3FDB];
	s0 =	simm.s32 @p2 $0x1  }
0x17: {  	s4 =	simm.s32 $0x1BF5;
	[smem:$0x3FB5] =	sst s0  }
0x18: {  	s0 =	sld [smem:$0x3F98];
	_ =	swait.ge [sflag:s4], $0x0  }
0x19: {  	s7 =	sld [smem:$0x3F99]  }
0x1a: {  	s8 =	sadd.s32 $0xFFFFE003, lr  }
0x1b: {  	s9 =	sadd.s32 $0xFFFFFEF7, lr;
	s5 =	simm.s32 $0xFFFFFFFF;
	p2 =	slt.u32 s8, $0xFFFFF086  }
0x1c: {  	p1 =	slt.u32 s9, $0xF7A;
	s5 =	simm.s32 @!p2 $0x0  }
0x1d: {  	s5 =	simm.s32 @p1 $0x1;
	p0 =	seq.s32 s7, s2  }
0x1e: {  	s7 =	smul.u32 @!p0 $0xF7A, s2;
	p2 =	seq.s32 @!p0 s5, $0x0  }
0x1f: {  	s9 =	smul.u32 $0xF7A, s1;
	s8 =	simm.s32 @!p0 $0x1BF5;
	p2 =	por !p2, p0  }
0x20: {  	[sflag:s8] =	ssyncset.s32 @!p0 $0xFFFFF086;
	s6 =	sadd.s32 @!p0 s3, s7;
	s7 =	simm.s32 @!p0 $0x108  }
0x21: {  	s3 =	sadd.s32 s3, s9;
	s6 =	sadd.s32 @!p0 $0x88, s6;
	s7 =	simm.s32 @p2 $0x1082  }
0x22: {  	[simem:s7], [sflag:s8] =	dma.local @!p0 [hbm:s6], $0xF7A  }
0x23: {  	s9 =	sor.u32 $0xD0000000, s2;
	s6 =	simm.s32 $0x108;
	_ =	swait.ge @!p0 [sflag:s8], $0x0  }
0x24: {  	s3 =	sadd.s32 $0x88, s3;
	s6 =	simm.s32 @!p1 $0x1082;
	[sflag:s4] =	ssyncset.s32 $0xFFFFF086  }
0x25: {  	[simem:s6], [sflag:s4] =	dma.local [hbm:s3], $0xF7A  }
0x26: {  	[smem:$0x3F99] =	sst s1;
	(tag) =	ssettag s2;
	_ =	strace s9  }
0x27: {  	s1 =	sld [smem:$0x3FA9]  }
0x28: {  	s2 =	sld [smem:$0x3FAA]  }
0x29: {  	s4 =	sld [smem:$0x3FAC]  }
0x2a: {  	p0 =	seq.s32 s5, $0x0;
	s5 =	sld [smem:$0x3FAD]  }
0x2b: {  	s6 =	sld [smem:$0x3FAE]  }
0x2c: {  	s7 =	sld [smem:$0x3FAF]  }
0x2d: {  	s3 =	simm.s32 $0x108;
	s8 =	sld [smem:$0x3FB0]  }
0x2e: {  	s3 =	simm.s32 @!p0 $0x1082;
	s9 =	sld [smem:$0x3FB1]  }
0x2f: {  	lr =	sadd.s32 s0, s3;
	s0 =	sld [smem:$0x3FA8]  }
0x30: {  	s3 =	sld [smem:$0x3FAB]  }
0x31: {  	[smem:$0x3FB4] =	sst s10  }
0x32: {  	s10 =	sld [smem:$0x3FB2];
	_ =	sdelay $0x3  }
0x33: {  	p0 =	seq.s32 s10, $0x1;
	s10 =	sld [smem:$0x3FB4];
	_ =	sdelay $0x3  }
0x34: {  	[smem:$0x3FB4] =	sst s10  }
0x35: {  	s10 =	sld [smem:$0x3FB3];
	_ =	sdelay $0x3  }
0x36: {  	p1 =	seq.s32 s10, $0x1;
	s10 =	sld [smem:$0x3FB4];
	_ =	sdelay $0x3  }
0x37: {  	[smem:$0x3FB4] =	sst s10  }
0x38: {  	s10 =	sld [smem:$0x3FB5]  }
0x39: {  	_ = 	snop;
	(pc) =	sbr.ind lr, $3  }
0x3a: {  	_ = 	snop  }
0x3b: {  	_ = 	snop  }
0x3c: {  	p2 =	seq.s32 s10, $0x1;
	s10 =	sld [smem:$0x3FB4]  }
0x3d: {  	_ =	shalt  }
0x3e: {  	_ =	shalt  }
0x3f: {  	_ =	shalt  }
0x40: {  	_ =	shalt  }
0x41: {  	_ =	shalt  }
0x42: {  	_ =	shalt  }
0x43: {  	_ =	shalt  }
0x44: {  	_ =	shalt  }
0x45: {  	_ =	shalt  }
0x46: {  	_ =	shalt  }
0x47: {  	_ =	shalt  }
0x48: {  	_ =	shalt  }
0x49: {  	_ =	shalt  }
0x4a: {  	_ =	shalt  }
0x4b: {  	_ =	shalt  }
0x4c: {  	_ =	shalt  }
0x4d: {  	_ =	shalt  }
0x4e: {  	_ =	shalt  }
0x4f: {  	_ =	shalt  }
0x50: {  	_ =	shalt  }
0x51: {  	_ =	shalt  }
0x52: {  	_ =	shalt  }
0x53: {  	_ =	shalt  }
0x54: {  	_ =	shalt  }
0x55: {  	_ =	shalt  }
0x56: {  	_ =	shalt  }
0x57: {  	_ =	shalt  }
0x58: {  	_ =	shalt  }
0x59: {  	_ =	shalt  }
0x5a: {  	_ =	shalt  }
0x5b: {  	_ =	shalt  }
0x5c: {  	_ =	shalt  }
0x5d: {  	_ =	shalt  }
0x5e: {  	_ =	shalt  }
0x5f: {  	_ =	shalt  }
0x60: {  	_ =	shalt  }
0x61: {  	_ =	shalt  }
0x62: {  	_ =	shalt  }
0x63: {  	_ =	shalt  }
0x64: {  	_ =	shalt  }
0x65: {  	_ =	shalt  }
0x66: {  	_ =	shalt  }
0x67: {  	_ =	shalt  }
0x68: {  	_ =	shalt  }
0x69: {  	_ =	shalt  }
0x6a: {  	_ =	shalt  }
0x6b: {  	_ =	shalt  }
0x6c: {  	_ =	shalt  }
0x6d: {  	_ =	shalt  }
0x6e: {  	_ =	shalt  }
0x6f: {  	_ =	shalt  }
0x70: {  	_ =	shalt  }
0x71: {  	_ =	shalt  }
0x72: {  	_ =	shalt  }
0x73: {  	_ =	shalt  }
0x74: {  	_ =	shalt  }
0x75: {  	_ =	shalt  }
0x76: {  	_ =	shalt  }
0x77: {  	_ =	shalt  }
0x78: {  	_ =	shalt  }
0x79: {  	_ =	shalt  }
0x7a: {  	_ =	shalt  }
0x7b: {  	_ =	shalt  }
0x7c: {  	_ =	shalt  }
0x7d: {  	_ =	shalt  }
0x7e: {  	_ =	shalt  }
0x7f: {  	_ =	shalt  }
0x80: {  	_ =	shalt  }
0x81: {  	_ =	shalt  }
0x82: {  	_ =	shalt  }
0x83: {  	_ =	shalt  }
0x84: {  	_ =	shalt  }
0x85: {  	_ =	shalt  }
0x86: {  	_ =	shalt  }
0x87: {  	_ =	shalt  }
.Lfunc_end0:
.L_simem_size_0:
called_computation.1_lowered:
.L_overlay_start_0:
0x88: {  	s2 =	sld [smem:$0x3FD9]  }
0x89: {  	s3 =	sld [smem:$0x3FFE];
	_ =	sdelay $0x1  }
0x8a: {  	s1 =	srdreg.scid  }
0x8b: {  	s0 =	sand.u32 $0x1, s1  }
0x8c: {  	s16 =	sshll.u32 s0, $0xA;
	s2 =	sadd.s32 s3, s2  }
0x8d: {  	s2 =	sadd.s32 s2, s16  }
0x8e: {  	[smem:$0x3FC0] =	sst s2  }
0x8f: {  	_ = 	snop  }
0x90: {  	(tm) =	ssettm $0x1  }
0x91: {  	s17 =	sld [smem:$0x3FFB];
	_ =	sdelay $0x3  }
0x92: {  	_ =	strace s17  }
0x93: {  	s2 =	sld [smem:$0x3FFC];
	_ =	sdelay $0x3  }
0x94: {  	_ =	strace s2  }
0x95: {  	s2 =	sld [smem:$0x3FFD];
	_ =	sdelay $0x3  }
0x96: {  	_ =	strace s2  }
0x97: {  	_ =	strace $0x8FFFFFFF  }
0x98: {  	s18 =	sld [smem:$0x3FDB];
	_ =	sdelay $0x1  }
0x99: {  	s19 =	simm.s32 $_scs_section_size  }
0x9a: {  	s4 =	simm.s32 $_size__tile_overlayer_lowered;
	s5 =	simm.s32 $_tile_overlayer_lowered  }
0x9b: {  	s22 =	simm.s32 $0x1BFF;
	s21 =	sshll.u32 s5, $0x1;
	s2 =	sadd.s32 s19, s18  }
0x9c: {  	s6 =	simm.s32 $0x0;
	s20 =	sshll.u32 s4, $0x1;
	s4 =	sadd.s32 s21, s2  }
0x9d: {  	[timem:s6], [sflag:s22] =	dma.local [hbm:s4], s20  }
0x9e: {  	_ =	swait.ge [sflag:s22], s20  }
0x9f: {  	s3 =	ssub.s32 $0x0, s20;
	[sflag:s22] =	ssyncset.done $0x0  }
0xa0: {  	[sflag:s22] =	ssyncadd.s32 s3;
	_ =	sdelay $0x1  }
0xa1: {  	s23 =	simm.s32 $0x1B8B  }
0xa2: {  	_ =	swait.ge [sflag:s23], $0x1  }
0xa3: {  	[sflag:s23] =	ssyncset.done $0x0  }
0xa4: {  	s25 =	simm.s32 $0x1B8E;
	s24 =	sld [smem:$0x3FFE];
	[sflag:s23] =	ssyncadd.s32 $0xFFFFFFFF  }
0xa5: {  	s26 =	simm.s32 $execute0_lowered;
	[smem:$0x3FD2] =	sst s25  }
0xa6: {  	s4 =	sshll.u32 s26, $0x1;
	_ =	strace $0x80000049;
	[dreg:$0x1] =	wrdreg $0xFFFFFFFF  }
0xa7: {  	s28 =	simm.s32 $_size_execute0_lowered;
	s2 =	sadd.s32 s2, s4;
	[dreg:$0x0] =	wrdreg $0x0  }
0xa8: {  	s4 =	sshll.u32 s28, $0x1;
	[dreg:$0x2] =	wrdreg s2  }
0xa9: {  	[dreg:$0x3] =	wrdreg s4  }
0xaa: {  	[dreg:$0x4] =	wrdreg $0xC0  }
0xab: {  	_ =	task [dreg:s6], $0x5FFFF  }
0xac: {  	[dreg:$0x1] =	wrdreg $0xFFFFFFFF  }
0xad: {  	[dreg:$0x0] =	wrdreg $0x60  }
0xae: {  	[dreg:$0x2] =	wrdreg s24  }
0xaf: {  	[dreg:$0x3] =	wrdreg $0xA4000  }
0xb0: {  	[dreg:$0x4] =	wrdreg $0x9  }
0xb1: {  	_ =	task.clear_ibuf [dreg:s6], $0x5FFFF;
	_ =	strace $0x90000049  }
0xb2: {  	s29 =	simm.s32 $0x9;
	_ =	strace $0x8000004B  }
0xb3: {  	_ =	swait.ge [sflag:s29], $0x1  }
0xb4: {  	[sflag:s29] =	ssyncadd.s32 $0xFFFFFFFF  }
0xb5: {  	_ =	strace $0x9000004B  }
0xb6: {  	_ =	sfence  }
0xb7: {  	s30 =	sld [smem:$0x0];
	_ =	sdelay $0x2  }
0xb8: {  	s31 =	sshll.u32 s1, $0xD;
	s1 =	sshrl.u32 s1, $0x2  }
0xb9: {  	s3 =	sand.u32 $0x4000, s31;
	s1 =	sadd.s32 s1, s30  }
0xba: {  	s0 =	sor.u32 s3, s0;
	s1 =	sshll.u32 s1, $0x11  }
0xbb: {  	s0 =	sor.u32 s1, s0  }
0xbc: {  	s0 =	sadd.s32 $0x8F2B, s0  }
0xbd: {  	[sflag:s0] =	ssyncadd.remote.s32 $0x1  }
0xbe: {  	_ =	sfence.sel $0xFFFF  }
0xbf: {  	[dreg:$0x0] =	wrdreg $0xFFFFFFFF;
	(pc) =	sbr.abs _section_cstart, $3  }
0xc0: {  	[dreg:$0x1] =	wrdreg $0xFFFFFFFF  }
0xc1: {  	_ =	task.clear_ibuf [dreg:s6], $0x2FFFF;
	_ =	strace $0x9FFFFFFF  }
0xc2: {  	(tm) =	ssettm $0x7FFFFFFF  }
0xc3: {  	_ =	shalt  }
tec
execute0_lowered:
.L_overlay_start_1:
0x0: {  	(tag) =	ssettag $0x1  }
0x1: {  	s0 =	rddreg [dreg:$0x0]  }
0x2: {  	s1 =	rddreg [dreg:$0x1];
	s2 =	srdreg.scid  }
0x3: {  	s3 =	simm.s32 $0x0;
	s11 =	stileid.u32;
	s28 =	simm.s32 $0x9  }
0x4: {  	s29 =	simm.s32 $0x200;
	s30 =	simm.s32 $0x80;
	s7 =	smul.u32 $0x14000, s11  }
0x5: {  	s31 =	simm.s32 $0x280;
	s2 =	sand.u32 $0x1, s2;
	s8 =	smul.u32 $0x50000, s11  }
0x6: {  	[smem:$0x7FF] =	sst s3;
	s9 =	sshll.u32 s11, $0x1;
	s11 =	smul.u32 $0x4E20, s11  }
0x7: {  	s4 =	sadd.s32 $0x16600, s0;
	s5 =	sadd.s32 $0x2A00, s0;
	s6 =	smul.u32 $0x140000, s2  }
0x8: {  	_ =	strace $0x8000004A;
	s26 =	ssub.s32 $0x2, s2;
	s9 =	sor.u32 s2, s9  }
0x9: {  	s2 =	smul.u32 $0x2710, s2;
	s10 =	sshrl.u32 s26, $0x1;
	s8 =	sshrl.u32 s8, $0x2  }
0xa: {  	s7 =	sadd.s32 s7, s6;
	s6 =	sadd.s32 $0xC800, s0;
	s25 =	sadd.s32 s8, s1  }
0xb: {  	s10 =	ssub.s32 s26, s10;
	s8 =	sadd.s32 $0x2800, s25;
	[dreg:$0x4] =	wrdreg s25  }
0xc: {  	s2 =	sadd.s32 s2, s11;
	s12 =	sadd.s32 $0x7800, s25;
	[dreg:$0x5] =	wrdreg s8  }
0xd: {  	s11 =	simm.s32 $0x50;
	s13 =	sadd.s32 $0xA000, s25;
	[dreg:$0x7] =	wrdreg s12  }
0xe: {  	s7 =	sshrl.u32 s7, $0x3;
	s14 =	sadd.s32 $0xC800, s25;
	[dreg:$0x8] =	wrdreg s13  }
0xf: {  	s15 =	sadd.s32 $0xF000, s25;
	s16 =	sadd.s32 $0x11800, s25;
	[dreg:$0x9] =	wrdreg s14  }
0x10: {  	s2 =	sadd.s32 $0x140, s2;
	s24 =	smax.u32 s10, $0x1;
	[dreg:$0xa] =	wrdreg s15  }
0x11: {  	s10 =	simm.s32 $0x380;
	s0 =	sadd.s32 s7, s0;
	[dreg:$0xb] =	wrdreg s16  }
0x12: {  	s7 =	smul.u32 $0x2710, s9;
	s9 =	sadd.s32 $0x5000, s25;
	[dreg:$0x3] =	wrdreg s2  }
0x13: {  	[dreg:$0x15] =	wrdreg s24;
	s2 =	simm.s32 $0x300;
	s14 =	simm.s32 $0x5  }
0x14: {  	s15 =	simm.s32 $0x4;
	s16 =	simm.s32 $0x7C00;
	s24 =	simm.s32 $0x3  }
0x15: {  	[dreg:$0x6] =	wrdreg s9;
	s0 =	sadd.s32 $0x3E600, s0;
	s9 =	sshrl.u32 s7, $0x3  }
0x16: {  	[dreg:$0x14] =	wrdreg s0;
	s0 =	simm.s32 $0x100;
	s17 =	sadd.s32 s5, s9  }
0x17: {  	s12 =	sadd.s32 $0xA, s9;
	s18 =	sadd.s32 s6, s9;
	[dreg:$0xc] =	wrdreg s17  }
0x18: {  	s13 =	sadd.s32 $0x14, s9;
	s9 =	sadd.s32 $0x1E, s9;
	[dreg:$0xd] =	wrdreg s18  }
0x19: {  	s19 =	sadd.s32 s5, s12;
	s20 =	sadd.s32 s6, s12;
	s21 =	sadd.s32 s5, s13  }
0x1a: {  	s22 =	sadd.s32 s6, s13;
	s26 =	sadd.s32 s5, s9;
	[dreg:$0xe] =	wrdreg s19  }
0x1b: {  	s23 =	sadd.s32 s6, s9;
	s9 =	simm.s32 $0x180;
	[dreg:$0xf] =	wrdreg s20  }
0x1c: {  	s12 =	simm.s32 $0x2C00;
	s13 =	simm.s32 $0x5400;
	[dreg:$0x10] =	wrdreg s21  }
0x1d: {  	s17 =	simm.s32 $0x6;
	s18 =	simm.s32 $0x1;
	[dreg:$0x11] =	wrdreg s22  }
0x1e: {  	[dreg:$0x13] =	wrdreg s23;
	s19 =	simm.s32 $0x7;
	s20 =	simm.s32 $0x2  }
0x1f: {  	v0 =	vimm.f32 $0.0e+00;
	s21 =	simm.s32 $0x8;
	s22 =	simm.s32 $0x0;
	[dreg:$0x12] =	wrdreg s26  }
.LBB2_1:
0x20: {  	[dreg:$0x16] =	wrdreg s22;
	s22 =	simm.s32 $0x0;
	s23 =	simm.s32 $0x200  }
.LBB2_2:
0x21: {  	p0 =	sne.s32 s23, $0x9E00;
	[tilespmem:s22+$0x470] =	vst v0  }
0x22: {  	[tilespmem:s22+$0x400] =	vst v0  }
0x23: {  	[tilespmem:s22+$0x410] =	vst v0  }
.Ltmp0:
0x24: {  	[tilespmem:s22+$0x420] =	vst v0;
	(pc) =	sbr.rel @p0 .LBB2_2-.Ltmp0, $4  }
0x25: {  	[tilespmem:s22+$0x430] =	vst v0  }
0x26: {  	[tilespmem:s22+$0x440] =	vst v0  }
0x27: {  	[tilespmem:s22+$0x450] =	vst v0  }
0x28: {  	[tilespmem:s22+$0x460] =	vst v0;
	s22 =	sshra.s32 s23, $0x2;
	s23 =	sadd.s32 $0x200, s23  }
0x29: {  	[tilespmem:s22+$0x470] =	vst v0  }
0x2a: {  	[tilespmem:s22+$0x400] =	vst v0  }
0x2b: {  	[tilespmem:s22+$0x410] =	vst v0  }
0x2c: {  	[tilespmem:s22+$0x420] =	vst v0  }
0x2d: {  	[tilespmem:s22+$0x430] =	vst v0  }
0x2e: {  	[tilespmem:s22+$0x440] =	vst v0  }
0x2f: {  	[tilespmem:s22+$0x450] =	vst v0  }
0x30: {  	[tilespmem:s22+$0x460] =	vst v0;
	s22 =	simm.s32 $0x400  }
0x31: {  	[spmem:s25] =	stream.linear.scatter [tilespmem:s22], [sflag:$0x9], $0x2800, $0x38;
	[tilespmem:$0x1E400] =	vst v63  }
0x32: {  	_ =	swait.ge [sflag:s28], $0x2800  }
0x33: {  	[sflag:s28] =	ssyncset.done $0x0  }
0x34: {  	s8 =	rddreg [dreg:$0x5];
	[sflag:s28] =	ssyncadd.s32 $0xFFFFD800  }
0x35: {  	[spmem:s8] =	stream.linear.scatter [tilespmem:s22], [sflag:$0x9], $0x2800, $0x38;
	[tilespmem:$0x1E400] =	vst v63  }
0x36: {  	_ =	swait.ge [sflag:s28], $0x2800  }
0x37: {  	[sflag:s28] =	ssyncset.done $0x0  }
0x38: {  	s25 =	rddreg [dreg:$0x6];
	[sflag:s28] =	ssyncadd.s32 $0xFFFFD800  }
0x39: {  	[spmem:s25] =	stream.linear.scatter [tilespmem:s22], [sflag:$0x9], $0x2800, $0x38;
	[tilespmem:$0x1E400] =	vst v63  }
0x3a: {  	_ =	swait.ge [sflag:s28], $0x2800  }
0x3b: {  	[sflag:s28] =	ssyncset.done $0x0  }
0x3c: {  	s23 =	rddreg [dreg:$0x7];
	[sflag:s28] =	ssyncadd.s32 $0xFFFFD800  }
0x3d: {  	[spmem:s23] =	stream.linear.scatter [tilespmem:s22], [sflag:$0x9], $0x2800, $0x38;
	[tilespmem:$0x1E400] =	vst v63  }
0x3e: {  	_ =	swait.ge [sflag:s28], $0x2800  }
0x3f: {  	[sflag:s28] =	ssyncset.done $0x0  }
0x40: {  	s25 =	rddreg [dreg:$0x8];
	[sflag:s28] =	ssyncadd.s32 $0xFFFFD800  }
0x41: {  	[spmem:s25] =	stream.linear.scatter [tilespmem:s22], [sflag:$0x9], $0x2800, $0x38;
	[tilespmem:$0x1E400] =	vst v63  }
0x42: {  	_ =	swait.ge [sflag:s28], $0x2800  }
0x43: {  	[sflag:s28] =	ssyncset.done $0x0  }
0x44: {  	s23 =	rddreg [dreg:$0x9];
	[sflag:s28] =	ssyncadd.s32 $0xFFFFD800  }
0x45: {  	[spmem:s23] =	stream.linear.scatter [tilespmem:s22], [sflag:$0x9], $0x2800, $0x38;
	[tilespmem:$0x1E400] =	vst v63  }
0x46: {  	_ =	swait.ge [sflag:s28], $0x2800  }
0x47: {  	[sflag:s28] =	ssyncset.done $0x0  }
0x48: {  	s25 =	rddreg [dreg:$0xa];
	[sflag:s28] =	ssyncadd.s32 $0xFFFFD800  }
0x49: {  	[spmem:s25] =	stream.linear.scatter [tilespmem:s22], [sflag:$0x9], $0x2800, $0x38;
	[tilespmem:$0x1E400] =	vst v63  }
0x4a: {  	_ =	swait.ge [sflag:s28], $0x2800  }
0x4b: {  	[sflag:s28] =	ssyncset.done $0x0  }
0x4c: {  	s23 =	rddreg [dreg:$0xb];
	[sflag:s28] =	ssyncadd.s32 $0xFFFFD800  }
0x4d: {  	[spmem:s23] =	stream.linear.scatter [tilespmem:s22], [sflag:$0x9], $0x2800, $0x38;
	[tilespmem:$0x1E400] =	vst v63  }
0x4e: {  	_ =	swait.ge [sflag:s28], $0x2800  }
0x4f: {  	[sflag:s28] =	ssyncset.done $0x0  }
0x50: {  	[sflag:s28] =	ssyncadd.s32 $0xFFFFD800  }
0x51: {  	[bflag:$0x0] =	sbarrier.arrive $0xFFFF  }
0x52: {  	s22 =	simm.s32 $0x0;
	s25 =	rddreg [dreg:$0xc]  }
0x53: {  	[tilespmem:s22], [sflag:$0x9] =	stream.linear.gather [hbm4b:s25+s22], $0x50, $0x38;
	[tilespmem:$0x1E400] =	vst v63  }
0x54: {  	_ =	swait.ge [sflag:s28], $0x50  }
0x55: {  	[sflag:s28] =	ssyncset.done $0x0  }
0x56: {  	s23 =	rddreg [dreg:$0xd];
	[sflag:s28] =	ssyncadd.s32 $0xFFFFFFB0  }
0x57: {  	[tilespmem:s29], [sflag:$0x9] =	stream.linear.gather [hbm4b:s23+s22], $0x50, $0x38;
	[tilespmem:$0x1E400] =	vst v63  }
0x58: {  	_ =	swait.ge [sflag:s28], $0x50  }
0x59: {  	[sflag:s28] =	ssyncset.done $0x0  }
0x5a: {  	s25 =	rddreg [dreg:$0xe];
	[sflag:s28] =	ssyncadd.s32 $0xFFFFFFB0  }
0x5b: {  	[tilespmem:s30], [sflag:$0x9] =	stream.linear.gather [hbm4b:s25+s22], $0x50, $0x38;
	[tilespmem:$0x1E400] =	vst v63  }
0x5c: {  	_ =	swait.ge [sflag:s28], $0x50  }
0x5d: {  	[sflag:s28] =	ssyncset.done $0x0  }
0x5e: {  	s23 =	rddreg [dreg:$0xf];
	[sflag:s28] =	ssyncadd.s32 $0xFFFFFFB0  }
0x5f: {  	[tilespmem:s31], [sflag:$0x9] =	stream.linear.gather [hbm4b:s23+s22], $0x50, $0x38;
	[tilespmem:$0x1E400] =	vst v63  }
0x60: {  	_ =	swait.ge [sflag:s28], $0x50  }
0x61: {  	[sflag:s28] =	ssyncset.done $0x0  }
0x62: {  	s25 =	rddreg [dreg:$0x10];
	[sflag:s28] =	ssyncadd.s32 $0xFFFFFFB0  }
0x63: {  	[tilespmem:s0], [sflag:$0x9] =	stream.linear.gather [hbm4b:s25+s22], $0x50, $0x38;
	[tilespmem:$0x1E400] =	vst v63  }
0x64: {  	_ =	swait.ge [sflag:s28], $0x50  }
0x65: {  	[sflag:s28] =	ssyncset.done $0x0  }
0x66: {  	s23 =	rddreg [dreg:$0x11];
	[sflag:s28] =	ssyncadd.s32 $0xFFFFFFB0  }
0x67: {  	[tilespmem:s2], [sflag:$0x9] =	stream.linear.gather [hbm4b:s23+s22], $0x50, $0x38;
	[tilespmem:$0x1E400] =	vst v63  }
0x68: {  	_ =	swait.ge [sflag:s28], $0x50  }
0x69: {  	[sflag:s28] =	ssyncset.done $0x0  }
0x6a: {  	[sflag:s28] =	ssyncadd.s32 $0xFFFFFFB0  }
0x6b: {  	[tilespmem:s9], [sflag:$0x4] =	stream.linear.gather [hbm4b:s26+s22], $0x50, $0x38;
	[tilespmem:$0x1E400] =	vst v63  }
0x6c: {  	s25 =	rddreg [dreg:$0x13]  }
0x6d: {  	[tilespmem:s10], [sflag:$0x4] =	stream.linear.gather [hbm4b:s25+s22], $0x50, $0x38;
	[tilespmem:$0x1E400] =	vst v63  }
0x6e: {  	s26 =	simm.s32 $0x400  }
0x6f: {  	[tilespmem:s26], [sflag:$0x5] =	stream.indirect.gather [hbm4b:s4+s11], $0x80, s22, s11, $0xb8;
	[tilespmem:$0x1E400] =	vst v63  }
0x70: {  	_ = 	snop  }
0x71: {  	[tilespmem:s12], [sflag:$0x6] =	stream.indirect.gather [hbm4b:s4+s11], $0x80, s30, s11, $0xb8;
	[tilespmem:$0x1E400] =	vst v63  }
0x72: {  	_ = 	snop  }
0x73: {  	[tilespmem:s13], [sflag:$0x7] =	stream.indirect.gather [hbm4b:s4+s11], $0x80, s0, s11, $0xb8;
	[tilespmem:$0x1E400] =	vst v63  }
0x74: {  	_ =	swait.ge [sflag:s14], $0x2800  }
0x75: {  	[sflag:s14] =	ssyncset.done $0x0  }
0x76: {  	[sflag:s14] =	ssyncadd.s32 $0xFFFFD800  }
0x77: {  	[spmem:s1] =	stream.indirect.scatter.add.f32 [tilespmem:s26], [sflag:$0x9], $0x80, s29, s11, $0xb8;
	[tilespmem:$0x1E400] =	vst v63  }
0x78: {  	_ =	swait.ge [sflag:s28], $0x2800  }
0x79: {  	s23 =	rddreg [dreg:$0x3]  }
0x7a: {  	s22 =	sadd.s32 $0x0, s23  }
0x7b: {  	[sflag:s28] =	ssyncset.done $0x0;
	s22 =	sshrl.u32 s22, $0x3  }
0x7c: {  	[sflag:s28] =	ssyncadd.s32 $0xFFFFD800;
	s23 =	sadd.s32 s5, s22  }
0x7d: {  	[tilespmem:s3], [sflag:$0x1] =	stream.linear.gather [hbm4b:s23+s3], $0x50, $0x38;
	[tilespmem:$0x1E400] =	vst v63  }
0x7e: {  	s22 =	sadd.s32 s6, s22  }
0x7f: {  	[tilespmem:s29], [sflag:$0x1] =	stream.linear.gather [hbm4b:s22+s3], $0x50, $0x38;
	[tilespmem:$0x1E400] =	vst v63  }
0x80: {  	_ =	swait.ge [sflag:s15], $0x50  }
0x81: {  	[sflag:s15] =	ssyncset.done $0x0  }
0x82: {  	[sflag:s15] =	ssyncadd.s32 $0xFFFFFFB0  }
0x83: {  	_ =	swait.ge [sflag:s15], $0x50  }
0x84: {  	[sflag:s15] =	ssyncset.done $0x0  }
0x85: {  	[sflag:s15] =	ssyncadd.s32 $0xFFFFFFB0  }
0x86: {  	[tilespmem:s16], [sflag:$0x8] =	stream.indirect.gather [hbm4b:s4+s11], $0x80, s9, s11, $0xb8;
	[tilespmem:$0x1E400] =	vst v63  }
0x87: {  	_ =	swait.ge [sflag:s17], $0x2800  }
0x88: {  	p0 =	por $0x0, $0x0;
	s22 =	simm.s32 $0x190;
	[sflag:s17] =	ssyncset.done $0x0  }
0x89: {  	s22 =	simm.s32 @p0 $0x0;
	[sflag:s17] =	ssyncadd.s32 $0xFFFFD800  }
0x8a: {  	[spmem:s1] =	stream.indirect.scatter.add.f32 [tilespmem:s12], [sflag:$0x9], $0x80, s31, s11, $0xb8;
	[tilespmem:$0x1E400] =	vst v63  }
0x8b: {  	s22 =	sadd.s32 s7, s22;
	_ =	swait.ge [sflag:s28], $0x2800  }
0x8c: {  	s22 =	sshrl.u32 s22, $0x3;
	[sflag:s28] =	ssyncset.done $0x0  }
0x8d: {  	s25 =	sadd.s32 s5, s22;
	[sflag:s28] =	ssyncadd.s32 $0xFFFFD800  }
0x8e: {  	[tilespmem:s30], [sflag:$0x2] =	stream.linear.gather [hbm4b:s25+s3], $0x50, $0x38;
	[tilespmem:$0x1E400] =	vst v63  }
0x8f: {  	s22 =	sadd.s32 s6, s22  }
0x90: {  	[tilespmem:s31], [sflag:$0x2] =	stream.linear.gather [hbm4b:s22+s3], $0x50, $0x38;
	[tilespmem:$0x1E400] =	vst v63  }
0x91: {  	_ =	swait.ge [sflag:s18], $0x50  }
0x92: {  	[sflag:s18] =	ssyncset.done $0x0  }
0x93: {  	[sflag:s18] =	ssyncadd.s32 $0xFFFFFFB0  }
0x94: {  	_ =	swait.ge [sflag:s18], $0x50  }
0x95: {  	[sflag:s18] =	ssyncset.done $0x0  }
0x96: {  	[sflag:s18] =	ssyncadd.s32 $0xFFFFFFB0  }
0x97: {  	[tilespmem:s26], [sflag:$0x5] =	stream.indirect.gather [hbm4b:s4+s11], $0x80, s3, s11, $0xb8;
	[tilespmem:$0x1E400] =	vst v63  }
0x98: {  	_ =	swait.ge [sflag:s19], $0x2800  }
0x99: {  	s22 =	simm.s32 $0x1E0;
	[sflag:s19] =	ssyncset.done $0x0  }
0x9a: {  	s22 =	simm.s32 @p0 $0x50;
	[sflag:s19] =	ssyncadd.s32 $0xFFFFD800  }
0x9b: {  	[spmem:s1] =	stream.indirect.scatter.add.f32 [tilespmem:s13], [sflag:$0x9], $0x80, s2, s11, $0xb8;
	[tilespmem:$0x1E400] =	vst v63  }
0x9c: {  	s22 =	sadd.s32 s7, s22;
	_ =	swait.ge [sflag:s28], $0x2800  }
0x9d: {  	s22 =	sshrl.u32 s22, $0x3;
	[sflag:s28] =	ssyncset.done $0x0  }
0x9e: {  	s8 =	sadd.s32 s5, s22;
	[sflag:s28] =	ssyncadd.s32 $0xFFFFD800  }
0x9f: {  	[tilespmem:s0], [sflag:$0x3] =	stream.linear.gather [hbm4b:s8+s3], $0x50, $0x38;
	[tilespmem:$0x1E400] =	vst v63  }
0xa0: {  	s22 =	sadd.s32 s6, s22  }
0xa1: {  	[tilespmem:s2], [sflag:$0x3] =	stream.linear.gather [hbm4b:s22+s3], $0x50, $0x38;
	[tilespmem:$0x1E400] =	vst v63  }
0xa2: {  	_ =	swait.ge [sflag:s20], $0x50  }
0xa3: {  	[sflag:s20] =	ssyncset.done $0x0  }
0xa4: {  	[sflag:s20] =	ssyncadd.s32 $0xFFFFFFB0  }
0xa5: {  	_ =	swait.ge [sflag:s20], $0x50  }
0xa6: {  	[sflag:s20] =	ssyncset.done $0x0  }
0xa7: {  	[sflag:s20] =	ssyncadd.s32 $0xFFFFFFB0  }
0xa8: {  	[tilespmem:s12], [sflag:$0x6] =	stream.indirect.gather [hbm4b:s4+s11], $0x80, s30, s11, $0xb8;
	[tilespmem:$0x1E400] =	vst v63  }
0xa9: {  	_ =	swait.ge [sflag:s21], $0x2800  }
0xaa: {  	s22 =	simm.s32 $0x230;
	[sflag:s21] =	ssyncset.done $0x0  }
0xab: {  	s22 =	simm.s32 @p0 $0xA0;
	[sflag:s21] =	ssyncadd.s32 $0xFFFFD800  }
0xac: {  	[spmem:s1] =	stream.indirect.scatter.add.f32 [tilespmem:s16], [sflag:$0x9], $0x80, s10, s11, $0xb8;
	[tilespmem:$0x1E400] =	vst v63  }
0xad: {  	s22 =	sadd.s32 s7, s22;
	_ =	swait.ge [sflag:s28], $0x2800  }
0xae: {  	s22 =	sshrl.u32 s22, $0x3;
	[sflag:s28] =	ssyncset.done $0x0  }
0xaf: {  	s25 =	sadd.s32 s5, s22;
	[sflag:s28] =	ssyncadd.s32 $0xFFFFD800  }
0xb0: {  	[tilespmem:s9], [sflag:$0x4] =	stream.linear.gather [hbm4b:s25+s3], $0x50, $0x38;
	[tilespmem:$0x1E400] =	vst v63  }
0xb1: {  	s22 =	sadd.s32 s6, s22  }
0xb2: {  	[tilespmem:s10], [sflag:$0x4] =	stream.linear.gather [hbm4b:s22+s3], $0x50, $0x38;
	[tilespmem:$0x1E400] =	vst v63  }
0xb3: {  	_ =	swait.ge [sflag:s24], $0x50  }
0xb4: {  	[sflag:s24] =	ssyncset.done $0x0  }
0xb5: {  	[sflag:s24] =	ssyncadd.s32 $0xFFFFFFB0  }
0xb6: {  	_ =	swait.ge [sflag:s24], $0x50  }
0xb7: {  	s22 =	simm.s32 $0x140;
	[sflag:s24] =	ssyncset.done $0x0  }
.LBB2_4:
0xb8: {  	[sflag:s24] =	ssyncadd.s32 $0xFFFFFFB0  }
0xb9: {  	[tilespmem:s13], [sflag:$0x7] =	stream.indirect.gather [hbm4b:s4+s11], $0x80, s0, s11, $0xb8;
	[tilespmem:$0x1E400] =	vst v63  }
0xba: {  	_ =	swait.ge [sflag:s14], $0x2800  }
0xbb: {  	[sflag:s14] =	ssyncset.done $0x0  }
0xbc: {  	[sflag:s14] =	ssyncadd.s32 $0xFFFFD800  }
0xbd: {  	[spmem:s1] =	stream.indirect.scatter.add.f32 [tilespmem:s26], [sflag:$0x9], $0x80, s29, s11, $0xb8;
	[tilespmem:$0x1E400] =	vst v63  }
0xbe: {  	_ =	swait.ge [sflag:s28], $0x2800  }
0xbf: {  	s23 =	smov.u32 s22;
	s8 =	rddreg [dreg:$0x3]  }
0xc0: {  	s8 =	sadd.s32 s23, s8  }
0xc1: {  	[sflag:s28] =	ssyncset.done $0x0;
	s8 =	sshrl.u32 s8, $0x3  }
0xc2: {  	[sflag:s28] =	ssyncadd.s32 $0xFFFFD800;
	s25 =	sadd.s32 s5, s8  }
0xc3: {  	[tilespmem:s3], [sflag:$0x1] =	stream.linear.gather [hbm4b:s25+s3], $0x50, $0x38;
	[tilespmem:$0x1E400] =	vst v63  }
0xc4: {  	s8 =	sadd.s32 s6, s8  }
0xc5: {  	[tilespmem:s29], [sflag:$0x1] =	stream.linear.gather [hbm4b:s8+s3], $0x50, $0x38;
	[tilespmem:$0x1E400] =	vst v63  }
0xc6: {  	_ =	swait.ge [sflag:s15], $0x50  }
0xc7: {  	[sflag:s15] =	ssyncset.done $0x0  }
0xc8: {  	[sflag:s15] =	ssyncadd.s32 $0xFFFFFFB0  }
0xc9: {  	_ =	swait.ge [sflag:s15], $0x50  }
0xca: {  	[sflag:s15] =	ssyncset.done $0x0  }
0xcb: {  	[sflag:s15] =	ssyncadd.s32 $0xFFFFFFB0  }
0xcc: {  	[tilespmem:s16], [sflag:$0x8] =	stream.indirect.gather [hbm4b:s4+s11], $0x80, s9, s11, $0xb8;
	[tilespmem:$0x1E400] =	vst v63  }
0xcd: {  	p1 =	seq.s32 s23, $0x2580;
	s25 =	sadd.s32 $0x230, s23;
	_ =	swait.ge [sflag:s17], $0x2800  }
0xce: {  	s8 =	sadd.s32 $0x1E0, s23;
	s23 =	sadd.s32 $0x190, s23;
	[sflag:s17] =	ssyncset.done $0x0  }
0xcf: {  	s23 =	simm.s32 @p1 $0x0;
	[sflag:s17] =	ssyncadd.s32 $0xFFFFD800  }
0xd0: {  	[spmem:s1] =	stream.indirect.scatter.add.f32 [tilespmem:s12], [sflag:$0x9], $0x80, s31, s11, $0xb8;
	[tilespmem:$0x1E400] =	vst v63  }
0xd1: {  	s23 =	sadd.s32 s7, s23;
	_ =	swait.ge [sflag:s28], $0x2800  }
0xd2: {  	s23 =	sshrl.u32 s23, $0x3;
	[sflag:s28] =	ssyncset.done $0x0  }
0xd3: {  	s26 =	sadd.s32 s5, s23;
	[sflag:s28] =	ssyncadd.s32 $0xFFFFD800  }
0xd4: {  	[tilespmem:s30], [sflag:$0x2] =	stream.linear.gather [hbm4b:s26+s3], $0x50, $0x38;
	[tilespmem:$0x1E400] =	vst v63  }
0xd5: {  	s23 =	sadd.s32 s6, s23  }
0xd6: {  	[tilespmem:s31], [sflag:$0x2] =	stream.linear.gather [hbm4b:s23+s3], $0x50, $0x38;
	[tilespmem:$0x1E400] =	vst v63  }
0xd7: {  	_ =	swait.ge [sflag:s18], $0x50  }
0xd8: {  	[sflag:s18] =	ssyncset.done $0x0  }
0xd9: {  	[sflag:s18] =	ssyncadd.s32 $0xFFFFFFB0  }
0xda: {  	_ =	swait.ge [sflag:s18], $0x50  }
0xdb: {  	[sflag:s18] =	ssyncset.done $0x0  }
0xdc: {  	s26 =	simm.s32 $0x400;
	[sflag:s18] =	ssyncadd.s32 $0xFFFFFFB0  }
0xdd: {  	[tilespmem:s26], [sflag:$0x5] =	stream.indirect.gather [hbm4b:s4+s11], $0x80, s3, s11, $0xb8;
	[tilespmem:$0x1E400] =	vst v63  }
0xde: {  	_ =	swait.ge [sflag:s19], $0x2800  }
0xdf: {  	[sflag:s19] =	ssyncset.done $0x0  }
0xe0: {  	s8 =	simm.s32 @p1 $0x50;
	[sflag:s19] =	ssyncadd.s32 $0xFFFFD800  }
0xe1: {  	[spmem:s1] =	stream.indirect.scatter.add.f32 [tilespmem:s13], [sflag:$0x9], $0x80, s2, s11, $0xb8;
	[tilespmem:$0x1E400] =	vst v63  }
0xe2: {  	s25 =	simm.s32 @p1 $0xA0;
	s8 =	sadd.s32 s7, s8;
	_ =	swait.ge [sflag:s28], $0x2800  }
0xe3: {  	s25 =	sadd.s32 s7, s25;
	s8 =	sshrl.u32 s8, $0x3;
	[sflag:s28] =	ssyncset.done $0x0  }
0xe4: {  	s23 =	sshrl.u32 s25, $0x3;
	s25 =	sadd.s32 s5, s8;
	[sflag:s28] =	ssyncadd.s32 $0xFFFFD800  }
0xe5: {  	[tilespmem:s0], [sflag:$0x3] =	stream.linear.gather [hbm4b:s25+s3], $0x50, $0x38;
	[tilespmem:$0x1E400] =	vst v63  }
0xe6: {  	s8 =	sadd.s32 s6, s8  }
0xe7: {  	[tilespmem:s2], [sflag:$0x3] =	stream.linear.gather [hbm4b:s8+s3], $0x50, $0x38;
	[tilespmem:$0x1E400] =	vst v63  }
0xe8: {  	_ =	swait.ge [sflag:s20], $0x50  }
0xe9: {  	[sflag:s20] =	ssyncset.done $0x0  }
0xea: {  	[sflag:s20] =	ssyncadd.s32 $0xFFFFFFB0  }
0xeb: {  	_ =	swait.ge [sflag:s20], $0x50  }
0xec: {  	[sflag:s20] =	ssyncset.done $0x0  }
0xed: {  	[sflag:s20] =	ssyncadd.s32 $0xFFFFFFB0  }
0xee: {  	[tilespmem:s12], [sflag:$0x6] =	stream.indirect.gather [hbm4b:s4+s11], $0x80, s30, s11, $0xb8;
	[tilespmem:$0x1E400] =	vst v63  }
0xef: {  	_ =	swait.ge [sflag:s21], $0x2800  }
0xf0: {  	[sflag:s21] =	ssyncset.done $0x0  }
0xf1: {  	[sflag:s21] =	ssyncadd.s32 $0xFFFFD800  }
0xf2: {  	[spmem:s1] =	stream.indirect.scatter.add.f32 [tilespmem:s16], [sflag:$0x9], $0x80, s10, s11, $0xb8;
	[tilespmem:$0x1E400] =	vst v63  }
0xf3: {  	_ =	swait.ge [sflag:s28], $0x2800  }
0xf4: {  	[sflag:s28] =	ssyncset.done $0x0  }
0xf5: {  	s25 =	sadd.s32 s5, s23;
	[sflag:s28] =	ssyncadd.s32 $0xFFFFD800  }
0xf6: {  	[tilespmem:s9], [sflag:$0x4] =	stream.linear.gather [hbm4b:s25+s3], $0x50, $0x38;
	[tilespmem:$0x1E400] =	vst v63  }
0xf7: {  	p0 =	sne.s32 s22, $0x2580;
	s23 =	sadd.s32 s6, s23  }
0xf8: {  	[tilespmem:s10], [sflag:$0x4] =	stream.linear.gather [hbm4b:s23+s3], $0x50, $0x38;
	[tilespmem:$0x1E400] =	vst v63  }
.Ltmp1:
0xf9: {  	_ =	swait.ge [sflag:s24], $0x50;
	(pc) =	sbr.rel @p0 .LBB2_4-.Ltmp1, $4  }
0xfa: {  	[sflag:s24] =	ssyncset.done $0x0  }
0xfb: {  	[sflag:s24] =	ssyncadd.s32 $0xFFFFFFB0  }
0xfc: {  	_ =	swait.ge [sflag:s24], $0x50  }
0xfd: {  	s22 =	sadd.s32 $0x140, s22;
	[sflag:s24] =	ssyncset.done $0x0  }
0xfe: {  	[sflag:s24] =	ssyncadd.s32 $0xFFFFFFB0  }
0xff: {  	[tilespmem:s13], [sflag:$0x7] =	stream.indirect.gather [hbm4b:s4+s11], $0x80, s0, s11, $0xb8;
	[tilespmem:$0x1E400] =	vst v63  }
0x100: {  	_ =	swait.ge [sflag:s14], $0x2800  }
0x101: {  	[sflag:s14] =	ssyncset.done $0x0  }
0x102: {  	[sflag:s14] =	ssyncadd.s32 $0xFFFFD800  }
0x103: {  	[spmem:s1] =	stream.indirect.scatter.add.f32 [tilespmem:s26], [sflag:$0x9], $0x80, s29, s11, $0xb8;
	[tilespmem:$0x1E400] =	vst v63  }
0x104: {  	_ =	swait.ge [sflag:s28], $0x2800  }
0x105: {  	[sflag:s28] =	ssyncset.done $0x0  }
0x106: {  	s26 =	rddreg [dreg:$0x12];
	[sflag:s28] =	ssyncadd.s32 $0xFFFFD800  }
0x107: {  	[tilespmem:s3], [sflag:$0x1] =	stream.linear.gather [hbm4b:s26+s3], $0x50, $0x38;
	[tilespmem:$0x1E400] =	vst v63  }
0x108: {  	s8 =	rddreg [dreg:$0x13]  }
0x109: {  	[tilespmem:s29], [sflag:$0x1] =	stream.linear.gather [hbm4b:s8+s3], $0x50, $0x38;
	[tilespmem:$0x1E400] =	vst v63  }
0x10a: {  	_ =	swait.ge [sflag:s15], $0x50  }
0x10b: {  	[sflag:s15] =	ssyncset.done $0x0  }
0x10c: {  	[sflag:s15] =	ssyncadd.s32 $0xFFFFFFB0  }
0x10d: {  	_ =	swait.ge [sflag:s15], $0x50  }
0x10e: {  	[sflag:s15] =	ssyncset.done $0x0  }
0x10f: {  	[sflag:s15] =	ssyncadd.s32 $0xFFFFFFB0  }
0x110: {  	[tilespmem:s16], [sflag:$0x8] =	stream.indirect.gather [hbm4b:s4+s11], $0x80, s9, s11, $0xb8;
	[tilespmem:$0x1E400] =	vst v63  }
0x111: {  	_ =	swait.ge [sflag:s17], $0x2800  }
0x112: {  	[sflag:s17] =	ssyncset.done $0x0  }
0x113: {  	[sflag:s17] =	ssyncadd.s32 $0xFFFFD800  }
0x114: {  	_ =	swait.ge [sflag:s19], $0x2800  }
0x115: {  	[sflag:s19] =	ssyncset.done $0x0  }
0x116: {  	[sflag:s19] =	ssyncadd.s32 $0xFFFFD800  }
0x117: {  	_ =	swait.ge [sflag:s21], $0x2800  }
0x118: {  	[sflag:s21] =	ssyncset.done $0x0  }
0x119: {  	[sflag:s21] =	ssyncadd.s32 $0xFFFFD800  }
0x11a: {  	_ =	swait.ge [sflag:s18], $0x50  }
0x11b: {  	[sflag:s18] =	ssyncset.done $0x0  }
0x11c: {  	[sflag:s18] =	ssyncadd.s32 $0xFFFFFFB0  }
0x11d: {  	_ =	swait.ge [sflag:s18], $0x50  }
0x11e: {  	[sflag:s18] =	ssyncset.done $0x0  }
0x11f: {  	[sflag:s18] =	ssyncadd.s32 $0xFFFFFFB0  }
0x120: {  	s25 =	stileid.u32;
	[bflag:$0x0] =	sbarrier.arrive $0xFFFF  }
0x121: {  	s8 =	sshll.u32 s25, $0x6;
	s25 =	rddreg [dreg:$0x4]  }
0x122: {  	s8 =	sor.u32 $0x1C09, s8;
	s23 =	rddreg [dreg:$0x14];
	s22 =	sshrl.u32 s25, $0x3  }
0x123: {  	[hbm:s23], [sflag:s8] =	dma.local [spmem:s22], $0x2800  }
0x124: {  	_ =	swait.ge [sflag:s28], $0x2800  }
0x125: {  	s8 =	rddreg [dreg:$0x16]  }
0x126: {  	s23 =	rddreg [dreg:$0x15];
	s22 =	sadd.s32 $0x1, s8  }
0x127: {  	p0 =	sne.s32 s22, s23  }
.Ltmp2:
0x128: {  	_ = 	snop;
	(pc) =	sbr.rel @p0 .LBB2_1-.Ltmp2, $3  }
0x129: {  	_ =	sdelay $0x1  }
0x12a: {  	[sflag:s28] =	ssyncset.done $0x0  }
0x12b: {  	[sflag:s28] =	ssyncadd.s32 $0xFFFFD800  }
0x12c: {  	_ =	sfence.sel $0x180000  }
0x12d: {  	[bflag:$0x0] =	sbarrier.arrive $0xFFFF  }
0x12e: {  	_ =	strace $0x9000004A  }
0x12f: {  	s0 =	stileid.u32;
	[bflag:$0x2] =	sbarrier.arrive $0xFFFF  }
0x130: {  	p0 =	sne.s32 s0, $0x0;
	s0 =	rddreg [dreg:$0x2]  }
0x131: {  	s0 =	sadd.s32 @!p0 $0x100000, s0  }
0x132: {  	[sflag:s0] =	ssyncadd.tile.s32 @!p0 $0x1;
	_ =	shalt  }
.Lfunc_end2:
_tile_overlayer_lowered:
.L_overlay_start_2:
0x133: {  	(tag) =	ssettag $0x2  }
0x134: {  	s0 =	rddreg [dreg:$0x0];
	s2 =	stileid.u32  }
0x135: {  	s1 =	rddreg [dreg:$0x1];
	p0 =	sne.s32 s2, $0x0  }
0x136: {  	s3 =	rddreg [dreg:$0x2];
	[bflag:$0x3] =	sbarrier.arrive $0xFFFF;
	s2 =	simm.s32 @!p0 $0x1C09  }
0x137: {  	[timem:s3], [sflag:s2] =	dma.local @!p0 [hbm:s0], s1  }
0x138: {  	s0 =	simm.s32 @!p0 $0x9  }
0x139: {  	_ =	swait.ge @!p0 [sflag:s0], s1  }
0x13a: {  	s1 =	ssub.s32 @!p0 $0x0, s1;
	[sflag:s0] =	ssyncset.done @!p0 $0x0  }
0x13b: {  	[sflag:s0] =	ssyncadd.s32 @!p0 s1  }
0x13c: {  	[bflag:$0x3] =	sbarrier.arrive $0xFFFF  }
0x13d: {  	_ =	shalt  }

// kernel: kernel.14.cloned.1.call-start
scs
__scs_entry_jumppad:
0x0: {  	(pc) =	sbr.rel $0x88, $3  }
0x1: {  	(tag) =	ssettag $0x0;
	lr =	simm.s32 $0x1  }
0x2: {  	[smem:$0x3F99] =	sst lr;
	_ =	strace $0xD0000000  }
0x3: {  	_ = 	snop  }
0x4: {  	_ = 	snop  }
0x5: {  	_ = 	snop  }
0x6: {  	_ = 	snop  }
0x7: {  	_ = 	snop  }
__scs_overlays_trampoline_lowered:
0x8: {  	[smem:$0x3FA8] =	sst s0  }
0x9: {  	[smem:$0x3FA9] =	sst s1  }
0xa: {  	[smem:$0x3FAA] =	sst s2  }
0xb: {  	[smem:$0x3FAB] =	sst s3  }
0xc: {  	[smem:$0x3FAC] =	sst s4  }
0xd: {  	[smem:$0x3FAD] =	sst s5  }
0xe: {  	[smem:$0x3FAE] =	sst s6  }
0xf: {  	[smem:$0x3FAF] =	sst s7  }
0x10: {  	[smem:$0x3FB0] =	sst s8  }
0x11: {  	[smem:$0x3FB1] =	sst s9;
	s0 =	simm.s32 @!p0 $0x0  }
0x12: {  	s1 =	sld [smem:$0x3F97];
	s0 =	simm.s32 @p0 $0x1  }
0x13: {  	[smem:$0x3FB2] =	sst s0;
	s0 =	simm.s32 @!p1 $0x0  }
0x14: {  	s2 =	sld [smem:$0x3F96];
	s0 =	simm.s32 @p1 $0x1  }
0x15: {  	[smem:$0x3FB3] =	sst s0;
	s0 =	simm.s32 @!p2 $0x0  }
0x16: {  	s3 =	sld [smem:$0x3FDB];
	s0 =	simm.s32 @p2 $0x1  }
0x17: {  	s4 =	simm.s32 $0x1BF5;
	[smem:$0x3FB5] =	sst s0  }
0x18: {  	s0 =	sld [smem:$0x3F98];
	_ =	swait.ge [sflag:s4], $0x0  }
0x19: {  	s7 =	sld [smem:$0x3F99]  }
0x1a: {  	s8 =	sadd.s32 $0xFFFFE003, lr  }
0x1b: {  	s9 =	sadd.s32 $0xFFFFFEF7, lr;
	s5 =	simm.s32 $0xFFFFFFFF;
	p2 =	slt.u32 s8, $0xFFFFF086  }
0x1c: {  	p1 =	slt.u32 s9, $0xF7A;
	s5 =	simm.s32 @!p2 $0x0  }
0x1d: {  	s5 =	simm.s32 @p1 $0x1;
	p0 =	seq.s32 s7, s2  }
0x1e: {  	s7 =	smul.u32 @!p0 $0xF7A, s2;
	p2 =	seq.s32 @!p0 s5, $0x0  }
0x1f: {  	s9 =	smul.u32 $0xF7A, s1;
	s8 =	simm.s32 @!p0 $0x1BF5;
	p2 =	por !p2, p0  }
0x20: {  	[sflag:s8] =	ssyncset.s32 @!p0 $0xFFFFF086;
	s6 =	sadd.s32 @!p0 s3, s7;
	s7 =	simm.s32 @!p0 $0x108  }
0x21: {  	s3 =	sadd.s32 s3, s9;
	s6 =	sadd.s32 @!p0 $0x88, s6;
	s7 =	simm.s32 @p2 $0x1082  }
0x22: {  	[simem:s7], [sflag:s8] =	dma.local @!p0 [hbm:s6], $0xF7A  }
0x23: {  	s9 =	sor.u32 $0xD0000000, s2;
	s6 =	simm.s32 $0x108;
	_ =	swait.ge @!p0 [sflag:s8], $0x0  }
0x24: {  	s3 =	sadd.s32 $0x88, s3;
	s6 =	simm.s32 @!p1 $0x1082;
	[sflag:s4] =	ssyncset.s32 $0xFFFFF086  }
0x25: {  	[simem:s6], [sflag:s4] =	dma.local [hbm:s3], $0xF7A  }
0x26: {  	[smem:$0x3F99] =	sst s1;
	(tag) =	ssettag s2;
	_ =	strace s9  }
0x27: {  	s1 =	sld [smem:$0x3FA9]  }
0x28: {  	s2 =	sld [smem:$0x3FAA]  }
0x29: {  	s4 =	sld [smem:$0x3FAC]  }
0x2a: {  	p0 =	seq.s32 s5, $0x0;
	s5 =	sld [smem:$0x3FAD]  }
0x2b: {  	s6 =	sld [smem:$0x3FAE]  }
0x2c: {  	s7 =	sld [smem:$0x3FAF]  }
0x2d: {  	s3 =	simm.s32 $0x108;
	s8 =	sld [smem:$0x3FB0]  }
0x2e: {  	s3 =	simm.s32 @!p0 $0x1082;
	s9 =	sld [smem:$0x3FB1]  }
0x2f: {  	lr =	sadd.s32 s0, s3;
	s0 =	sld [smem:$0x3FA8]  }
0x30: {  	s3 =	sld [smem:$0x3FAB]  }
0x31: {  	[smem:$0x3FB4] =	sst s10  }
0x32: {  	s10 =	sld [smem:$0x3FB2];
	_ =	sdelay $0x3  }
0x33: {  	p0 =	seq.s32 s10, $0x1;
	s10 =	sld [smem:$0x3FB4];
	_ =	sdelay $0x3  }
0x34: {  	[smem:$0x3FB4] =	sst s10  }
0x35: {  	s10 =	sld [smem:$0x3FB3];
	_ =	sdelay $0x3  }
0x36: {  	p1 =	seq.s32 s10, $0x1;
	s10 =	sld [smem:$0x3FB4];
	_ =	sdelay $0x3  }
0x37: {  	[smem:$0x3FB4] =	sst s10  }
0x38: {  	s10 =	sld [smem:$0x3FB5]  }
0x39: {  	_ = 	snop;
	(pc) =	sbr.ind lr, $3  }
0x3a: {  	_ = 	snop  }
0x3b: {  	_ = 	snop  }
0x3c: {  	p2 =	seq.s32 s10, $0x1;
	s10 =	sld [smem:$0x3FB4]  }
0x3d: {  	_ =	shalt  }
0x3e: {  	_ =	shalt  }
0x3f: {  	_ =	shalt  }
0x40: {  	_ =	shalt  }
0x41: {  	_ =	shalt  }
0x42: {  	_ =	shalt  }
0x43: {  	_ =	shalt  }
0x44: {  	_ =	shalt  }
0x45: {  	_ =	shalt  }
0x46: {  	_ =	shalt  }
0x47: {  	_ =	shalt  }
0x48: {  	_ =	shalt  }
0x49: {  	_ =	shalt  }
0x4a: {  	_ =	shalt  }
0x4b: {  	_ =	shalt  }
0x4c: {  	_ =	shalt  }
0x4d: {  	_ =	shalt  }
0x4e: {  	_ =	shalt  }
0x4f: {  	_ =	shalt  }
0x50: {  	_ =	shalt  }
0x51: {  	_ =	shalt  }
0x52: {  	_ =	shalt  }
0x53: {  	_ =	shalt  }
0x54: {  	_ =	shalt  }
0x55: {  	_ =	shalt  }
0x56: {  	_ =	shalt  }
0x57: {  	_ =	shalt  }
0x58: {  	_ =	shalt  }
0x59: {  	_ =	shalt  }
0x5a: {  	_ =	shalt  }
0x5b: {  	_ =	shalt  }
0x5c: {  	_ =	shalt  }
0x5d: {  	_ =	shalt  }
0x5e: {  	_ =	shalt  }
0x5f: {  	_ =	shalt  }
0x60: {  	_ =	shalt  }
0x61: {  	_ =	shalt  }
0x62: {  	_ =	shalt  }
0x63: {  	_ =	shalt  }
0x64: {  	_ =	shalt  }
0x65: {  	_ =	shalt  }
0x66: {  	_ =	shalt  }
0x67: {  	_ =	shalt  }
0x68: {  	_ =	shalt  }
0x69: {  	_ =	shalt  }
0x6a: {  	_ =	shalt  }
0x6b: {  	_ =	shalt  }
0x6c: {  	_ =	shalt  }
0x6d: {  	_ =	shalt  }
0x6e: {  	_ =	shalt  }
0x6f: {  	_ =	shalt  }
0x70: {  	_ =	shalt  }
0x71: {  	_ =	shalt  }
0x72: {  	_ =	shalt  }
0x73: {  	_ =	shalt  }
0x74: {  	_ =	shalt  }
0x75: {  	_ =	shalt  }
0x76: {  	_ =	shalt  }
0x77: {  	_ =	shalt  }
0x78: {  	_ =	shalt  }
0x79: {  	_ =	shalt  }
0x7a: {  	_ =	shalt  }
0x7b: {  	_ =	shalt  }
0x7c: {  	_ =	shalt  }
0x7d: {  	_ =	shalt  }
0x7e: {  	_ =	shalt  }
0x7f: {  	_ =	shalt  }
0x80: {  	_ =	shalt  }
0x81: {  	_ =	shalt  }
0x82: {  	_ =	shalt  }
0x83: {  	_ =	shalt  }
0x84: {  	_ =	shalt  }
0x85: {  	_ =	shalt  }
0x86: {  	_ =	shalt  }
0x87: {  	_ =	shalt  }
.Lfunc_end0:
.L_simem_size_0:
called_computation.2_lowered:
.L_overlay_start_0:
0x88: {  	s2 =	sld [smem:$0x3FD9]  }
0x89: {  	s3 =	sld [smem:$0x3FFE];
	_ =	sdelay $0x1  }
0x8a: {  	s1 =	srdreg.scid  }
0x8b: {  	s0 =	sand.u32 $0x1, s1  }
0x8c: {  	s16 =	sshll.u32 s0, $0xA;
	s2 =	sadd.s32 s3, s2  }
0x8d: {  	s2 =	sadd.s32 s2, s16  }
0x8e: {  	[smem:$0x3FC0] =	sst s2  }
0x8f: {  	_ = 	snop  }
0x90: {  	(tm) =	ssettm $0x1  }
0x91: {  	s17 =	sld [smem:$0x3FFB];
	_ =	sdelay $0x3  }
0x92: {  	_ =	strace s17  }
0x93: {  	s2 =	sld [smem:$0x3FFC];
	_ =	sdelay $0x3  }
0x94: {  	_ =	strace s2  }
0x95: {  	s2 =	sld [smem:$0x3FFD];
	_ =	sdelay $0x3  }
0x96: {  	_ =	strace s2  }
0x97: {  	_ =	strace $0x8FFFFFFF  }
0x98: {  	s18 =	sld [smem:$0x3FDB];
	_ =	sdelay $0x1  }
0x99: {  	s19 =	simm.s32 $_scs_section_size  }
0x9a: {  	s4 =	simm.s32 $_size__tile_overlayer_lowered;
	s5 =	simm.s32 $_tile_overlayer_lowered  }
0x9b: {  	s22 =	simm.s32 $0x1BFF;
	s21 =	sshll.u32 s5, $0x1;
	s2 =	sadd.s32 s19, s18  }
0x9c: {  	s6 =	simm.s32 $0x0;
	s20 =	sshll.u32 s4, $0x1;
	s4 =	sadd.s32 s21, s2  }
0x9d: {  	[timem:s6], [sflag:s22] =	dma.local [hbm:s4], s20  }
0x9e: {  	_ =	swait.ge [sflag:s22], s20  }
0x9f: {  	s3 =	ssub.s32 $0x0, s20;
	[sflag:s22] =	ssyncset.done $0x0  }
0xa0: {  	[sflag:s22] =	ssyncadd.s32 s3;
	_ =	sdelay $0x1  }
0xa1: {  	s23 =	simm.s32 $0x1B8B  }
0xa2: {  	_ =	swait.ge [sflag:s23], $0x1  }
0xa3: {  	[sflag:s23] =	ssyncset.done $0x0  }
0xa4: {  	s25 =	simm.s32 $0x1B8E;
	s24 =	sld [smem:$0x3FFE];
	[sflag:s23] =	ssyncadd.s32 $0xFFFFFFFF  }
0xa5: {  	s26 =	simm.s32 $execute0_lowered;
	[smem:$0x3FD2] =	sst s25  }
0xa6: {  	s4 =	sshll.u32 s26, $0x1;
	_ =	strace $0x8000004C;
	[dreg:$0x1] =	wrdreg $0xFFFFFFFF  }
0xa7: {  	s28 =	simm.s32 $_size_execute0_lowered;
	s2 =	sadd.s32 s2, s4;
	[dreg:$0x0] =	wrdreg $0x0  }
0xa8: {  	s4 =	sshll.u32 s28, $0x1;
	[dreg:$0x2] =	wrdreg s2  }
0xa9: {  	[dreg:$0x3] =	wrdreg s4  }
0xaa: {  	[dreg:$0x4] =	wrdreg $0xC0  }
0xab: {  	_ =	task [dreg:s6], $0x5FFFF  }
0xac: {  	[dreg:$0x1] =	wrdreg $0xFFFFFFFF  }
0xad: {  	[dreg:$0x0] =	wrdreg $0x60  }
0xae: {  	[dreg:$0x2] =	wrdreg s24  }
0xaf: {  	[dreg:$0x3] =	wrdreg $0xA4000  }
0xb0: {  	[dreg:$0x4] =	wrdreg $0x9  }
0xb1: {  	_ =	task.clear_ibuf [dreg:s6], $0x5FFFF;
	_ =	strace $0x9000004C  }
0xb2: {  	s29 =	simm.s32 $0x9;
	_ =	strace $0x8000004E  }
0xb3: {  	_ =	swait.ge [sflag:s29], $0x1  }
0xb4: {  	[sflag:s29] =	ssyncadd.s32 $0xFFFFFFFF  }
0xb5: {  	_ =	strace $0x9000004E  }
0xb6: {  	_ =	sfence  }
0xb7: {  	s30 =	sld [smem:$0x0];
	_ =	sdelay $0x2  }
0xb8: {  	s31 =	sshll.u32 s1, $0xD;
	s1 =	sshrl.u32 s1, $0x2  }
0xb9: {  	s3 =	sand.u32 $0x4000, s31;
	s1 =	sadd.s32 s1, s30  }
0xba: {  	s0 =	sor.u32 s3, s0;
	s1 =	sshll.u32 s1, $0x11  }
0xbb: {  	s0 =	sor.u32 s1, s0  }
0xbc: {  	s0 =	sadd.s32 $0x8F2B, s0  }
0xbd: {  	[sflag:s0] =	ssyncadd.remote.s32 $0x1  }
0xbe: {  	_ =	sfence.sel $0xFFFF  }
0xbf: {  	[dreg:$0x0] =	wrdreg $0xFFFFFFFF;
	(pc) =	sbr.abs _section_cstart, $3  }
0xc0: {  	[dreg:$0x1] =	wrdreg $0xFFFFFFFF  }
0xc1: {  	_ =	task.clear_ibuf [dreg:s6], $0x2FFFF;
	_ =	strace $0x9FFFFFFF  }
0xc2: {  	(tm) =	ssettm $0x7FFFFFFF  }
0xc3: {  	_ =	shalt  }
tec
execute0_lowered:
.L_overlay_start_1:
0x0: {  	(tag) =	ssettag $0x1  }
0x1: {  	s0 =	rddreg [dreg:$0x0]  }
0x2: {  	s1 =	rddreg [dreg:$0x1];
	s2 =	srdreg.scid  }
0x3: {  	s3 =	simm.s32 $0x0;
	s11 =	stileid.u32;
	s28 =	simm.s32 $0x9  }
0x4: {  	s29 =	simm.s32 $0x200;
	s30 =	simm.s32 $0x80;
	s7 =	smul.u32 $0x14000, s11  }
0x5: {  	s31 =	simm.s32 $0x280;
	s2 =	sand.u32 $0x1, s2;
	s8 =	smul.u32 $0x50000, s11  }
0x6: {  	[smem:$0x7FF] =	sst s3;
	s9 =	sshll.u32 s11, $0x1;
	s11 =	smul.u32 $0x4E20, s11  }
0x7: {  	s4 =	sadd.s32 $0x16600, s0;
	s5 =	sadd.s32 $0x2A00, s0;
	s6 =	smul.u32 $0x140000, s2  }
0x8: {  	_ =	strace $0x8000004D;
	s26 =	ssub.s32 $0x2, s2;
	s9 =	sor.u32 s2, s9  }
0x9: {  	s2 =	smul.u32 $0x2710, s2;
	s10 =	sshrl.u32 s26, $0x1;
	s8 =	sshrl.u32 s8, $0x2  }
0xa: {  	s7 =	sadd.s32 s7, s6;
	s6 =	sadd.s32 $0xC800, s0;
	s25 =	sadd.s32 s8, s1  }
0xb: {  	s10 =	ssub.s32 s26, s10;
	s8 =	sadd.s32 $0x2800, s25;
	[dreg:$0x4] =	wrdreg s25  }
0xc: {  	s2 =	sadd.s32 s2, s11;
	s12 =	sadd.s32 $0x7800, s25;
	[dreg:$0x5] =	wrdreg s8  }
0xd: {  	s11 =	simm.s32 $0x50;
	s13 =	sadd.s32 $0xA000, s25;
	[dreg:$0x7] =	wrdreg s12  }
0xe: {  	s7 =	sshrl.u32 s7, $0x3;
	s14 =	sadd.s32 $0xC800, s25;
	[dreg:$0x8] =	wrdreg s13  }
0xf: {  	s15 =	sadd.s32 $0xF000, s25;
	s16 =	sadd.s32 $0x11800, s25;
	[dreg:$0x9] =	wrdreg s14  }
0x10: {  	s2 =	sadd.s32 $0x140, s2;
	s24 =	smax.u32 s10, $0x1;
	[dreg:$0xa] =	wrdreg s15  }
0x11: {  	s10 =	simm.s32 $0x380;
	s0 =	sadd.s32 s7, s0;
	[dreg:$0xb] =	wrdreg s16  }
0x12: {  	s7 =	smul.u32 $0x2710, s9;
	s9 =	sadd.s32 $0x5000, s25;
	[dreg:$0x3] =	wrdreg s2  }
0x13: {  	[dreg:$0x15] =	wrdreg s24;
	s2 =	simm.s32 $0x300;
	s14 =	simm.s32 $0x5  }
0x14: {  	s15 =	simm.s32 $0x4;
	s16 =	simm.s32 $0x7C00;
	s24 =	simm.s32 $0x3  }
0x15: {  	[dreg:$0x6] =	wrdreg s9;
	s0 =	sadd.s32 $0x3E600, s0;
	s9 =	sshrl.u32 s7, $0x3  }
0x16: {  	[dreg:$0x14] =	wrdreg s0;
	s0 =	simm.s32 $0x100;
	s17 =	sadd.s32 s5, s9  }
0x17: {  	s12 =	sadd.s32 $0xA, s9;
	s18 =	sadd.s32 s6, s9;
	[dreg:$0xc] =	wrdreg s17  }
0x18: {  	s13 =	sadd.s32 $0x14, s9;
	s9 =	sadd.s32 $0x1E, s9;
	[dreg:$0xd] =	wrdreg s18  }
0x19: {  	s19 =	sadd.s32 s5, s12;
	s20 =	sadd.s32 s6, s12;
	s21 =	sadd.s32 s5, s13  }
0x1a: {  	s22 =	sadd.s32 s6, s13;
	s26 =	sadd.s32 s5, s9;
	[dreg:$0xe] =	wrdreg s19  }
0x1b: {  	s23 =	sadd.s32 s6, s9;
	s9 =	simm.s32 $0x180;
	[dreg:$0xf] =	wrdreg s20  }
0x1c: {  	s12 =	simm.s32 $0x2C00;
	s13 =	simm.s32 $0x5400;
	[dreg:$0x10] =	wrdreg s21  }
0x1d: {  	s17 =	simm.s32 $0x6;
	s18 =	simm.s32 $0x1;
	[dreg:$0x11] =	wrdreg s22  }
0x1e: {  	[dreg:$0x13] =	wrdreg s23;
	s19 =	simm.s32 $0x7;
	s20 =	simm.s32 $0x2  }
0x1f: {  	v0 =	vimm.f32 $0.0e+00;
	s21 =	simm.s32 $0x8;
	s22 =	simm.s32 $0x0;
	[dreg:$0x12] =	wrdreg s26  }
.LBB2_1:
0x20: {  	[dreg:$0x16] =	wrdreg s22;
	s22 =	simm.s32 $0x0;
	s23 =	simm.s32 $0x200  }
.LBB2_2:
0x21: {  	p0 =	sne.s32 s23, $0x9E00;
	[tilespmem:s22+$0x470] =	vst v0  }
0x22: {  	[tilespmem:s22+$0x400] =	vst v0  }
0x23: {  	[tilespmem:s22+$0x410] =	vst v0  }
.Ltmp0:
0x24: {  	[tilespmem:s22+$0x420] =	vst v0;
	(pc) =	sbr.rel @p0 .LBB2_2-.Ltmp0, $4  }
0x25: {  	[tilespmem:s22+$0x430] =	vst v0  }
0x26: {  	[tilespmem:s22+$0x440] =	vst v0  }
0x27: {  	[tilespmem:s22+$0x450] =	vst v0  }
0x28: {  	[tilespmem:s22+$0x460] =	vst v0;
	s22 =	sshra.s32 s23, $0x2;
	s23 =	sadd.s32 $0x200, s23  }
0x29: {  	[tilespmem:s22+$0x470] =	vst v0  }
0x2a: {  	[tilespmem:s22+$0x400] =	vst v0  }
0x2b: {  	[tilespmem:s22+$0x410] =	vst v0  }
0x2c: {  	[tilespmem:s22+$0x420] =	vst v0  }
0x2d: {  	[tilespmem:s22+$0x430] =	vst v0  }
0x2e: {  	[tilespmem:s22+$0x440] =	vst v0  }
0x2f: {  	[tilespmem:s22+$0x450] =	vst v0  }
0x30: {  	[tilespmem:s22+$0x460] =	vst v0;
	s22 =	simm.s32 $0x400  }
0x31: {  	[spmem:s25] =	stream.linear.scatter [tilespmem:s22], [sflag:$0x9], $0x2800, $0x38;
	[tilespmem:$0x1E400] =	vst v63  }
0x32: {  	_ =	swait.ge [sflag:s28], $0x2800  }
0x33: {  	[sflag:s28] =	ssyncset.done $0x0  }
0x34: {  	s8 =	rddreg [dreg:$0x5];
	[sflag:s28] =	ssyncadd.s32 $0xFFFFD800  }
0x35: {  	[spmem:s8] =	stream.linear.scatter [tilespmem:s22], [sflag:$0x9], $0x2800, $0x38;
	[tilespmem:$0x1E400] =	vst v63  }
0x36: {  	_ =	swait.ge [sflag:s28], $0x2800  }
0x37: {  	[sflag:s28] =	ssyncset.done $0x0  }
0x38: {  	s25 =	rddreg [dreg:$0x6];
	[sflag:s28] =	ssyncadd.s32 $0xFFFFD800  }
0x39: {  	[spmem:s25] =	stream.linear.scatter [tilespmem:s22], [sflag:$0x9], $0x2800, $0x38;
	[tilespmem:$0x1E400] =	vst v63  }
0x3a: {  	_ =	swait.ge [sflag:s28], $0x2800  }
0x3b: {  	[sflag:s28] =	ssyncset.done $0x0  }
0x3c: {  	s23 =	rddreg [dreg:$0x7];
	[sflag:s28] =	ssyncadd.s32 $0xFFFFD800  }
0x3d: {  	[spmem:s23] =	stream.linear.scatter [tilespmem:s22], [sflag:$0x9], $0x2800, $0x38;
	[tilespmem:$0x1E400] =	vst v63  }
0x3e: {  	_ =	swait.ge [sflag:s28], $0x2800  }
0x3f: {  	[sflag:s28] =	ssyncset.done $0x0  }
0x40: {  	s25 =	rddreg [dreg:$0x8];
	[sflag:s28] =	ssyncadd.s32 $0xFFFFD800  }
0x41: {  	[spmem:s25] =	stream.linear.scatter [tilespmem:s22], [sflag:$0x9], $0x2800, $0x38;
	[tilespmem:$0x1E400] =	vst v63  }
0x42: {  	_ =	swait.ge [sflag:s28], $0x2800  }
0x43: {  	[sflag:s28] =	ssyncset.done $0x0  }
0x44: {  	s23 =	rddreg [dreg:$0x9];
	[sflag:s28] =	ssyncadd.s32 $0xFFFFD800  }
0x45: {  	[spmem:s23] =	stream.linear.scatter [tilespmem:s22], [sflag:$0x9], $0x2800, $0x38;
	[tilespmem:$0x1E400] =	vst v63  }
0x46: {  	_ =	swait.ge [sflag:s28], $0x2800  }
0x47: {  	[sflag:s28] =	ssyncset.done $0x0  }
0x48: {  	s25 =	rddreg [dreg:$0xa];
	[sflag:s28] =	ssyncadd.s32 $0xFFFFD800  }
0x49: {  	[spmem:s25] =	stream.linear.scatter [tilespmem:s22], [sflag:$0x9], $0x2800, $0x38;
	[tilespmem:$0x1E400] =	vst v63  }
0x4a: {  	_ =	swait.ge [sflag:s28], $0x2800  }
0x4b: {  	[sflag:s28] =	ssyncset.done $0x0  }
0x4c: {  	s23 =	rddreg [dreg:$0xb];
	[sflag:s28] =	ssyncadd.s32 $0xFFFFD800  }
0x4d: {  	[spmem:s23] =	stream.linear.scatter [tilespmem:s22], [sflag:$0x9], $0x2800, $0x38;
	[tilespmem:$0x1E400] =	vst v63  }
0x4e: {  	_ =	swait.ge [sflag:s28], $0x2800  }
0x4f: {  	[sflag:s28] =	ssyncset.done $0x0  }
0x50: {  	[sflag:s28] =	ssyncadd.s32 $0xFFFFD800  }
0x51: {  	[bflag:$0x0] =	sbarrier.arrive $0xFFFF  }
0x52: {  	s22 =	simm.s32 $0x0;
	s25 =	rddreg [dreg:$0xc]  }
0x53: {  	[tilespmem:s22], [sflag:$0x9] =	stream.linear.gather [hbm4b:s25+s22], $0x50, $0x38;
	[tilespmem:$0x1E400] =	vst v63  }
0x54: {  	_ =	swait.ge [sflag:s28], $0x50  }
0x55: {  	[sflag:s28] =	ssyncset.done $0x0  }
0x56: {  	s23 =	rddreg [dreg:$0xd];
	[sflag:s28] =	ssyncadd.s32 $0xFFFFFFB0  }
0x57: {  	[tilespmem:s29], [sflag:$0x9] =	stream.linear.gather [hbm4b:s23+s22], $0x50, $0x38;
	[tilespmem:$0x1E400] =	vst v63  }
0x58: {  	_ =	swait.ge [sflag:s28], $0x50  }
0x59: {  	[sflag:s28] =	ssyncset.done $0x0  }
0x5a: {  	s25 =	rddreg [dreg:$0xe];
	[sflag:s28] =	ssyncadd.s32 $0xFFFFFFB0  }
0x5b: {  	[tilespmem:s30], [sflag:$0x9] =	stream.linear.gather [hbm4b:s25+s22], $0x50, $0x38;
	[tilespmem:$0x1E400] =	vst v63  }
0x5c: {  	_ =	swait.ge [sflag:s28], $0x50  }
0x5d: {  	[sflag:s28] =	ssyncset.done $0x0  }
0x5e: {  	s23 =	rddreg [dreg:$0xf];
	[sflag:s28] =	ssyncadd.s32 $0xFFFFFFB0  }
0x5f: {  	[tilespmem:s31], [sflag:$0x9] =	stream.linear.gather [hbm4b:s23+s22], $0x50, $0x38;
	[tilespmem:$0x1E400] =	vst v63  }
0x60: {  	_ =	swait.ge [sflag:s28], $0x50  }
0x61: {  	[sflag:s28] =	ssyncset.done $0x0  }
0x62: {  	s25 =	rddreg [dreg:$0x10];
	[sflag:s28] =	ssyncadd.s32 $0xFFFFFFB0  }
0x63: {  	[tilespmem:s0], [sflag:$0x9] =	stream.linear.gather [hbm4b:s25+s22], $0x50, $0x38;
	[tilespmem:$0x1E400] =	vst v63  }
0x64: {  	_ =	swait.ge [sflag:s28], $0x50  }
0x65: {  	[sflag:s28] =	ssyncset.done $0x0  }
0x66: {  	s23 =	rddreg [dreg:$0x11];
	[sflag:s28] =	ssyncadd.s32 $0xFFFFFFB0  }
0x67: {  	[tilespmem:s2], [sflag:$0x9] =	stream.linear.gather [hbm4b:s23+s22], $0x50, $0x38;
	[tilespmem:$0x1E400] =	vst v63  }
0x68: {  	_ =	swait.ge [sflag:s28], $0x50  }
0x69: {  	[sflag:s28] =	ssyncset.done $0x0  }
0x6a: {  	[sflag:s28] =	ssyncadd.s32 $0xFFFFFFB0  }
0x6b: {  	[tilespmem:s9], [sflag:$0x4] =	stream.linear.gather [hbm4b:s26+s22], $0x50, $0x38;
	[tilespmem:$0x1E400] =	vst v63  }
0x6c: {  	s25 =	rddreg [dreg:$0x13]  }
0x6d: {  	[tilespmem:s10], [sflag:$0x4] =	stream.linear.gather [hbm4b:s25+s22], $0x50, $0x38;
	[tilespmem:$0x1E400] =	vst v63  }
0x6e: {  	s26 =	simm.s32 $0x400  }
0x6f: {  	[tilespmem:s26], [sflag:$0x5] =	stream.indirect.gather [hbm4b:s4+s11], $0x80, s22, s11, $0xb8;
	[tilespmem:$0x1E400] =	vst v63  }
0x70: {  	_ = 	snop  }
0x71: {  	[tilespmem:s12], [sflag:$0x6] =	stream.indirect.gather [hbm4b:s4+s11], $0x80, s30, s11, $0xb8;
	[tilespmem:$0x1E400] =	vst v63  }
0x72: {  	_ = 	snop  }
0x73: {  	[tilespmem:s13], [sflag:$0x7] =	stream.indirect.gather [hbm4b:s4+s11], $0x80, s0, s11, $0xb8;
	[tilespmem:$0x1E400] =	vst v63  }
0x74: {  	_ =	swait.ge [sflag:s14], $0x2800  }
0x75: {  	[sflag:s14] =	ssyncset.done $0x0  }
0x76: {  	[sflag:s14] =	ssyncadd.s32 $0xFFFFD800  }
0x77: {  	[spmem:s1] =	stream.indirect.scatter.add.f32 [tilespmem:s26], [sflag:$0x9], $0x80, s29, s11, $0xb8;
	[tilespmem:$0x1E400] =	vst v63  }
0x78: {  	_ =	swait.ge [sflag:s28], $0x2800  }
0x79: {  	s23 =	rddreg [dreg:$0x3]  }
0x7a: {  	s22 =	sadd.s32 $0x0, s23  }
0x7b: {  	[sflag:s28] =	ssyncset.done $0x0;
	s22 =	sshrl.u32 s22, $0x3  }
0x7c: {  	[sflag:s28] =	ssyncadd.s32 $0xFFFFD800;
	s23 =	sadd.s32 s5, s22  }
0x7d: {  	[tilespmem:s3], [sflag:$0x1] =	stream.linear.gather [hbm4b:s23+s3], $0x50, $0x38;
	[tilespmem:$0x1E400] =	vst v63  }
0x7e: {  	s22 =	sadd.s32 s6, s22  }
0x7f: {  	[tilespmem:s29], [sflag:$0x1] =	stream.linear.gather [hbm4b:s22+s3], $0x50, $0x38;
	[tilespmem:$0x1E400] =	vst v63  }
0x80: {  	_ =	swait.ge [sflag:s15], $0x50  }
0x81: {  	[sflag:s15] =	ssyncset.done $0x0  }
0x82: {  	[sflag:s15] =	ssyncadd.s32 $0xFFFFFFB0  }
0x83: {  	_ =	swait.ge [sflag:s15], $0x50  }
0x84: {  	[sflag:s15] =	ssyncset.done $0x0  }
0x85: {  	[sflag:s15] =	ssyncadd.s32 $0xFFFFFFB0  }
0x86: {  	[tilespmem:s16], [sflag:$0x8] =	stream.indirect.gather [hbm4b:s4+s11], $0x80, s9, s11, $0xb8;
	[tilespmem:$0x1E400] =	vst v63  }
0x87: {  	_ =	swait.ge [sflag:s17], $0x2800  }
0x88: {  	p0 =	por $0x0, $0x0;
	s22 =	simm.s32 $0x190;
	[sflag:s17] =	ssyncset.done $0x0  }
0x89: {  	s22 =	simm.s32 @p0 $0x0;
	[sflag:s17] =	ssyncadd.s32 $0xFFFFD800  }
0x8a: {  	[spmem:s1] =	stream.indirect.scatter.add.f32 [tilespmem:s12], [sflag:$0x9], $0x80, s31, s11, $0xb8;
	[tilespmem:$0x1E400] =	vst v63  }
0x8b: {  	s22 =	sadd.s32 s7, s22;
	_ =	swait.ge [sflag:s28], $0x2800  }
0x8c: {  	s22 =	sshrl.u32 s22, $0x3;
	[sflag:s28] =	ssyncset.done $0x0  }
0x8d: {  	s25 =	sadd.s32 s5, s22;
	[sflag:s28] =	ssyncadd.s32 $0xFFFFD800  }
0x8e: {  	[tilespmem:s30], [sflag:$0x2] =	stream.linear.gather [hbm4b:s25+s3], $0x50, $0x38;
	[tilespmem:$0x1E400] =	vst v63  }
0x8f: {  	s22 =	sadd.s32 s6, s22  }
0x90: {  	[tilespmem:s31], [sflag:$0x2] =	stream.linear.gather [hbm4b:s22+s3], $0x50, $0x38;
	[tilespmem:$0x1E400] =	vst v63  }
0x91: {  	_ =	swait.ge [sflag:s18], $0x50  }
0x92: {  	[sflag:s18] =	ssyncset.done $0x0  }
0x93: {  	[sflag:s18] =	ssyncadd.s32 $0xFFFFFFB0  }
0x94: {  	_ =	swait.ge [sflag:s18], $0x50  }
0x95: {  	[sflag:s18] =	ssyncset.done $0x0  }
0x96: {  	[sflag:s18] =	ssyncadd.s32 $0xFFFFFFB0  }
0x97: {  	[tilespmem:s26], [sflag:$0x5] =	stream.indirect.gather [hbm4b:s4+s11], $0x80, s3, s11, $0xb8;
	[tilespmem:$0x1E400] =	vst v63  }
0x98: {  	_ =	swait.ge [sflag:s19], $0x2800  }
0x99: {  	s22 =	simm.s32 $0x1E0;
	[sflag:s19] =	ssyncset.done $0x0  }
0x9a: {  	s22 =	simm.s32 @p0 $0x50;
	[sflag:s19] =	ssyncadd.s32 $0xFFFFD800  }
0x9b: {  	[spmem:s1] =	stream.indirect.scatter.add.f32 [tilespmem:s13], [sflag:$0x9], $0x80, s2, s11, $0xb8;
	[tilespmem:$0x1E400] =	vst v63  }
0x9c: {  	s22 =	sadd.s32 s7, s22;
	_ =	swait.ge [sflag:s28], $0x2800  }
0x9d: {  	s22 =	sshrl.u32 s22, $0x3;
	[sflag:s28] =	ssyncset.done $0x0  }
0x9e: {  	s8 =	sadd.s32 s5, s22;
	[sflag:s28] =	ssyncadd.s32 $0xFFFFD800  }
0x9f: {  	[tilespmem:s0], [sflag:$0x3] =	stream.linear.gather [hbm4b:s8+s3], $0x50, $0x38;
	[tilespmem:$0x1E400] =	vst v63  }
0xa0: {  	s22 =	sadd.s32 s6, s22  }
0xa1: {  	[tilespmem:s2], [sflag:$0x3] =	stream.linear.gather [hbm4b:s22+s3], $0x50, $0x38;
	[tilespmem:$0x1E400] =	vst v63  }
0xa2: {  	_ =	swait.ge [sflag:s20], $0x50  }
0xa3: {  	[sflag:s20] =	ssyncset.done $0x0  }
0xa4: {  	[sflag:s20] =	ssyncadd.s32 $0xFFFFFFB0  }
0xa5: {  	_ =	swait.ge [sflag:s20], $0x50  }
0xa6: {  	[sflag:s20] =	ssyncset.done $0x0  }
0xa7: {  	[sflag:s20] =	ssyncadd.s32 $0xFFFFFFB0  }
0xa8: {  	[tilespmem:s12], [sflag:$0x6] =	stream.indirect.gather [hbm4b:s4+s11], $0x80, s30, s11, $0xb8;
	[tilespmem:$0x1E400] =	vst v63  }
0xa9: {  	_ =	swait.ge [sflag:s21], $0x2800  }
0xaa: {  	s22 =	simm.s32 $0x230;
	[sflag:s21] =	ssyncset.done $0x0  }
0xab: {  	s22 =	simm.s32 @p0 $0xA0;
	[sflag:s21] =	ssyncadd.s32 $0xFFFFD800  }
0xac: {  	[spmem:s1] =	stream.indirect.scatter.add.f32 [tilespmem:s16], [sflag:$0x9], $0x80, s10, s11, $0xb8;
	[tilespmem:$0x1E400] =	vst v63  }
0xad: {  	s22 =	sadd.s32 s7, s22;
	_ =	swait.ge [sflag:s28], $0x2800  }
0xae: {  	s22 =	sshrl.u32 s22, $0x3;
	[sflag:s28] =	ssyncset.done $0x0  }
0xaf: {  	s25 =	sadd.s32 s5, s22;
	[sflag:s28] =	ssyncadd.s32 $0xFFFFD800  }
0xb0: {  	[tilespmem:s9], [sflag:$0x4] =	stream.linear.gather [hbm4b:s25+s3], $0x50, $0x38;
	[tilespmem:$0x1E400] =	vst v63  }
0xb1: {  	s22 =	sadd.s32 s6, s22  }
0xb2: {  	[tilespmem:s10], [sflag:$0x4] =	stream.linear.gather [hbm4b:s22+s3], $0x50, $0x38;
	[tilespmem:$0x1E400] =	vst v63  }
0xb3: {  	_ =	swait.ge [sflag:s24], $0x50  }
0xb4: {  	[sflag:s24] =	ssyncset.done $0x0  }
0xb5: {  	[sflag:s24] =	ssyncadd.s32 $0xFFFFFFB0  }
0xb6: {  	_ =	swait.ge [sflag:s24], $0x50  }
0xb7: {  	s22 =	simm.s32 $0x140;
	[sflag:s24] =	ssyncset.done $0x0  }
.LBB2_4:
0xb8: {  	[sflag:s24] =	ssyncadd.s32 $0xFFFFFFB0  }
0xb9: {  	[tilespmem:s13], [sflag:$0x7] =	stream.indirect.gather [hbm4b:s4+s11], $0x80, s0, s11, $0xb8;
	[tilespmem:$0x1E400] =	vst v63  }
0xba: {  	_ =	swait.ge [sflag:s14], $0x2800  }
0xbb: {  	[sflag:s14] =	ssyncset.done $0x0  }
0xbc: {  	[sflag:s14] =	ssyncadd.s32 $0xFFFFD800  }
0xbd: {  	[spmem:s1] =	stream.indirect.scatter.add.f32 [tilespmem:s26], [sflag:$0x9], $0x80, s29, s11, $0xb8;
	[tilespmem:$0x1E400] =	vst v63  }
0xbe: {  	_ =	swait.ge [sflag:s28], $0x2800  }
0xbf: {  	s23 =	smov.u32 s22;
	s8 =	rddreg [dreg:$0x3]  }
0xc0: {  	s8 =	sadd.s32 s23, s8  }
0xc1: {  	[sflag:s28] =	ssyncset.done $0x0;
	s8 =	sshrl.u32 s8, $0x3  }
0xc2: {  	[sflag:s28] =	ssyncadd.s32 $0xFFFFD800;
	s25 =	sadd.s32 s5, s8  }
0xc3: {  	[tilespmem:s3], [sflag:$0x1] =	stream.linear.gather [hbm4b:s25+s3], $0x50, $0x38;
	[tilespmem:$0x1E400] =	vst v63  }
0xc4: {  	s8 =	sadd.s32 s6, s8  }
0xc5: {  	[tilespmem:s29], [sflag:$0x1] =	stream.linear.gather [hbm4b:s8+s3], $0x50, $0x38;
	[tilespmem:$0x1E400] =	vst v63  }
0xc6: {  	_ =	swait.ge [sflag:s15], $0x50  }
0xc7: {  	[sflag:s15] =	ssyncset.done $0x0  }
0xc8: {  	[sflag:s15] =	ssyncadd.s32 $0xFFFFFFB0  }
0xc9: {  	_ =	swait.ge [sflag:s15], $0x50  }
0xca: {  	[sflag:s15] =	ssyncset.done $0x0  }
0xcb: {  	[sflag:s15] =	ssyncadd.s32 $0xFFFFFFB0  }
0xcc: {  	[tilespmem:s16], [sflag:$0x8] =	stream.indirect.gather [hbm4b:s4+s11], $0x80, s9, s11, $0xb8;
	[tilespmem:$0x1E400] =	vst v63  }
0xcd: {  	p1 =	seq.s32 s23, $0x2580;
	s25 =	sadd.s32 $0x230, s23;
	_ =	swait.ge [sflag:s17], $0x2800  }
0xce: {  	s8 =	sadd.s32 $0x1E0, s23;
	s23 =	sadd.s32 $0x190, s23;
	[sflag:s17] =	ssyncset.done $0x0  }
0xcf: {  	s23 =	simm.s32 @p1 $0x0;
	[sflag:s17] =	ssyncadd.s32 $0xFFFFD800  }
0xd0: {  	[spmem:s1] =	stream.indirect.scatter.add.f32 [tilespmem:s12], [sflag:$0x9], $0x80, s31, s11, $0xb8;
	[tilespmem:$0x1E400] =	vst v63  }
0xd1: {  	s23 =	sadd.s32 s7, s23;
	_ =	swait.ge [sflag:s28], $0x2800  }
0xd2: {  	s23 =	sshrl.u32 s23, $0x3;
	[sflag:s28] =	ssyncset.done $0x0  }
0xd3: {  	s26 =	sadd.s32 s5, s23;
	[sflag:s28] =	ssyncadd.s32 $0xFFFFD800  }
0xd4: {  	[tilespmem:s30], [sflag:$0x2] =	stream.linear.gather [hbm4b:s26+s3], $0x50, $0x38;
	[tilespmem:$0x1E400] =	vst v63  }
0xd5: {  	s23 =	sadd.s32 s6, s23  }
0xd6: {  	[tilespmem:s31], [sflag:$0x2] =	stream.linear.gather [hbm4b:s23+s3], $0x50, $0x38;
	[tilespmem:$0x1E400] =	vst v63  }
0xd7: {  	_ =	swait.ge [sflag:s18], $0x50  }
0xd8: {  	[sflag:s18] =	ssyncset.done $0x0  }
0xd9: {  	[sflag:s18] =	ssyncadd.s32 $0xFFFFFFB0  }
0xda: {  	_ =	swait.ge [sflag:s18], $0x50  }
0xdb: {  	[sflag:s18] =	ssyncset.done $0x0  }
0xdc: {  	s26 =	simm.s32 $0x400;
	[sflag:s18] =	ssyncadd.s32 $0xFFFFFFB0  }
0xdd: {  	[tilespmem:s26], [sflag:$0x5] =	stream.indirect.gather [hbm4b:s4+s11], $0x80, s3, s11, $0xb8;
	[tilespmem:$0x1E400] =	vst v63  }
0xde: {  	_ =	swait.ge [sflag:s19], $0x2800  }
0xdf: {  	[sflag:s19] =	ssyncset.done $0x0  }
0xe0: {  	s8 =	simm.s32 @p1 $0x50;
	[sflag:s19] =	ssyncadd.s32 $0xFFFFD800  }
0xe1: {  	[spmem:s1] =	stream.indirect.scatter.add.f32 [tilespmem:s13], [sflag:$0x9], $0x80, s2, s11, $0xb8;
	[tilespmem:$0x1E400] =	vst v63  }
0xe2: {  	s25 =	simm.s32 @p1 $0xA0;
	s8 =	sadd.s32 s7, s8;
	_ =	swait.ge [sflag:s28], $0x2800  }
0xe3: {  	s25 =	sadd.s32 s7, s25;
	s8 =	sshrl.u32 s8, $0x3;
	[sflag:s28] =	ssyncset.done $0x0  }
0xe4: {  	s23 =	sshrl.u32 s25, $0x3;
	s25 =	sadd.s32 s5, s8;
	[sflag:s28] =	ssyncadd.s32 $0xFFFFD800  }
0xe5: {  	[tilespmem:s0], [sflag:$0x3] =	stream.linear.gather [hbm4b:s25+s3], $0x50, $0x38;
	[tilespmem:$0x1E400] =	vst v63  }
0xe6: {  	s8 =	sadd.s32 s6, s8  }
0xe7: {  	[tilespmem:s2], [sflag:$0x3] =	stream.linear.gather [hbm4b:s8+s3], $0x50, $0x38;
	[tilespmem:$0x1E400] =	vst v63  }
0xe8: {  	_ =	swait.ge [sflag:s20], $0x50  }
0xe9: {  	[sflag:s20] =	ssyncset.done $0x0  }
0xea: {  	[sflag:s20] =	ssyncadd.s32 $0xFFFFFFB0  }
0xeb: {  	_ =	swait.ge [sflag:s20], $0x50  }
0xec: {  	[sflag:s20] =	ssyncset.done $0x0  }
0xed: {  	[sflag:s20] =	ssyncadd.s32 $0xFFFFFFB0  }
0xee: {  	[tilespmem:s12], [sflag:$0x6] =	stream.indirect.gather [hbm4b:s4+s11], $0x80, s30, s11, $0xb8;
	[tilespmem:$0x1E400] =	vst v63  }
0xef: {  	_ =	swait.ge [sflag:s21], $0x2800  }
0xf0: {  	[sflag:s21] =	ssyncset.done $0x0  }
0xf1: {  	[sflag:s21] =	ssyncadd.s32 $0xFFFFD800  }
0xf2: {  	[spmem:s1] =	stream.indirect.scatter.add.f32 [tilespmem:s16], [sflag:$0x9], $0x80, s10, s11, $0xb8;
	[tilespmem:$0x1E400] =	vst v63  }
0xf3: {  	_ =	swait.ge [sflag:s28], $0x2800  }
0xf4: {  	[sflag:s28] =	ssyncset.done $0x0  }
0xf5: {  	s25 =	sadd.s32 s5, s23;
	[sflag:s28] =	ssyncadd.s32 $0xFFFFD800  }
0xf6: {  	[tilespmem:s9], [sflag:$0x4] =	stream.linear.gather [hbm4b:s25+s3], $0x50, $0x38;
	[tilespmem:$0x1E400] =	vst v63  }
0xf7: {  	p0 =	sne.s32 s22, $0x2580;
	s23 =	sadd.s32 s6, s23  }
0xf8: {  	[tilespmem:s10], [sflag:$0x4] =	stream.linear.gather [hbm4b:s23+s3], $0x50, $0x38;
	[tilespmem:$0x1E400] =	vst v63  }
.Ltmp1:
0xf9: {  	_ =	swait.ge [sflag:s24], $0x50;
	(pc) =	sbr.rel @p0 .LBB2_4-.Ltmp1, $4  }
0xfa: {  	[sflag:s24] =	ssyncset.done $0x0  }
0xfb: {  	[sflag:s24] =	ssyncadd.s32 $0xFFFFFFB0  }
0xfc: {  	_ =	swait.ge [sflag:s24], $0x50  }
0xfd: {  	s22 =	sadd.s32 $0x140, s22;
	[sflag:s24] =	ssyncset.done $0x0  }
0xfe: {  	[sflag:s24] =	ssyncadd.s32 $0xFFFFFFB0  }
0xff: {  	[tilespmem:s13], [sflag:$0x7] =	stream.indirect.gather [hbm4b:s4+s11], $0x80, s0, s11, $0xb8;
	[tilespmem:$0x1E400] =	vst v63  }
0x100: {  	_ =	swait.ge [sflag:s14], $0x2800  }
0x101: {  	[sflag:s14] =	ssyncset.done $0x0  }
0x102: {  	[sflag:s14] =	ssyncadd.s32 $0xFFFFD800  }
0x103: {  	[spmem:s1] =	stream.indirect.scatter.add.f32 [tilespmem:s26], [sflag:$0x9], $0x80, s29, s11, $0xb8;
	[tilespmem:$0x1E400] =	vst v63  }
0x104: {  	_ =	swait.ge [sflag:s28], $0x2800  }
0x105: {  	[sflag:s28] =	ssyncset.done $0x0  }
0x106: {  	s26 =	rddreg [dreg:$0x12];
	[sflag:s28] =	ssyncadd.s32 $0xFFFFD800  }
0x107: {  	[tilespmem:s3], [sflag:$0x1] =	stream.linear.gather [hbm4b:s26+s3], $0x50, $0x38;
	[tilespmem:$0x1E400] =	vst v63  }
0x108: {  	s8 =	rddreg [dreg:$0x13]  }
0x109: {  	[tilespmem:s29], [sflag:$0x1] =	stream.linear.gather [hbm4b:s8+s3], $0x50, $0x38;
	[tilespmem:$0x1E400] =	vst v63  }
0x10a: {  	_ =	swait.ge [sflag:s15], $0x50  }
0x10b: {  	[sflag:s15] =	ssyncset.done $0x0  }
0x10c: {  	[sflag:s15] =	ssyncadd.s32 $0xFFFFFFB0  }
0x10d: {  	_ =	swait.ge [sflag:s15], $0x50  }
0x10e: {  	[sflag:s15] =	ssyncset.done $0x0  }
0x10f: {  	[sflag:s15] =	ssyncadd.s32 $0xFFFFFFB0  }
0x110: {  	[tilespmem:s16], [sflag:$0x8] =	stream.indirect.gather [hbm4b:s4+s11], $0x80, s9, s11, $0xb8;
	[tilespmem:$0x1E400] =	vst v63  }
0x111: {  	_ =	swait.ge [sflag:s17], $0x2800  }
0x112: {  	[sflag:s17] =	ssyncset.done $0x0  }
0x113: {  	[sflag:s17] =	ssyncadd.s32 $0xFFFFD800  }
0x114: {  	_ =	swait.ge [sflag:s19], $0x2800  }
0x115: {  	[sflag:s19] =	ssyncset.done $0x0  }
0x116: {  	[sflag:s19] =	ssyncadd.s32 $0xFFFFD800  }
0x117: {  	_ =	swait.ge [sflag:s21], $0x2800  }
0x118: {  	[sflag:s21] =	ssyncset.done $0x0  }
0x119: {  	[sflag:s21] =	ssyncadd.s32 $0xFFFFD800  }
0x11a: {  	_ =	swait.ge [sflag:s18], $0x50  }
0x11b: {  	[sflag:s18] =	ssyncset.done $0x0  }
0x11c: {  	[sflag:s18] =	ssyncadd.s32 $0xFFFFFFB0  }
0x11d: {  	_ =	swait.ge [sflag:s18], $0x50  }
0x11e: {  	[sflag:s18] =	ssyncset.done $0x0  }
0x11f: {  	[sflag:s18] =	ssyncadd.s32 $0xFFFFFFB0  }
0x120: {  	s25 =	stileid.u32;
	[bflag:$0x0] =	sbarrier.arrive $0xFFFF  }
0x121: {  	s8 =	sshll.u32 s25, $0x6;
	s25 =	rddreg [dreg:$0x4]  }
0x122: {  	s8 =	sor.u32 $0x1C09, s8;
	s23 =	rddreg [dreg:$0x14];
	s22 =	sshrl.u32 s25, $0x3  }
0x123: {  	[hbm:s23], [sflag:s8] =	dma.local [spmem:s22], $0x2800  }
0x124: {  	_ =	swait.ge [sflag:s28], $0x2800  }
0x125: {  	s8 =	rddreg [dreg:$0x16]  }
0x126: {  	s23 =	rddreg [dreg:$0x15];
	s22 =	sadd.s32 $0x1, s8  }
0x127: {  	p0 =	sne.s32 s22, s23  }
.Ltmp2:
0x128: {  	_ = 	snop;
	(pc) =	sbr.rel @p0 .LBB2_1-.Ltmp2, $3  }
0x129: {  	_ =	sdelay $0x1  }
0x12a: {  	[sflag:s28] =	ssyncset.done $0x0  }
0x12b: {  	[sflag:s28] =	ssyncadd.s32 $0xFFFFD800  }
0x12c: {  	_ =	sfence.sel $0x180000  }
0x12d: {  	[bflag:$0x0] =	sbarrier.arrive $0xFFFF  }
0x12e: {  	_ =	strace $0x9000004D  }
0x12f: {  	s0 =	stileid.u32;
	[bflag:$0x2] =	sbarrier.arrive $0xFFFF  }
0x130: {  	p0 =	sne.s32 s0, $0x0;
	s0 =	rddreg [dreg:$0x2]  }
0x131: {  	s0 =	sadd.s32 @!p0 $0x100000, s0  }
0x132: {  	[sflag:s0] =	ssyncadd.tile.s32 @!p0 $0x1;
	_ =	shalt  }
.Lfunc_end2:
_tile_overlayer_lowered:
.L_overlay_start_2:
0x133: {  	(tag) =	ssettag $0x2  }
0x134: {  	s0 =	rddreg [dreg:$0x0];
	s2 =	stileid.u32  }
0x135: {  	s1 =	rddreg [dreg:$0x1];
	p0 =	sne.s32 s2, $0x0  }
0x136: {  	s3 =	rddreg [dreg:$0x2];
	[bflag:$0x3] =	sbarrier.arrive $0xFFFF;
	s2 =	simm.s32 @!p0 $0x1C09  }
0x137: {  	[timem:s3], [sflag:s2] =	dma.local @!p0 [hbm:s0], s1  }
0x138: {  	s0 =	simm.s32 @!p0 $0x9  }
0x139: {  	_ =	swait.ge @!p0 [sflag:s0], s1  }
0x13a: {  	s1 =	ssub.s32 @!p0 $0x0, s1;
	[sflag:s0] =	ssyncset.done @!p0 $0x0  }
0x13b: {  	[sflag:s0] =	ssyncadd.s32 @!p0 s1  }
0x13c: {  	[bflag:$0x3] =	sbarrier.arrive $0xFFFF  }
0x13d: {  	_ =	shalt  }

// kernel: kernel.8.cloned.1.call-start
scs
__scs_entry_jumppad:
0x0: {  	(pc) =	sbr.rel $0x88, $3  }
0x1: {  	(tag) =	ssettag $0x0;
	lr =	simm.s32 $0x1  }
0x2: {  	[smem:$0x3F99] =	sst lr;
	_ =	strace $0xD0000000  }
0x3: {  	_ = 	snop  }
0x4: {  	_ = 	snop  }
0x5: {  	_ = 	snop  }
0x6: {  	_ = 	snop  }
0x7: {  	_ = 	snop  }
__scs_overlays_trampoline_lowered:
0x8: {  	[smem:$0x3FA8] =	sst s0  }
0x9: {  	[smem:$0x3FA9] =	sst s1  }
0xa: {  	[smem:$0x3FAA] =	sst s2  }
0xb: {  	[smem:$0x3FAB] =	sst s3  }
0xc: {  	[smem:$0x3FAC] =	sst s4  }
0xd: {  	[smem:$0x3FAD] =	sst s5  }
0xe: {  	[smem:$0x3FAE] =	sst s6  }
0xf: {  	[smem:$0x3FAF] =	sst s7  }
0x10: {  	[smem:$0x3FB0] =	sst s8  }
0x11: {  	[smem:$0x3FB1] =	sst s9;
	s0 =	simm.s32 @!p0 $0x0  }
0x12: {  	s1 =	sld [smem:$0x3F97];
	s0 =	simm.s32 @p0 $0x1  }
0x13: {  	[smem:$0x3FB2] =	sst s0;
	s0 =	simm.s32 @!p1 $0x0  }
0x14: {  	s2 =	sld [smem:$0x3F96];
	s0 =	simm.s32 @p1 $0x1  }
0x15: {  	[smem:$0x3FB3] =	sst s0;
	s0 =	simm.s32 @!p2 $0x0  }
0x16: {  	s3 =	sld [smem:$0x3FDB];
	s0 =	simm.s32 @p2 $0x1  }
0x17: {  	s4 =	simm.s32 $0x1BF5;
	[smem:$0x3FB5] =	sst s0  }
0x18: {  	s0 =	sld [smem:$0x3F98];
	_ =	swait.ge [sflag:s4], $0x0  }
0x19: {  	s7 =	sld [smem:$0x3F99]  }
0x1a: {  	s8 =	sadd.s32 $0xFFFFE003, lr  }
0x1b: {  	s9 =	sadd.s32 $0xFFFFFEF7, lr;
	s5 =	simm.s32 $0xFFFFFFFF;
	p2 =	slt.u32 s8, $0xFFFFF086  }
0x1c: {  	p1 =	slt.u32 s9, $0xF7A;
	s5 =	simm.s32 @!p2 $0x0  }
0x1d: {  	s5 =	simm.s32 @p1 $0x1;
	p0 =	seq.s32 s7, s2  }
0x1e: {  	s7 =	smul.u32 @!p0 $0xF7A, s2;
	p2 =	seq.s32 @!p0 s5, $0x0  }
0x1f: {  	s9 =	smul.u32 $0xF7A, s1;
	s8 =	simm.s32 @!p0 $0x1BF5;
	p2 =	por !p2, p0  }
0x20: {  	[sflag:s8] =	ssyncset.s32 @!p0 $0xFFFFF086;
	s6 =	sadd.s32 @!p0 s3, s7;
	s7 =	simm.s32 @!p0 $0x108  }
0x21: {  	s3 =	sadd.s32 s3, s9;
	s6 =	sadd.s32 @!p0 $0x88, s6;
	s7 =	simm.s32 @p2 $0x1082  }
0x22: {  	[simem:s7], [sflag:s8] =	dma.local @!p0 [hbm:s6], $0xF7A  }
0x23: {  	s9 =	sor.u32 $0xD0000000, s2;
	s6 =	simm.s32 $0x108;
	_ =	swait.ge @!p0 [sflag:s8], $0x0  }
0x24: {  	s3 =	sadd.s32 $0x88, s3;
	s6 =	simm.s32 @!p1 $0x1082;
	[sflag:s4] =	ssyncset.s32 $0xFFFFF086  }
0x25: {  	[simem:s6], [sflag:s4] =	dma.local [hbm:s3], $0xF7A  }
0x26: {  	[smem:$0x3F99] =	sst s1;
	(tag) =	ssettag s2;
	_ =	strace s9  }
0x27: {  	s1 =	sld [smem:$0x3FA9]  }
0x28: {  	s2 =	sld [smem:$0x3FAA]  }
0x29: {  	s4 =	sld [smem:$0x3FAC]  }
0x2a: {  	p0 =	seq.s32 s5, $0x0;
	s5 =	sld [smem:$0x3FAD]  }
0x2b: {  	s6 =	sld [smem:$0x3FAE]  }
0x2c: {  	s7 =	sld [smem:$0x3FAF]  }
0x2d: {  	s3 =	simm.s32 $0x108;
	s8 =	sld [smem:$0x3FB0]  }
0x2e: {  	s3 =	simm.s32 @!p0 $0x1082;
	s9 =	sld [smem:$0x3FB1]  }
0x2f: {  	lr =	sadd.s32 s0, s3;
	s0 =	sld [smem:$0x3FA8]  }
0x30: {  	s3 =	sld [smem:$0x3FAB]  }
0x31: {  	[smem:$0x3FB4] =	sst s10  }
0x32: {  	s10 =	sld [smem:$0x3FB2];
	_ =	sdelay $0x3  }
0x33: {  	p0 =	seq.s32 s10, $0x1;
	s10 =	sld [smem:$0x3FB4];
	_ =	sdelay $0x3  }
0x34: {  	[smem:$0x3FB4] =	sst s10  }
0x35: {  	s10 =	sld [smem:$0x3FB3];
	_ =	sdelay $0x3  }
0x36: {  	p1 =	seq.s32 s10, $0x1;
	s10 =	sld [smem:$0x3FB4];
	_ =	sdelay $0x3  }
0x37: {  	[smem:$0x3FB4] =	sst s10  }
0x38: {  	s10 =	sld [smem:$0x3FB5]  }
0x39: {  	_ = 	snop;
	(pc) =	sbr.ind lr, $3  }
0x3a: {  	_ = 	snop  }
0x3b: {  	_ = 	snop  }
0x3c: {  	p2 =	seq.s32 s10, $0x1;
	s10 =	sld [smem:$0x3FB4]  }
0x3d: {  	_ =	shalt  }
0x3e: {  	_ =	shalt  }
0x3f: {  	_ =	shalt  }
0x40: {  	_ =	shalt  }
0x41: {  	_ =	shalt  }
0x42: {  	_ =	shalt  }
0x43: {  	_ =	shalt  }
0x44: {  	_ =	shalt  }
0x45: {  	_ =	shalt  }
0x46: {  	_ =	shalt  }
0x47: {  	_ =	shalt  }
0x48: {  	_ =	shalt  }
0x49: {  	_ =	shalt  }
0x4a: {  	_ =	shalt  }
0x4b: {  	_ =	shalt  }
0x4c: {  	_ =	shalt  }
0x4d: {  	_ =	shalt  }
0x4e: {  	_ =	shalt  }
0x4f: {  	_ =	shalt  }
0x50: {  	_ =	shalt  }
0x51: {  	_ =	shalt  }
0x52: {  	_ =	shalt  }
0x53: {  	_ =	shalt  }
0x54: {  	_ =	shalt  }
0x55: {  	_ =	shalt  }
0x56: {  	_ =	shalt  }
0x57: {  	_ =	shalt  }
0x58: {  	_ =	shalt  }
0x59: {  	_ =	shalt  }
0x5a: {  	_ =	shalt  }
0x5b: {  	_ =	shalt  }
0x5c: {  	_ =	shalt  }
0x5d: {  	_ =	shalt  }
0x5e: {  	_ =	shalt  }
0x5f: {  	_ =	shalt  }
0x60: {  	_ =	shalt  }
0x61: {  	_ =	shalt  }
0x62: {  	_ =	shalt  }
0x63: {  	_ =	shalt  }
0x64: {  	_ =	shalt  }
0x65: {  	_ =	shalt  }
0x66: {  	_ =	shalt  }
0x67: {  	_ =	shalt  }
0x68: {  	_ =	shalt  }
0x69: {  	_ =	shalt  }
0x6a: {  	_ =	shalt  }
0x6b: {  	_ =	shalt  }
0x6c: {  	_ =	shalt  }
0x6d: {  	_ =	shalt  }
0x6e: {  	_ =	shalt  }
0x6f: {  	_ =	shalt  }
0x70: {  	_ =	shalt  }
0x71: {  	_ =	shalt  }
0x72: {  	_ =	shalt  }
0x73: {  	_ =	shalt  }
0x74: {  	_ =	shalt  }
0x75: {  	_ =	shalt  }
0x76: {  	_ =	shalt  }
0x77: {  	_ =	shalt  }
0x78: {  	_ =	shalt  }
0x79: {  	_ =	shalt  }
0x7a: {  	_ =	shalt  }
0x7b: {  	_ =	shalt  }
0x7c: {  	_ =	shalt  }
0x7d: {  	_ =	shalt  }
0x7e: {  	_ =	shalt  }
0x7f: {  	_ =	shalt  }
0x80: {  	_ =	shalt  }
0x81: {  	_ =	shalt  }
0x82: {  	_ =	shalt  }
0x83: {  	_ =	shalt  }
0x84: {  	_ =	shalt  }
0x85: {  	_ =	shalt  }
0x86: {  	_ =	shalt  }
0x87: {  	_ =	shalt  }
.Lfunc_end0:
.L_simem_size_0:
called_computation_lowered:
.L_overlay_start_0:
0x88: {  	s2 =	sld [smem:$0x3FD9]  }
0x89: {  	s3 =	sld [smem:$0x3FFE];
	_ =	sdelay $0x1  }
0x8a: {  	s1 =	srdreg.scid  }
0x8b: {  	s0 =	sand.u32 $0x1, s1  }
0x8c: {  	s17 =	sshll.u32 s0, $0xA;
	s2 =	sadd.s32 s3, s2  }
0x8d: {  	s2 =	sadd.s32 s2, s17  }
0x8e: {  	[smem:$0x3FC0] =	sst s2  }
0x8f: {  	_ = 	snop  }
0x90: {  	s2 =	sld [smem:$0x3FD0];
	(tm) =	ssettm $0x1  }
0x91: {  	s18 =	sld [smem:$0x3FFB];
	_ =	sdelay $0x3  }
0x92: {  	_ =	strace s18  }
0x93: {  	s3 =	sld [smem:$0x3FFC];
	_ =	sdelay $0x3  }
0x94: {  	_ =	strace s3  }
0x95: {  	s3 =	sld [smem:$0x3FFD];
	_ =	sdelay $0x3  }
0x96: {  	_ =	strace s3  }
0x97: {  	_ =	strace $0x8FFFFFFF  }
0x98: {  	s19 =	sld [smem:$0x3FDB];
	_ =	sdelay $0x1  }
0x99: {  	s4 =	simm.s32 $_scs_section_size  }
0x9a: {  	s5 =	simm.s32 $_size__tile_overlayer_lowered;
	s6 =	simm.s32 $_tile_overlayer_lowered  }
0x9b: {  	s22 =	simm.s32 $0x1BFF;
	s21 =	sshll.u32 s6, $0x1;
	s3 =	sadd.s32 s4, s19  }
0x9c: {  	s7 =	simm.s32 $0x0;
	s20 =	sshll.u32 s5, $0x1;
	s5 =	sadd.s32 s21, s3  }
0x9d: {  	[timem:s7], [sflag:s22] =	dma.local [hbm:s5], s20  }
0x9e: {  	_ =	swait.ge [sflag:s22], s20  }
0x9f: {  	s4 =	ssub.s32 $0x0, s20;
	[sflag:s22] =	ssyncset.done $0x0  }
0xa0: {  	[sflag:s22] =	ssyncadd.s32 s4;
	_ =	sdelay $0x1  }
0xa1: {  	s23 =	simm.s32 $0x1B8B  }
0xa2: {  	_ =	swait.ge [sflag:s23], $0x1  }
0xa3: {  	[sflag:s23] =	ssyncset.done $0x0  }
0xa4: {  	s25 =	simm.s32 $0x1B8E;
	s24 =	sld [smem:$0x3FFE];
	[sflag:s23] =	ssyncadd.s32 $0xFFFFFFFF  }
0xa5: {  	s26 =	simm.s32 $execute0_lowered;
	[smem:$0x3FD2] =	sst s25  }
0xa6: {  	s5 =	sshll.u32 s26, $0x1;
	_ =	strace $0x80000046;
	[dreg:$0x1] =	wrdreg $0xFFFFFFFF  }
0xa7: {  	s28 =	simm.s32 $_size_execute0_lowered;
	s3 =	sadd.s32 s3, s5;
	[dreg:$0x0] =	wrdreg $0x0  }
0xa8: {  	s5 =	sshll.u32 s28, $0x1;
	[dreg:$0x2] =	wrdreg s3  }
0xa9: {  	[dreg:$0x3] =	wrdreg s5  }
0xaa: {  	[dreg:$0x4] =	wrdreg $0xC0  }
0xab: {  	_ =	task [dreg:s7], $0x5FFFF  }
0xac: {  	[dreg:$0x1] =	wrdreg $0xFFFFFFFF  }
0xad: {  	[dreg:$0x0] =	wrdreg $0x60  }
0xae: {  	[dreg:$0x2] =	wrdreg s24  }
0xaf: {  	[dreg:$0x3] =	wrdreg s2  }
0xb0: {  	[dreg:$0x4] =	wrdreg $0x43000  }
0xb1: {  	[dreg:$0x5] =	wrdreg $0x9  }
0xb2: {  	_ =	task.clear_ibuf [dreg:s7], $0x6FFFF;
	_ =	strace $0x90000046  }
0xb3: {  	s29 =	simm.s32 $0x9;
	_ =	strace $0x80000048  }
0xb4: {  	_ =	swait.ge [sflag:s29], $0x1  }
0xb5: {  	[sflag:s29] =	ssyncadd.s32 $0xFFFFFFFF  }
0xb6: {  	_ =	strace $0x90000048  }
0xb7: {  	_ =	sfence  }
0xb8: {  	s30 =	sld [smem:$0x0];
	_ =	sdelay $0x2  }
0xb9: {  	s31 =	sshll.u32 s1, $0xD;
	s1 =	sshrl.u32 s1, $0x2  }
0xba: {  	s3 =	sand.u32 $0x4000, s31;
	s1 =	sadd.s32 s1, s30  }
0xbb: {  	s0 =	sor.u32 s3, s0;
	s1 =	sshll.u32 s1, $0x11  }
0xbc: {  	s0 =	sor.u32 s1, s0  }
0xbd: {  	s0 =	sadd.s32 $0x8F2B, s0  }
0xbe: {  	[sflag:s0] =	ssyncadd.remote.s32 $0x1  }
0xbf: {  	_ =	sfence.sel $0xFFFF  }
0xc0: {  	[dreg:$0x0] =	wrdreg $0xFFFFFFFF;
	(pc) =	sbr.abs _section_cstart, $3  }
0xc1: {  	[dreg:$0x1] =	wrdreg $0xFFFFFFFF  }
0xc2: {  	_ =	task.clear_ibuf [dreg:s7], $0x2FFFF;
	_ =	strace $0x9FFFFFFF  }
0xc3: {  	(tm) =	ssettm $0x7FFFFFFF  }
tec
execute0_lowered:
.L_overlay_start_1:
0x0: {  	(tag) =	ssettag $0x1  }
0x1: {  	s4 =	rddreg [dreg:$0x0]  }
0x2: {  	s6 =	rddreg [dreg:$0x1]  }
0x3: {  	s1 =	rddreg [dreg:$0x2]  }
0x4: {  	s0 =	rddreg [dreg:$0x3];
	s3 =	simm.s32 $0x0;
	s2 =	srdreg.scid  }
0x5: {  	s12 =	simm.s32 $0x80;
	s13 =	simm.s32 $0x100;
	s14 =	simm.s32 $0x180  }
0x6: {  	s15 =	simm.s32 $0x200;
	s16 =	simm.s32 $0x280;
	s17 =	simm.s32 $0x300  }
0x7: {  	s18 =	simm.s32 $0x380;
	s19 =	simm.s32 $0x1;
	s22 =	simm.s32 $0x20  }
0x8: {  	s23 =	simm.s32 $0x10;
	s24 =	simm.s32 $0x0;
	[smem:$0x7FF] =	sst s3  }
0x9: {  	s5 =	sand.u32 $0x1, s2;
	s2 =	stileid.u32;
	_ =	strace $0x80000047  }
0xa: {  	s7 =	ssub.s32 $0x2, s5;
	s8 =	smul.u32 $0xA00, s2;
	s9 =	sshll.u32 s5, $0xB  }
0xb: {  	s11 =	smul.u32 $0x500, s2;
	s25 =	sshll.u32 s5, $0x7;
	s28 =	sshll.u32 s2, $0xC  }
0xc: {  	s20 =	sshll.u32 s2, $0x6;
	s10 =	sshrl.u32 s7, $0x1;
	s9 =	sadd.s32 s9, s4  }
0xd: {  	s20 =	sor.u32 $0x1C02, s20;
	s7 =	ssub.s32 s7, s10;
	s26 =	sshrl.u32 s8, $0x2  }
0xe: {  	s29 =	sor.u32 s25, s11;
	s30 =	sadd.s32 s28, s9;
	s8 =	simm.s32 $0x4080  }
0xf: {  	s9 =	simm.s32 $0x2;
	s10 =	simm.s32 $0x50;
	s11 =	simm.s32 $0x4000  }
0x10: {  	s4 =	sadd.s32 s26, s1;
	s31 =	sshrl.u32 s29, $0x3;
	s5 =	sadd.s32 $0x16600, s30  }
0x11: {  	v0 =	vimm.f32 $1.000000000e+00;
	v1 =	vimm.f32 $0.0e+00;
	s7 =	smax.u32 s7, $0x1;
	s6 =	sadd.s32 s6, s31;
	s21 =	sshrl.u32 s4, $0x3  }
.LBB2_1:
0x12: {  	[tilespmem:$0x4000] =	vst v0  }
0x13: {  	[tilespmem:$0x4010] =	vst v0  }
0x14: {  	[tilespmem:$0x4020] =	vst v0  }
0x15: {  	[tilespmem:$0x4030] =	vst v0  }
0x16: {  	[tilespmem:$0x4040] =	vst v0  }
0x17: {  	[tilespmem:$0x4080] =	vst v1  }
0x18: {  	[tilespmem:$0x4090] =	vst v1  }
0x19: {  	[tilespmem:$0x40A0] =	vst v1  }
0x1a: {  	[tilespmem:$0x40B0] =	vst v1  }
0x1b: {  	[tilespmem:$0x40C0] =	vst v1  }
0x1c: {  	[tilespmem:$0x40D0] =	vst v1  }
0x1d: {  	[tilespmem:$0x40E0] =	vst v1  }
0x1e: {  	[tilespmem:$0x40F0] =	vst v1  }
0x1f: {  	[tilespmem:$0x4100] =	vst v1  }
0x20: {  	[tilespmem:$0x4110] =	vst v1  }
0x21: {  	[tilespmem:$0x4120] =	vst v1  }
0x22: {  	[tilespmem:$0x4130] =	vst v1  }
0x23: {  	[tilespmem:$0x4140] =	vst v1  }
0x24: {  	[tilespmem:$0x4150] =	vst v1  }
0x25: {  	[tilespmem:$0x4160] =	vst v1  }
0x26: {  	[tilespmem:$0x4170] =	vst v1  }
0x27: {  	[tilespmem:$0x4180] =	vst v1  }
0x28: {  	[tilespmem:$0x4190] =	vst v1  }
0x29: {  	[tilespmem:$0x41A0] =	vst v1  }
0x2a: {  	[tilespmem:$0x41B0] =	vst v1  }
0x2b: {  	[tilespmem:$0x41C0] =	vst v1  }
0x2c: {  	[tilespmem:$0x41D0] =	vst v1  }
0x2d: {  	[tilespmem:$0x41E0] =	vst v1  }
0x2e: {  	[tilespmem:$0x41F0] =	vst v1  }
0x2f: {  	[tilespmem:$0x4200] =	vst v1  }
0x30: {  	[tilespmem:$0x4210] =	vst v1  }
0x31: {  	[tilespmem:$0x4220] =	vst v1  }
0x32: {  	[tilespmem:$0x4230] =	vst v1  }
0x33: {  	[tilespmem:$0x4240] =	vst v1  }
0x34: {  	[tilespmem:$0x4250] =	vst v1  }
0x35: {  	[tilespmem:$0x4260] =	vst v1  }
0x36: {  	[tilespmem:$0x4270] =	vst v1  }
0x37: {  	[tilespmem:$0x4280] =	vst v1  }
0x38: {  	[tilespmem:$0x4290] =	vst v1  }
0x39: {  	[tilespmem:$0x42A0] =	vst v1  }
0x3a: {  	[tilespmem:$0x42B0] =	vst v1  }
0x3b: {  	[tilespmem:$0x42C0] =	vst v1  }
0x3c: {  	[tilespmem:$0x42D0] =	vst v1  }
0x3d: {  	[tilespmem:$0x42E0] =	vst v1  }
0x3e: {  	[tilespmem:$0x42F0] =	vst v1  }
0x3f: {  	[spmem:s4] =	stream.linear.scatter [tilespmem:s8], [sflag:$0x2], $0x280, $0x38;
	[tilespmem:$0x4580] =	vst v63  }
0x40: {  	_ =	swait.ge [sflag:s9], $0x280  }
0x41: {  	[sflag:s9] =	ssyncset.done $0x0  }
0x42: {  	[sflag:s9] =	ssyncadd.s32 $0xFFFFFD80  }
0x43: {  	[tilespmem:s3], [sflag:$0x2] =	stream.linear.gather [hbm4b:s5+s3], $0x3E80, $0x38;
	[tilespmem:$0x4580] =	vst v63  }
0x44: {  	_ =	swait.ge [sflag:s9], $0x3E80  }
0x45: {  	[sflag:s9] =	ssyncset.done $0x0  }
0x46: {  	[sflag:s9] =	ssyncadd.s32 $0xFFFFC180  }
0x47: {  	[bflag:$0x0] =	sbarrier.arrive $0xFFFF  }
0x48: {  	[spmem:s1] =	stream.indirect.scatter.add.f32 [tilespmem:s11], [sflag:$0x1], $0x1, s3, s10, $0xb8;
	[tilespmem:$0x4580] =	vst v63  }
0x49: {  	_ = 	snop  }
0x4a: {  	[spmem:s1] =	stream.indirect.scatter.add.f32 [tilespmem:s11], [sflag:$0x1], $0x1, s12, s10, $0xb8;
	[tilespmem:$0x4580] =	vst v63  }
0x4b: {  	_ = 	snop  }
0x4c: {  	[spmem:s1] =	stream.indirect.scatter.add.f32 [tilespmem:s11], [sflag:$0x1], $0x1, s13, s10, $0xb8;
	[tilespmem:$0x4580] =	vst v63  }
0x4d: {  	_ = 	snop  }
0x4e: {  	[spmem:s1] =	stream.indirect.scatter.add.f32 [tilespmem:s11], [sflag:$0x1], $0x1, s14, s10, $0xb8;
	[tilespmem:$0x4580] =	vst v63  }
0x4f: {  	_ = 	snop  }
0x50: {  	[spmem:s1] =	stream.indirect.scatter.add.f32 [tilespmem:s11], [sflag:$0x1], $0x1, s15, s10, $0xb8;
	[tilespmem:$0x4580] =	vst v63  }
0x51: {  	_ = 	snop  }
0x52: {  	[spmem:s1] =	stream.indirect.scatter.add.f32 [tilespmem:s11], [sflag:$0x1], $0x1, s16, s10, $0xb8;
	[tilespmem:$0x4580] =	vst v63  }
0x53: {  	_ = 	snop  }
0x54: {  	[spmem:s1] =	stream.indirect.scatter.add.f32 [tilespmem:s11], [sflag:$0x1], $0x1, s17, s10, $0xb8;
	[tilespmem:$0x4580] =	vst v63  }
0x55: {  	_ = 	snop  }
0x56: {  	[spmem:s1] =	stream.indirect.scatter.add.f32 [tilespmem:s11], [sflag:$0x1], $0x1, s18, s10, $0xb8;
	[tilespmem:$0x4580] =	vst v63  }
0x57: {  	_ =	swait.ge [sflag:s19], $0x50  }
0x58: {  	[sflag:s19] =	ssyncset.done $0x0  }
0x59: {  	s25 =	simm.s32 $0x1200;
	s26 =	simm.s32 $0x400;
	[sflag:s19] =	ssyncadd.s32 $0xFFFFFFB0  }
.LBB2_2:
0x5a: {  	[spmem:s1] =	stream.indirect.scatter.add.f32 [tilespmem:s11], [sflag:$0x1], $0x1, s26, s10, $0xb8;
	[tilespmem:$0x4580] =	vst v63  }
0x5b: {  	s26 =	smov.u32 s25;
	p0 =	sne.s32 s25, $0xF800  }
.Ltmp0:
0x5c: {  	s25 =	sadd.s32 $0x200, s25;
	(pc) =	sbr.rel @p0 .LBB2_2-.Ltmp0, $4  }
0x5d: {  	_ = 	snop  }
0x5e: {  	_ =	swait.ge [sflag:s19], $0x50  }
0x5f: {  	[sflag:s19] =	ssyncset.done $0x0  }
0x60: {  	s26 =	sshra.s32 s26, $0x2;
	[sflag:s19] =	ssyncadd.s32 $0xFFFFFFB0  }
0x61: {  	[spmem:s1] =	stream.indirect.scatter.add.f32 [tilespmem:s11], [sflag:$0x1], $0x1, s26, s10, $0xb8;
	[tilespmem:$0x4580] =	vst v63  }
0x62: {  	_ =	swait.ge [sflag:s19], $0x50  }
0x63: {  	[sflag:s19] =	ssyncset.done $0x0  }
0x64: {  	[sflag:s19] =	ssyncadd.s32 $0xFFFFFFB0  }
0x65: {  	_ =	swait.ge [sflag:s19], $0x50  }
0x66: {  	[sflag:s19] =	ssyncset.done $0x0  }
0x67: {  	[sflag:s19] =	ssyncadd.s32 $0xFFFFFFB0  }
0x68: {  	_ =	swait.ge [sflag:s19], $0x50  }
0x69: {  	[sflag:s19] =	ssyncset.done $0x0  }
0x6a: {  	[sflag:s19] =	ssyncadd.s32 $0xFFFFFFB0  }
0x6b: {  	_ =	swait.ge [sflag:s19], $0x50  }
0x6c: {  	[sflag:s19] =	ssyncset.done $0x0  }
0x6d: {  	[sflag:s19] =	ssyncadd.s32 $0xFFFFFFB0  }
0x6e: {  	_ =	swait.ge [sflag:s19], $0x50  }
0x6f: {  	[sflag:s19] =	ssyncset.done $0x0  }
0x70: {  	[sflag:s19] =	ssyncadd.s32 $0xFFFFFFB0  }
0x71: {  	_ =	swait.ge [sflag:s19], $0x50  }
0x72: {  	[sflag:s19] =	ssyncset.done $0x0  }
0x73: {  	[sflag:s19] =	ssyncadd.s32 $0xFFFFFFB0  }
0x74: {  	_ =	swait.ge [sflag:s19], $0x50  }
0x75: {  	[sflag:s19] =	ssyncset.done $0x0  }
0x76: {  	[sflag:s19] =	ssyncadd.s32 $0xFFFFFFB0  }
0x77: {  	_ =	swait.ge [sflag:s19], $0x50  }
0x78: {  	s24 =	sadd.s32 $0x1, s24;
	[sflag:s19] =	ssyncset.done $0x0  }
0x79: {  	p0 =	sne.s32 s24, s7;
	[sflag:s19] =	ssyncadd.s32 $0xFFFFFFB0  }
.Ltmp1:
0x7a: {  	[bflag:$0x0] =	sbarrier.arrive $0xFFFF;
	(pc) =	sbr.rel @p0 .LBB2_1-.Ltmp1, $4  }
0x7b: {  	[hbm:s6@s22], [sflag:s20] =	dma.strided [spmem:s21@s23], $0x50, s19, $0x10   }
0x7c: {  	_ =	swait.ge [sflag:s9], $0x50  }
0x7d: {  	[sflag:s9] =	ssyncset.done $0x0  }
0x7e: {  	[sflag:s9] =	ssyncadd.s32 $0xFFFFFFB0  }
0x7f: {  	_ =	sfence.sel $0x180000  }
0x80: {  	[bflag:$0x0] =	sbarrier.arrive $0xFFFF  }
0x81: {  	p0 =	sne.s32 s2, $0x0;
	_ =	strace $0x90000047  }
0x82: {  	s0 =	sadd.s32 @!p0 $0x100000, s0;
	[bflag:$0x2] =	sbarrier.arrive $0xFFFF  }
0x83: {  	[sflag:s0] =	ssyncadd.tile.s32 @!p0 $0x1;
	_ =	shalt  }
.Lfunc_end2:
_tile_overlayer_lowered:
.L_overlay_start_2:
0x84: {  	(tag) =	ssettag $0x2  }
0x85: {  	s0 =	rddreg [dreg:$0x0];
	s2 =	stileid.u32  }
0x86: {  	s1 =	rddreg [dreg:$0x1];
	p0 =	sne.s32 s2, $0x0  }
0x87: {  	s3 =	rddreg [dreg:$0x2];
	[bflag:$0x3] =	sbarrier.arrive $0xFFFF;
	s2 =	simm.s32 @!p0 $0x1C02  }
0x88: {  	[timem:s3], [sflag:s2] =	dma.local @!p0 [hbm:s0], s1  }
0x89: {  	s0 =	simm.s32 @!p0 $0x2  }
0x8a: {  	_ =	swait.ge @!p0 [sflag:s0], s1  }
0x8b: {  	s1 =	ssub.s32 @!p0 $0x0, s1;
	[sflag:s0] =	ssyncset.done @!p0 $0x0  }
0x8c: {  	[sflag:s0] =	ssyncadd.s32 @!p0 s1  }
0x8d: {  	[bflag:$0x3] =	sbarrier.arrive $0xFFFF  }
0x8e: {  	_ =	shalt  }

</sc_bundles>
